<compile_context>
chip_gen: v7x
topology: tpu7x:2x2x1
jax: 0.10.2.dev20260603
libtpu: 0.0.44.dev20260713+nightly
codegen_flags: <defaults>
</compile_context>

<pallas_src>
import jax
import jax.numpy as jnp
from jax import lax
from jax.experimental import pallas as pl
from jax.experimental.pallas import tpu as pltpu
from jax.experimental.pallas import tpu_sc as plsc

VOCAB = 1000000
EMBED = 32
ROWS = 4096
COLS = 200
TOTAL = ROWS * COLS

NC = 2
NS = 16
NW = NC * NS
BPW = ROWS // NW
PER_W = BPW * COLS
G = 4
NG = COLS // G


def _embed_body(idx_hbm, table_hbm, out_hbm, idx_v, tk_v, gb_v, tb_v, gsem, ssem):
    c = lax.axis_index("c")
    s = lax.axis_index("s")
    wid = s * NC + c
    ibase = wid * PER_W

    pltpu.sync_copy(idx_hbm.at[pl.ds(ibase, PER_W)], idx_v)

    iota = lax.iota(jnp.int32, 16)
    vstride = iota * COLS
    iota32 = iota * EMBED

    def compact(g, b):
        @plsc.parallel_loop(0, G * (BPW // 16), unroll=4)
        def _(m):
            j = m >> 3
            blk = m & 7
            av = vstride + (blk * 16 * COLS) + (g * G + j)
            tk_v[b, pl.ds(j * BPW + blk * 16, 16)] = plsc.load_gather(idx_v, [av])

    def gather_desc(b):
        return pltpu.make_async_copy(table_hbm.at[tk_v.at[b]], gb_v.at[b], gsem.at[b])

    rbase = iota >> 3
    midv = iota & 7

    def transpose(b):
        @plsc.parallel_loop(0, G * BPW, unroll=4)
        def _(k):
            j = k >> 7
            kk = k & 127
            x0 = gb_v[b, k, pl.ds(0, 16)]
            x1 = gb_v[b, k, pl.ds(16, 16)]
            rowv = rbase + (j * 4)
            colv = jnp.full((16,), 0, dtype=jnp.int32) + kk
            plsc.store_scatter(tb_v.at[b], [rowv, midv, colv], x0)
            plsc.store_scatter(tb_v.at[b], [rowv + 2, midv, colv], x1)

    def store_desc(g, b):
        return pltpu.make_async_copy(
            tb_v.at[b, :, :, pl.ds(0, 128)],
            out_hbm.at[pl.ds(g * G * 4, G * 4), pl.ds(wid * 8, 8), :],
            ssem.at[b],
        )

    compact(0, 0)
    gather_desc(0).start()
    compact(1, 1)
    gather_desc(1).start()
    gather_desc(0).wait()
    transpose(0)
    store_desc(0, 0).start()
    compact(2, 0)
    gather_desc(0).start()
    gather_desc(1).wait()
    transpose(1)
    store_desc(1, 1).start()

    def steady(o, carry):
        g0 = 2 * o
        compact(g0 + 1, 1)
        gather_desc(1).start()
        gather_desc(0).wait()
        transpose(0)
        store_desc(g0 - 2, 0).wait()
        store_desc(g0, 0).start()
        compact(g0 + 2, 0)
        gather_desc(0).start()
        gather_desc(1).wait()
        transpose(1)
        store_desc(g0 - 1, 1).wait()
        store_desc(g0 + 1, 1).start()
        return carry

    lax.fori_loop(1, NG // 2 - 1, steady, 0)

    compact(NG - 1, 1)
    gather_desc(1).start()
    gather_desc(0).wait()
    transpose(0)
    store_desc(NG - 4, 0).wait()
    store_desc(NG - 2, 0).start()
    gather_desc(1).wait()
    transpose(1)
    store_desc(NG - 3, 1).wait()
    store_desc(NG - 1, 1).start()
    store_desc(NG - 2, 0).wait()
    store_desc(NG - 1, 1).wait()


@jax.jit
def _embed(idx_flat, weight):
    mesh = plsc.VectorSubcoreMesh(core_axis_name="c", subcore_axis_name="s")
    return pl.kernel(
        _embed_body,
        mesh=mesh,
        out_type=jax.ShapeDtypeStruct((COLS * 4, NW * 8, 128), jnp.float32),
        scratch_types=[
            pltpu.VMEM((PER_W,), jnp.int32),
            pltpu.VMEM((2, G * BPW), jnp.int32),
            pltpu.VMEM((2, G * BPW, EMBED), jnp.float32),
            pltpu.VMEM((2, G * 4, 8, 129), jnp.float32),
            pltpu.SemaphoreType.DMA((2,)),
            pltpu.SemaphoreType.DMA((2,)),
        ],
        compiler_params=pltpu.CompilerParams(
            use_tc_tiling_on_sc=False, needs_layout_passes=False
        ),
    )(idx_flat, weight)


def kernel(seq, weight):
    idx_flat = seq.reshape(TOTAL).astype(jnp.int32)
    out2 = _embed(idx_flat, weight)
    return (
        out2.reshape(COLS, 4, 32, 8, 128)
        .transpose(2, 4, 0, 1, 3)
        .reshape(ROWS, COLS, EMBED)
    )

# --- scband reference (transcript-rebuilt; emitter-appended) ---
"""Pipeline reference for scband-token-embedder-36971078484184 (READ-ONLY COPY).

The authoritative reference and input builder live on the scoring server;
editing this copy changes nothing except your own understanding.
"""

import jax, jax.numpy as jnp
import numpy as np

VOCAB = 1000000
EMBED = 32

def setup_inputs(seed: int = 0) -> dict:
    key = jax.random.key(seed)
    k_idx, k_w = jax.random.split(key)
    seq = jax.random.randint(k_idx, (4096, 200), 0, VOCAB, dtype=jnp.int64)
    weight = jax.random.normal(k_w, (VOCAB, EMBED), dtype=jnp.float32)
    # padding_idx=0 -> row 0 zeroed at init (matches nn.Embedding padding_idx)
    weight = weight.at[0].set(0.0)
    return {"seq": seq, "weight": weight}

def reference(seq, weight):
    # nn.Embedding forward: simple gather of rows
    return jnp.take(weight, seq, axis=0)

if __name__ == "__main__":
    import jax
    _d = setup_inputs()
    print(jax.jit(kernel)(*tuple(_d.values())))

</pallas_src>

<mosaic_0001>
#map = affine_map<(d0, d1) -> (0)>
#map1 = affine_map<(d0, d1) -> (0, 0)>
#map2 = affine_map<(d0, d1) -> (0, 0, 0)>
module attributes {stable_mosaic.version = 14 : i64} {
  func.func @_embed_body(%arg0: i32, %arg1: i32, %arg2: memref<819200xi32, #tpu.memory_space<hbm>>, %arg3: memref<1000000x32xf32, #tpu.memory_space<hbm>>, %arg4: memref<800x256x128xf32, #tpu.memory_space<hbm>>, %arg5: memref<25600xi32, #tpu.memory_space<vmem>>, %arg6: memref<2x512xi32, #tpu.memory_space<vmem>>, %arg7: memref<2x512x32xf32, #tpu.memory_space<vmem>>, %arg8: memref<2x16x8x129xf32, #tpu.memory_space<vmem>>, %arg9: memref<2x!tpu.dma_semaphore, #tpu.memory_space<semaphore_mem>>, %arg10: memref<2x!tpu.dma_semaphore, #tpu.memory_space<semaphore_mem>>) attributes {dimension_semantics = [#tpu.dimension_semantics<core_parallel>, #tpu.dimension_semantics<subcore_parallel>], iteration_bounds = array<i64: 2, 16>, scalar_prefetch = 0 : i64, scratch_operands = 6 : i64, tpu.core_type = #tpu.core_type<sc_vector_subcore>, window_params = [{transform_indices = #map}, {transform_indices = #map1}, {transform_indices = #map2}]} {
    %mul3A = arith.constant 2 : i32
    %mul3A_0 = arith.muli %arg1, %mul3A : i32
    %add3A = arith.addi %mul3A_0, %arg0 : i32
    %mul3A_1 = arith.constant 25600 : i32
    %mul3A_2 = arith.muli %add3A, %mul3A_1 : i32
    "tpu.region"() ({
      %run_scoped3A = tpu.sem_alloc : memref<!tpu.dma_semaphore, #tpu.memory_space<semaphore_mem>>
      %dma_start3A_335 = tpu.memref_slice %arg2[%mul3A_2] : memref<819200xi32, #tpu.memory_space<hbm>> -> memref<25600xi32, #tpu.memory_space<hbm>>
      %dma_start3A_336 = tpu.memref_slice %arg2[%mul3A_2] : memref<819200xi32, #tpu.memory_space<hbm>> -> memref<25600xi32, #tpu.memory_space<hbm>>
      tpu.enqueue_dma source(%dma_start3A_336 : memref<25600xi32, #tpu.memory_space<hbm>>) target(%arg5 : memref<25600xi32, #tpu.memory_space<vmem>>) target_semaphore(%run_scoped3A : memref<!tpu.dma_semaphore, #tpu.memory_space<semaphore_mem>>)
      %dma_wait3A_337 = tpu.memref_slice %arg2[%mul3A_2] : memref<819200xi32, #tpu.memory_space<hbm>> -> memref<25600xi32, #tpu.memory_space<hbm>>
      %dma_wait3A_338 = tpu.memref_slice %arg2[%mul3A_2] : memref<819200xi32, #tpu.memory_space<hbm>> -> memref<25600xi32, #tpu.memory_space<hbm>>
      tpu.wait_dma2 semaphore(%run_scoped3A : memref<!tpu.dma_semaphore, #tpu.memory_space<semaphore_mem>>) src(%dma_wait3A_338 : memref<25600xi32, #tpu.memory_space<hbm>>) dst(%arg5 : memref<25600xi32, #tpu.memory_space<vmem>>)
      tpu.yield
    }) : () -> ()
    %iota3A = tpu.iota {dimensions = array<i32: 0>} : vector<16xi32>
    %mul3A_3 = arith.constant 200 : i32
    %mul3A_4 = vector.broadcast %mul3A_3 : i32 to vector<16xi32>
    %mul3A_5 = arith.muli %iota3A, %mul3A_4 : vector<16xi32>
    %mul3A_6 = arith.constant 32 : i32
    %mul3A_7 = vector.broadcast %mul3A_6 : i32 to vector<16xi32>
    %mul3A_8 = arith.muli %iota3A, %mul3A_7 : vector<16xi32>
    %shift_right_arithmetic3A = arith.constant 3 : i32
    %shift_right_arithmetic3A_9 = vector.broadcast %shift_right_arithmetic3A : i32 to vector<16xi32>
    %shift_right_arithmetic3A_10 = arith.shrsi %iota3A, %shift_right_arithmetic3A_9 : vector<16xi32>
    %and3A = arith.constant 7 : i32
    %and3A_11 = vector.broadcast %and3A : i32 to vector<16xi32>
    %and3A_12 = arith.andi %iota3A, %and3A_11 : vector<16xi32>
    %parallel_loop3A = arith.constant 0 : i32
    %parallel_loop3A_13 = arith.constant 32 : i32
    %parallel_loop3A_14 = arith.constant 1 : i32
    scf.for %parallel_loop3A_335 = %parallel_loop3A to %parallel_loop3A_13 step %parallel_loop3A_14  : i32 {
      %parallel_loop3A_336 = arith.constant 3 : i32
      %parallel_loop3A_337 = arith.shrsi %parallel_loop3A_335, %parallel_loop3A_336 : i32
      %parallel_loop3A_338 = arith.constant 7 : i32
      %parallel_loop3A_339 = arith.andi %parallel_loop3A_335, %parallel_loop3A_338 : i32
      %parallel_loop3A_340 = arith.constant 16 : i32
      %parallel_loop3A_341 = arith.muli %parallel_loop3A_339, %parallel_loop3A_340 : i32
      %parallel_loop3A_342 = arith.constant 200 : i32
      %parallel_loop3A_343 = arith.muli %parallel_loop3A_341, %parallel_loop3A_342 : i32
      %parallel_loop3A_344 = vector.broadcast %parallel_loop3A_343 : i32 to vector<16xi32>
      %parallel_loop3A_345 = arith.addi %mul3A_5, %parallel_loop3A_344 : vector<16xi32>
      %parallel_loop3A_346 = arith.constant 0 : i32
      %parallel_loop3A_347 = arith.addi %parallel_loop3A_346, %parallel_loop3A_337 : i32
      %parallel_loop3A_348 = vector.broadcast %parallel_loop3A_347 : i32 to vector<16xi32>
      %parallel_loop3A_349 = arith.addi %parallel_loop3A_345, %parallel_loop3A_348 : vector<16xi32>
      %parallel_loop3A_350 = tpu.vector_load_idx %arg5[%parallel_loop3A_349] : memref<25600xi32, #tpu.memory_space<vmem>>[vector<16xi32>], vector<16xi32>,
      %parallel_loop3A_351 = arith.constant 128 : i32
      %parallel_loop3A_352 = arith.muli %parallel_loop3A_337, %parallel_loop3A_351 : i32
      %parallel_loop3A_353 = arith.constant 16 : i32
      %parallel_loop3A_354 = arith.muli %parallel_loop3A_339, %parallel_loop3A_353 : i32
      %parallel_loop3A_355 = arith.addi %parallel_loop3A_352, %parallel_loop3A_354 : i32
      %parallel_loop3A_356 = arith.constant 0 : i32
      %parallel_loop3A_357 = arith.index_cast %parallel_loop3A_356 : i32 to index
      %parallel_loop3A_358 = arith.index_cast %parallel_loop3A_355 : i32 to index
      %parallel_loop3A_359 = tpu.vector_load %arg6[%parallel_loop3A_357, %parallel_loop3A_358] {strides = array<i32>} : memref<2x512xi32, #tpu.memory_space<vmem>>, vector<16xi32>,
      tpu.vector_store %arg6[%parallel_loop3A_357, %parallel_loop3A_358], %parallel_loop3A_350 {strides = array<i32>} : memref<2x512xi32, #tpu.memory_space<vmem>>, vector<16xi32>,
    } {sc.loop_unroll_factor = 4 : i64, sc.parallel_access}
    %dma_start3A = arith.constant 0 : i32
    %dma_start3A_15 = arith.constant 0 : i32
    %dma_start3A_16 = arith.constant 0 : i32
    %dma_start3A_17 = arith.constant 0 : i32
    %dma_start3A_18 = arith.constant 0 : i32
    %dma_start3A_19 = tpu.memref_slice %arg7[%dma_start3A_15, %dma_start3A_17, %dma_start3A_18] : memref<2x512x32xf32, #tpu.memory_space<vmem>> -> memref<1x512x32xf32, #tpu.memory_space<vmem>>
    %dma_start3A_20 = tpu.memref_squeeze %dma_start3A_19 : memref<1x512x32xf32, #tpu.memory_space<vmem>> -> memref<512x32xf32, #tpu.memory_space<vmem>>
    %dma_start3A_21 = arith.constant 0 : i32
    %dma_start3A_22 = tpu.memref_slice %arg6[%dma_start3A, %dma_start3A_21] : memref<2x512xi32, #tpu.memory_space<vmem>> -> memref<1x512xi32, #tpu.memory_space<vmem>>
    %dma_start3A_23 = tpu.memref_squeeze %dma_start3A_22 : memref<1x512xi32, #tpu.memory_space<vmem>> -> memref<512xi32, #tpu.memory_space<vmem>>
    %dma_start3A_24 = arith.constant 0 : i32
    %dma_start3A_25 = arith.constant 0 : i32
    %dma_start3A_26 = tpu.memref_slice %arg3[%dma_start3A_24, %dma_start3A_25] : memref<1000000x32xf32, #tpu.memory_space<hbm>> -> memref<1000000x32xf32, #tpu.memory_space<hbm>>
    %dma_start3A_27 = tpu.memref_slice %arg9[%dma_start3A_16] : memref<2x!tpu.dma_semaphore, #tpu.memory_space<semaphore_mem>> -> memref<1x!tpu.dma_semaphore, #tpu.memory_space<semaphore_mem>>
    %dma_start3A_28 = tpu.memref_squeeze %dma_start3A_27 : memref<1x!tpu.dma_semaphore, #tpu.memory_space<semaphore_mem>> -> memref<!tpu.dma_semaphore, #tpu.memory_space<semaphore_mem>>
    tpu.enqueue_indirect_dma source(%dma_start3A_26 : memref<1000000x32xf32, #tpu.memory_space<hbm>>) target(%dma_start3A_20 : memref<512x32xf32, #tpu.memory_space<vmem>>) offsets(%dma_start3A_23 : memref<512xi32, #tpu.memory_space<vmem>>) semaphore(%dma_start3A_28 : memref<!tpu.dma_semaphore, #tpu.memory_space<semaphore_mem>>)
    %parallel_loop3A_29 = arith.constant 0 : i32
    %parallel_loop3A_30 = arith.constant 32 : i32
    %parallel_loop3A_31 = arith.constant 1 : i32
    scf.for %parallel_loop3A_335 = %parallel_loop3A_29 to %parallel_loop3A_30 step %parallel_loop3A_31  : i32 {
      %parallel_loop3A_336 = arith.constant 3 : i32
      %parallel_loop3A_337 = arith.shrsi %parallel_loop3A_335, %parallel_loop3A_336 : i32
      %parallel_loop3A_338 = arith.constant 7 : i32
      %parallel_loop3A_339 = arith.andi %parallel_loop3A_335, %parallel_loop3A_338 : i32
      %parallel_loop3A_340 = arith.constant 16 : i32
      %parallel_loop3A_341 = arith.muli %parallel_loop3A_339, %parallel_loop3A_340 : i32
      %parallel_loop3A_342 = arith.constant 200 : i32
      %parallel_loop3A_343 = arith.muli %parallel_loop3A_341, %parallel_loop3A_342 : i32
      %parallel_loop3A_344 = vector.broadcast %parallel_loop3A_343 : i32 to vector<16xi32>
      %parallel_loop3A_345 = arith.addi %mul3A_5, %parallel_loop3A_344 : vector<16xi32>
      %parallel_loop3A_346 = arith.constant 4 : i32
      %parallel_loop3A_347 = arith.addi %parallel_loop3A_346, %parallel_loop3A_337 : i32
      %parallel_loop3A_348 = vector.broadcast %parallel_loop3A_347 : i32 to vector<16xi32>
      %parallel_loop3A_349 = arith.addi %parallel_loop3A_345, %parallel_loop3A_348 : vector<16xi32>
      %parallel_loop3A_350 = tpu.vector_load_idx %arg5[%parallel_loop3A_349] : memref<25600xi32, #tpu.memory_space<vmem>>[vector<16xi32>], vector<16xi32>,
      %parallel_loop3A_351 = arith.constant 128 : i32
      %parallel_loop3A_352 = arith.muli %parallel_loop3A_337, %parallel_loop3A_351 : i32
      %parallel_loop3A_353 = arith.constant 16 : i32
      %parallel_loop3A_354 = arith.muli %parallel_loop3A_339, %parallel_loop3A_353 : i32
      %parallel_loop3A_355 = arith.addi %parallel_loop3A_352, %parallel_loop3A_354 : i32
      %parallel_loop3A_356 = arith.constant 1 : i32
      %parallel_loop3A_357 = arith.index_cast %parallel_loop3A_356 : i32 to index
      %parallel_loop3A_358 = arith.index_cast %parallel_loop3A_355 : i32 to index
      %parallel_loop3A_359 = tpu.vector_load %arg6[%parallel_loop3A_357, %parallel_loop3A_358] {strides = array<i32>} : memref<2x512xi32, #tpu.memory_space<vmem>>, vector<16xi32>,
      tpu.vector_store %arg6[%parallel_loop3A_357, %parallel_loop3A_358], %parallel_loop3A_350 {strides = array<i32>} : memref<2x512xi32, #tpu.memory_space<vmem>>, vector<16xi32>,
    } {sc.loop_unroll_factor = 4 : i64, sc.parallel_access}
    %dma_start3A_32 = arith.constant 1 : i32
    %dma_start3A_33 = arith.constant 1 : i32
    %dma_start3A_34 = arith.constant 1 : i32
    %dma_start3A_35 = arith.constant 0 : i32
    %dma_start3A_36 = arith.constant 0 : i32
    %dma_start3A_37 = tpu.memref_slice %arg7[%dma_start3A_33, %dma_start3A_35, %dma_start3A_36] : memref<2x512x32xf32, #tpu.memory_space<vmem>> -> memref<1x512x32xf32, #tpu.memory_space<vmem>>
    %dma_start3A_38 = tpu.memref_squeeze %dma_start3A_37 : memref<1x512x32xf32, #tpu.memory_space<vmem>> -> memref<512x32xf32, #tpu.memory_space<vmem>>
    %dma_start3A_39 = arith.constant 0 : i32
    %dma_start3A_40 = tpu.memref_slice %arg6[%dma_start3A_32, %dma_start3A_39] : memref<2x512xi32, #tpu.memory_space<vmem>> -> memref<1x512xi32, #tpu.memory_space<vmem>>
    %dma_start3A_41 = tpu.memref_squeeze %dma_start3A_40 : memref<1x512xi32, #tpu.memory_space<vmem>> -> memref<512xi32, #tpu.memory_space<vmem>>
    %dma_start3A_42 = arith.constant 0 : i32
    %dma_start3A_43 = arith.constant 0 : i32
    %dma_start3A_44 = tpu.memref_slice %arg3[%dma_start3A_42, %dma_start3A_43] : memref<1000000x32xf32, #tpu.memory_space<hbm>> -> memref<1000000x32xf32, #tpu.memory_space<hbm>>
    %dma_start3A_45 = tpu.memref_slice %arg9[%dma_start3A_34] : memref<2x!tpu.dma_semaphore, #tpu.memory_space<semaphore_mem>> -> memref<1x!tpu.dma_semaphore, #tpu.memory_space<semaphore_mem>>
    %dma_start3A_46 = tpu.memref_squeeze %dma_start3A_45 : memref<1x!tpu.dma_semaphore, #tpu.memory_space<semaphore_mem>> -> memref<!tpu.dma_semaphore, #tpu.memory_space<semaphore_mem>>
    tpu.enqueue_indirect_dma source(%dma_start3A_44 : memref<1000000x32xf32, #tpu.memory_space<hbm>>) target(%dma_start3A_38 : memref<512x32xf32, #tpu.memory_space<vmem>>) offsets(%dma_start3A_41 : memref<512xi32, #tpu.memory_space<vmem>>) semaphore(%dma_start3A_46 : memref<!tpu.dma_semaphore, #tpu.memory_space<semaphore_mem>>)
    %dma_wait3A = arith.constant 0 : i32
    %dma_wait3A_47 = arith.constant 0 : i32
    %dma_wait3A_48 = arith.constant 0 : i32
    %dma_wait3A_49 = arith.constant 0 : i32
    %dma_wait3A_50 = arith.constant 0 : i32
    %dma_wait3A_51 = tpu.memref_slice %arg7[%dma_wait3A_47, %dma_wait3A_49, %dma_wait3A_50] : memref<2x512x32xf32, #tpu.memory_space<vmem>> -> memref<1x512x32xf32, #tpu.memory_space<vmem>>
    %dma_wait3A_52 = tpu.memref_squeeze %dma_wait3A_51 : memref<1x512x32xf32, #tpu.memory_space<vmem>> -> memref<512x32xf32, #tpu.memory_space<vmem>>
    %dma_wait3A_53 = arith.constant 0 : i32
    %dma_wait3A_54 = tpu.memref_slice %arg6[%dma_wait3A, %dma_wait3A_53] : memref<2x512xi32, #tpu.memory_space<vmem>> -> memref<1x512xi32, #tpu.memory_space<vmem>>
    %dma_wait3A_55 = tpu.memref_squeeze %dma_wait3A_54 : memref<1x512xi32, #tpu.memory_space<vmem>> -> memref<512xi32, #tpu.memory_space<vmem>>
    %dma_wait3A_56 = arith.constant 0 : i32
    %dma_wait3A_57 = arith.constant 0 : i32
    %dma_wait3A_58 = tpu.memref_slice %arg3[%dma_wait3A_56, %dma_wait3A_57] : memref<1000000x32xf32, #tpu.memory_space<hbm>> -> memref<1000000x32xf32, #tpu.memory_space<hbm>>
    %dma_wait3A_59 = tpu.memref_slice %arg9[%dma_wait3A_48] : memref<2x!tpu.dma_semaphore, #tpu.memory_space<semaphore_mem>> -> memref<1x!tpu.dma_semaphore, #tpu.memory_space<semaphore_mem>>
    %dma_wait3A_60 = tpu.memref_squeeze %dma_wait3A_59 : memref<1x!tpu.dma_semaphore, #tpu.memory_space<semaphore_mem>> -> memref<!tpu.dma_semaphore, #tpu.memory_space<semaphore_mem>>
    tpu.wait_indirect_dma semaphore(%dma_wait3A_60 : memref<!tpu.dma_semaphore, #tpu.memory_space<semaphore_mem>>) src(%dma_wait3A_58 : memref<1000000x32xf32, #tpu.memory_space<hbm>>) dst(%dma_wait3A_52 : memref<512x32xf32, #tpu.memory_space<vmem>>)
    %parallel_loop3A_61 = arith.constant 0 : i32
    %parallel_loop3A_62 = arith.constant 512 : i32
    %parallel_loop3A_63 = arith.constant 1 : i32
    scf.for %parallel_loop3A_335 = %parallel_loop3A_61 to %parallel_loop3A_62 step %parallel_loop3A_63  : i32 {
      %parallel_loop3A_336 = arith.constant 7 : i32
      %parallel_loop3A_337 = arith.shrsi %parallel_loop3A_335, %parallel_loop3A_336 : i32
      %parallel_loop3A_338 = arith.constant 127 : i32
      %parallel_loop3A_339 = arith.andi %parallel_loop3A_335, %parallel_loop3A_338 : i32
      %parallel_loop3A_340 = arith.constant 0 : i32
      %parallel_loop3A_341 = arith.index_cast %parallel_loop3A_340 : i32 to index
      %parallel_loop3A_342 = arith.index_cast %parallel_loop3A_335 : i32 to index
      %parallel_loop3A_343 = arith.constant 0 : index
      %parallel_loop3A_344 = tpu.vector_load %arg7[%parallel_loop3A_341, %parallel_loop3A_342, %parallel_loop3A_343] {strides = array<i32>} : memref<2x512x32xf32, #tpu.memory_space<vmem>>, vector<16xf32>,
      %parallel_loop3A_345 = arith.constant 0 : i32
      %parallel_loop3A_346 = arith.index_cast %parallel_loop3A_345 : i32 to index
      %parallel_loop3A_347 = arith.index_cast %parallel_loop3A_335 : i32 to index
      %parallel_loop3A_348 = arith.constant 16 : index
      %parallel_loop3A_349 = tpu.vector_load %arg7[%parallel_loop3A_346, %parallel_loop3A_347, %parallel_loop3A_348] {strides = array<i32>} : memref<2x512x32xf32, #tpu.memory_space<vmem>>, vector<16xf32>,
      %parallel_loop3A_350 = arith.constant 4 : i32
      %parallel_loop3A_351 = arith.muli %parallel_loop3A_337, %parallel_loop3A_350 : i32
      %parallel_loop3A_352 = vector.broadcast %parallel_loop3A_351 : i32 to vector<16xi32>
      %parallel_loop3A_353 = arith.addi %shift_right_arithmetic3A_10, %parallel_loop3A_352 : vector<16xi32>
      %parallel_loop3A_354 = arith.constant 0 : i32
      %parallel_loop3A_355 = vector.broadcast %parallel_loop3A_354 : i32 to vector<16xi32>
      %parallel_loop3A_356 = vector.broadcast %parallel_loop3A_339 : i32 to vector<16xi32>
      %parallel_loop3A_357 = arith.addi %parallel_loop3A_355, %parallel_loop3A_356 : vector<16xi32>
      %parallel_loop3A_358 = arith.constant 0 : i32
      %parallel_loop3A_359 = arith.constant 0 : i32
      %parallel_loop3A_360 = arith.constant 0 : i32
      %parallel_loop3A_361 = arith.constant 0 : i32
      %parallel_loop3A_362 = tpu.memref_slice %arg8[%parallel_loop3A_358, %parallel_loop3A_359, %parallel_loop3A_360, %parallel_loop3A_361] : memref<2x16x8x129xf32, #tpu.memory_space<vmem>> -> memref<1x16x8x129xf32, #tpu.memory_space<vmem>>
      %parallel_loop3A_363 = tpu.memref_squeeze %parallel_loop3A_362 : memref<1x16x8x129xf32, #tpu.memory_space<vmem>> -> memref<16x8x129xf32, #tpu.memory_space<vmem>>
      tpu.vector_store_idx %parallel_loop3A_363[%parallel_loop3A_353, %and3A_12, %parallel_loop3A_357], %parallel_loop3A_344 : memref<16x8x129xf32, #tpu.memory_space<vmem>>[vector<16xi32>, vector<16xi32>, vector<16xi32>], vector<16xf32>,
      %parallel_loop3A_364 = arith.constant 2 : i32
      %parallel_loop3A_365 = vector.broadcast %parallel_loop3A_364 : i32 to vector<16xi32>
      %parallel_loop3A_366 = arith.addi %parallel_loop3A_353, %parallel_loop3A_365 : vector<16xi32>
      %parallel_loop3A_367 = arith.constant 0 : i32
      %parallel_loop3A_368 = arith.constant 0 : i32
      %parallel_loop3A_369 = arith.constant 0 : i32
      %parallel_loop3A_370 = arith.constant 0 : i32
      %parallel_loop3A_371 = tpu.memref_slice %arg8[%parallel_loop3A_367, %parallel_loop3A_368, %parallel_loop3A_369, %parallel_loop3A_370] : memref<2x16x8x129xf32, #tpu.memory_space<vmem>> -> memref<1x16x8x129xf32, #tpu.memory_space<vmem>>
      %parallel_loop3A_372 = tpu.memref_squeeze %parallel_loop3A_371 : memref<1x16x8x129xf32, #tpu.memory_space<vmem>> -> memref<16x8x129xf32, #tpu.memory_space<vmem>>
      tpu.vector_store_idx %parallel_loop3A_372[%parallel_loop3A_366, %and3A_12, %parallel_loop3A_357], %parallel_loop3A_349 : memref<16x8x129xf32, #tpu.memory_space<vmem>>[vector<16xi32>, vector<16xi32>, vector<16xi32>], vector<16xf32>,
    } {sc.loop_unroll_factor = 4 : i64, sc.parallel_access}
    %mul3A_64 = arith.constant 8 : i32
    %mul3A_65 = arith.muli %add3A, %mul3A_64 : i32
    %dma_start3A_66 = arith.constant 0 : i32
    %dma_start3A_67 = arith.constant 0 : i32
    %dma_start3A_68 = arith.constant 0 : i32
    %dma_start3A_69 = arith.constant 0 : i32
    %dma_start3A_70 = arith.constant 0 : i32
    %dma_start3A_71 = tpu.memref_slice %arg8[%dma_start3A_66, %dma_start3A_68, %dma_start3A_69, %dma_start3A_70] : memref<2x16x8x129xf32, #tpu.memory_space<vmem>> -> memref<1x16x8x128xf32, #tpu.memory_space<vmem>>
    %dma_start3A_72 = tpu.memref_squeeze %dma_start3A_71 : memref<1x16x8x128xf32, #tpu.memory_space<vmem>> -> memref<16x8x128xf32, #tpu.memory_space<vmem>>
    %dma_start3A_73 = arith.constant 0 : i32
    %dma_start3A_74 = arith.constant 0 : i32
    %dma_start3A_75 = tpu.memref_slice %arg4[%dma_start3A_73, %mul3A_65, %dma_start3A_74] : memref<800x256x128xf32, #tpu.memory_space<hbm>> -> memref<16x8x128xf32, #tpu.memory_space<hbm>>
    %dma_start3A_76 = tpu.memref_slice %arg10[%dma_start3A_67] : memref<2x!tpu.dma_semaphore, #tpu.memory_space<semaphore_mem>> -> memref<1x!tpu.dma_semaphore, #tpu.memory_space<semaphore_mem>>
    %dma_start3A_77 = tpu.memref_squeeze %dma_start3A_76 : memref<1x!tpu.dma_semaphore, #tpu.memory_space<semaphore_mem>> -> memref<!tpu.dma_semaphore, #tpu.memory_space<semaphore_mem>>
    %dma_start3A_78 = arith.constant 0 : i32
    %dma_start3A_79 = arith.constant 0 : i32
    %dma_start3A_80 = tpu.memref_slice %arg4[%dma_start3A_78, %mul3A_65, %dma_start3A_79] : memref<800x256x128xf32, #tpu.memory_space<hbm>> -> memref<16x8x128xf32, #tpu.memory_space<hbm>>
    %dma_start3A_81 = arith.constant 0 : i32
    %dma_start3A_82 = arith.constant 0 : i32
    %dma_start3A_83 = arith.constant 0 : i32
    %dma_start3A_84 = tpu.memref_slice %arg8[%dma_start3A_66, %dma_start3A_81, %dma_start3A_82, %dma_start3A_83] : memref<2x16x8x129xf32, #tpu.memory_space<vmem>> -> memref<1x16x8x128xf32, #tpu.memory_space<vmem>>
    %dma_start3A_85 = tpu.memref_squeeze %dma_start3A_84 : memref<1x16x8x128xf32, #tpu.memory_space<vmem>> -> memref<16x8x128xf32, #tpu.memory_space<vmem>>
    tpu.enqueue_dma source(%dma_start3A_85 : memref<16x8x128xf32, #tpu.memory_space<vmem>>) target(%dma_start3A_80 : memref<16x8x128xf32, #tpu.memory_space<hbm>>) target_semaphore(%dma_start3A_77 : memref<!tpu.dma_semaphore, #tpu.memory_space<semaphore_mem>>)
    %parallel_loop3A_86 = arith.constant 0 : i32
    %parallel_loop3A_87 = arith.constant 32 : i32
    %parallel_loop3A_88 = arith.constant 1 : i32
    scf.for %parallel_loop3A_335 = %parallel_loop3A_86 to %parallel_loop3A_87 step %parallel_loop3A_88  : i32 {
      %parallel_loop3A_336 = arith.constant 3 : i32
      %parallel_loop3A_337 = arith.shrsi %parallel_loop3A_335, %parallel_loop3A_336 : i32
      %parallel_loop3A_338 = arith.constant 7 : i32
      %parallel_loop3A_339 = arith.andi %parallel_loop3A_335, %parallel_loop3A_338 : i32
      %parallel_loop3A_340 = arith.constant 16 : i32
      %parallel_loop3A_341 = arith.muli %parallel_loop3A_339, %parallel_loop3A_340 : i32
      %parallel_loop3A_342 = arith.constant 200 : i32
      %parallel_loop3A_343 = arith.muli %parallel_loop3A_341, %parallel_loop3A_342 : i32
      %parallel_loop3A_344 = vector.broadcast %parallel_loop3A_343 : i32 to vector<16xi32>
      %parallel_loop3A_345 = arith.addi %mul3A_5, %parallel_loop3A_344 : vector<16xi32>
      %parallel_loop3A_346 = arith.constant 8 : i32
      %parallel_loop3A_347 = arith.addi %parallel_loop3A_346, %parallel_loop3A_337 : i32
      %parallel_loop3A_348 = vector.broadcast %parallel_loop3A_347 : i32 to vector<16xi32>
      %parallel_loop3A_349 = arith.addi %parallel_loop3A_345, %parallel_loop3A_348 : vector<16xi32>
      %parallel_loop3A_350 = tpu.vector_load_idx %arg5[%parallel_loop3A_349] : memref<25600xi32, #tpu.memory_space<vmem>>[vector<16xi32>], vector<16xi32>,
      %parallel_loop3A_351 = arith.constant 128 : i32
      %parallel_loop3A_352 = arith.muli %parallel_loop3A_337, %parallel_loop3A_351 : i32
      %parallel_loop3A_353 = arith.constant 16 : i32
      %parallel_loop3A_354 = arith.muli %parallel_loop3A_339, %parallel_loop3A_353 : i32
      %parallel_loop3A_355 = arith.addi %parallel_loop3A_352, %parallel_loop3A_354 : i32
      %parallel_loop3A_356 = arith.constant 0 : i32
      %parallel_loop3A_357 = arith.index_cast %parallel_loop3A_356 : i32 to index
      %parallel_loop3A_358 = arith.index_cast %parallel_loop3A_355 : i32 to index
      %parallel_loop3A_359 = tpu.vector_load %arg6[%parallel_loop3A_357, %parallel_loop3A_358] {strides = array<i32>} : memref<2x512xi32, #tpu.memory_space<vmem>>, vector<16xi32>,
      tpu.vector_store %arg6[%parallel_loop3A_357, %parallel_loop3A_358], %parallel_loop3A_350 {strides = array<i32>} : memref<2x512xi32, #tpu.memory_space<vmem>>, vector<16xi32>,
    } {sc.loop_unroll_factor = 4 : i64, sc.parallel_access}
    %dma_start3A_89 = arith.constant 0 : i32
    %dma_start3A_90 = arith.constant 0 : i32
    %dma_start3A_91 = arith.constant 0 : i32
    %dma_start3A_92 = arith.constant 0 : i32
    %dma_start3A_93 = arith.constant 0 : i32
    %dma_start3A_94 = tpu.memref_slice %arg7[%dma_start3A_90, %dma_start3A_92, %dma_start3A_93] : memref<2x512x32xf32, #tpu.memory_space<vmem>> -> memref<1x512x32xf32, #tpu.memory_space<vmem>>
    %dma_start3A_95 = tpu.memref_squeeze %dma_start3A_94 : memref<1x512x32xf32, #tpu.memory_space<vmem>> -> memref<512x32xf32, #tpu.memory_space<vmem>>
    %dma_start3A_96 = arith.constant 0 : i32
    %dma_start3A_97 = tpu.memref_slice %arg6[%dma_start3A_89, %dma_start3A_96] : memref<2x512xi32, #tpu.memory_space<vmem>> -> memref<1x512xi32, #tpu.memory_space<vmem>>
    %dma_start3A_98 = tpu.memref_squeeze %dma_start3A_97 : memref<1x512xi32, #tpu.memory_space<vmem>> -> memref<512xi32, #tpu.memory_space<vmem>>
    %dma_start3A_99 = arith.constant 0 : i32
    %dma_start3A_100 = arith.constant 0 : i32
    %dma_start3A_101 = tpu.memref_slice %arg3[%dma_start3A_99, %dma_start3A_100] : memref<1000000x32xf32, #tpu.memory_space<hbm>> -> memref<1000000x32xf32, #tpu.memory_space<hbm>>
    %dma_start3A_102 = tpu.memref_slice %arg9[%dma_start3A_91] : memref<2x!tpu.dma_semaphore, #tpu.memory_space<semaphore_mem>> -> memref<1x!tpu.dma_semaphore, #tpu.memory_space<semaphore_mem>>
    %dma_start3A_103 = tpu.memref_squeeze %dma_start3A_102 : memref<1x!tpu.dma_semaphore, #tpu.memory_space<semaphore_mem>> -> memref<!tpu.dma_semaphore, #tpu.memory_space<semaphore_mem>>
    tpu.enqueue_indirect_dma source(%dma_start3A_101 : memref<1000000x32xf32, #tpu.memory_space<hbm>>) target(%dma_start3A_95 : memref<512x32xf32, #tpu.memory_space<vmem>>) offsets(%dma_start3A_98 : memref<512xi32, #tpu.memory_space<vmem>>) semaphore(%dma_start3A_103 : memref<!tpu.dma_semaphore, #tpu.memory_space<semaphore_mem>>)
    %dma_wait3A_104 = arith.constant 1 : i32
    %dma_wait3A_105 = arith.constant 1 : i32
    %dma_wait3A_106 = arith.constant 1 : i32
    %dma_wait3A_107 = arith.constant 0 : i32
    %dma_wait3A_108 = arith.constant 0 : i32
    %dma_wait3A_109 = tpu.memref_slice %arg7[%dma_wait3A_105, %dma_wait3A_107, %dma_wait3A_108] : memref<2x512x32xf32, #tpu.memory_space<vmem>> -> memref<1x512x32xf32, #tpu.memory_space<vmem>>
    %dma_wait3A_110 = tpu.memref_squeeze %dma_wait3A_109 : memref<1x512x32xf32, #tpu.memory_space<vmem>> -> memref<512x32xf32, #tpu.memory_space<vmem>>
    %dma_wait3A_111 = arith.constant 0 : i32
    %dma_wait3A_112 = tpu.memref_slice %arg6[%dma_wait3A_104, %dma_wait3A_111] : memref<2x512xi32, #tpu.memory_space<vmem>> -> memref<1x512xi32, #tpu.memory_space<vmem>>
    %dma_wait3A_113 = tpu.memref_squeeze %dma_wait3A_112 : memref<1x512xi32, #tpu.memory_space<vmem>> -> memref<512xi32, #tpu.memory_space<vmem>>
    %dma_wait3A_114 = arith.constant 0 : i32
    %dma_wait3A_115 = arith.constant 0 : i32
    %dma_wait3A_116 = tpu.memref_slice %arg3[%dma_wait3A_114, %dma_wait3A_115] : memref<1000000x32xf32, #tpu.memory_space<hbm>> -> memref<1000000x32xf32, #tpu.memory_space<hbm>>
    %dma_wait3A_117 = tpu.memref_slice %arg9[%dma_wait3A_106] : memref<2x!tpu.dma_semaphore, #tpu.memory_space<semaphore_mem>> -> memref<1x!tpu.dma_semaphore, #tpu.memory_space<semaphore_mem>>
    %dma_wait3A_118 = tpu.memref_squeeze %dma_wait3A_117 : memref<1x!tpu.dma_semaphore, #tpu.memory_space<semaphore_mem>> -> memref<!tpu.dma_semaphore, #tpu.memory_space<semaphore_mem>>
    tpu.wait_indirect_dma semaphore(%dma_wait3A_118 : memref<!tpu.dma_semaphore, #tpu.memory_space<semaphore_mem>>) src(%dma_wait3A_116 : memref<1000000x32xf32, #tpu.memory_space<hbm>>) dst(%dma_wait3A_110 : memref<512x32xf32, #tpu.memory_space<vmem>>)
    %parallel_loop3A_119 = arith.constant 0 : i32
    %parallel_loop3A_120 = arith.constant 512 : i32
    %parallel_loop3A_121 = arith.constant 1 : i32
    scf.for %parallel_loop3A_335 = %parallel_loop3A_119 to %parallel_loop3A_120 step %parallel_loop3A_121  : i32 {
      %parallel_loop3A_336 = arith.constant 7 : i32
      %parallel_loop3A_337 = arith.shrsi %parallel_loop3A_335, %parallel_loop3A_336 : i32
      %parallel_loop3A_338 = arith.constant 127 : i32
      %parallel_loop3A_339 = arith.andi %parallel_loop3A_335, %parallel_loop3A_338 : i32
      %parallel_loop3A_340 = arith.constant 1 : i32
      %parallel_loop3A_341 = arith.index_cast %parallel_loop3A_340 : i32 to index
      %parallel_loop3A_342 = arith.index_cast %parallel_loop3A_335 : i32 to index
      %parallel_loop3A_343 = arith.constant 0 : index
      %parallel_loop3A_344 = tpu.vector_load %arg7[%parallel_loop3A_341, %parallel_loop3A_342, %parallel_loop3A_343] {strides = array<i32>} : memref<2x512x32xf32, #tpu.memory_space<vmem>>, vector<16xf32>,
      %parallel_loop3A_345 = arith.constant 1 : i32
      %parallel_loop3A_346 = arith.index_cast %parallel_loop3A_345 : i32 to index
      %parallel_loop3A_347 = arith.index_cast %parallel_loop3A_335 : i32 to index
      %parallel_loop3A_348 = arith.constant 16 : index
      %parallel_loop3A_349 = tpu.vector_load %arg7[%parallel_loop3A_346, %parallel_loop3A_347, %parallel_loop3A_348] {strides = array<i32>} : memref<2x512x32xf32, #tpu.memory_space<vmem>>, vector<16xf32>,
      %parallel_loop3A_350 = arith.constant 4 : i32
      %parallel_loop3A_351 = arith.muli %parallel_loop3A_337, %parallel_loop3A_350 : i32
      %parallel_loop3A_352 = vector.broadcast %parallel_loop3A_351 : i32 to vector<16xi32>
      %parallel_loop3A_353 = arith.addi %shift_right_arithmetic3A_10, %parallel_loop3A_352 : vector<16xi32>
      %parallel_loop3A_354 = arith.constant 0 : i32
      %parallel_loop3A_355 = vector.broadcast %parallel_loop3A_354 : i32 to vector<16xi32>
      %parallel_loop3A_356 = vector.broadcast %parallel_loop3A_339 : i32 to vector<16xi32>
      %parallel_loop3A_357 = arith.addi %parallel_loop3A_355, %parallel_loop3A_356 : vector<16xi32>
      %parallel_loop3A_358 = arith.constant 1 : i32
      %parallel_loop3A_359 = arith.constant 0 : i32
      %parallel_loop3A_360 = arith.constant 0 : i32
      %parallel_loop3A_361 = arith.constant 0 : i32
      %parallel_loop3A_362 = tpu.memref_slice %arg8[%parallel_loop3A_358, %parallel_loop3A_359, %parallel_loop3A_360, %parallel_loop3A_361] : memref<2x16x8x129xf32, #tpu.memory_space<vmem>> -> memref<1x16x8x129xf32, #tpu.memory_space<vmem>>
      %parallel_loop3A_363 = tpu.memref_squeeze %parallel_loop3A_362 : memref<1x16x8x129xf32, #tpu.memory_space<vmem>> -> memref<16x8x129xf32, #tpu.memory_space<vmem>>
      tpu.vector_store_idx %parallel_loop3A_363[%parallel_loop3A_353, %and3A_12, %parallel_loop3A_357], %parallel_loop3A_344 : memref<16x8x129xf32, #tpu.memory_space<vmem>>[vector<16xi32>, vector<16xi32>, vector<16xi32>], vector<16xf32>,
      %parallel_loop3A_364 = arith.constant 2 : i32
      %parallel_loop3A_365 = vector.broadcast %parallel_loop3A_364 : i32 to vector<16xi32>
      %parallel_loop3A_366 = arith.addi %parallel_loop3A_353, %parallel_loop3A_365 : vector<16xi32>
      %parallel_loop3A_367 = arith.constant 1 : i32
      %parallel_loop3A_368 = arith.constant 0 : i32
      %parallel_loop3A_369 = arith.constant 0 : i32
      %parallel_loop3A_370 = arith.constant 0 : i32
      %parallel_loop3A_371 = tpu.memref_slice %arg8[%parallel_loop3A_367, %parallel_loop3A_368, %parallel_loop3A_369, %parallel_loop3A_370] : memref<2x16x8x129xf32, #tpu.memory_space<vmem>> -> memref<1x16x8x129xf32, #tpu.memory_space<vmem>>
      %parallel_loop3A_372 = tpu.memref_squeeze %parallel_loop3A_371 : memref<1x16x8x129xf32, #tpu.memory_space<vmem>> -> memref<16x8x129xf32, #tpu.memory_space<vmem>>
      tpu.vector_store_idx %parallel_loop3A_372[%parallel_loop3A_366, %and3A_12, %parallel_loop3A_357], %parallel_loop3A_349 : memref<16x8x129xf32, #tpu.memory_space<vmem>>[vector<16xi32>, vector<16xi32>, vector<16xi32>], vector<16xf32>,
    } {sc.loop_unroll_factor = 4 : i64, sc.parallel_access}
    %mul3A_122 = arith.constant 8 : i32
    %mul3A_123 = arith.muli %add3A, %mul3A_122 : i32
    %dma_start3A_124 = arith.constant 1 : i32
    %dma_start3A_125 = arith.constant 1 : i32
    %dma_start3A_126 = arith.constant 0 : i32
    %dma_start3A_127 = arith.constant 0 : i32
    %dma_start3A_128 = arith.constant 0 : i32
    %dma_start3A_129 = tpu.memref_slice %arg8[%dma_start3A_124, %dma_start3A_126, %dma_start3A_127, %dma_start3A_128] : memref<2x16x8x129xf32, #tpu.memory_space<vmem>> -> memref<1x16x8x128xf32, #tpu.memory_space<vmem>>
    %dma_start3A_130 = tpu.memref_squeeze %dma_start3A_129 : memref<1x16x8x128xf32, #tpu.memory_space<vmem>> -> memref<16x8x128xf32, #tpu.memory_space<vmem>>
    %dma_start3A_131 = arith.constant 16 : i32
    %dma_start3A_132 = arith.constant 0 : i32
    %dma_start3A_133 = tpu.memref_slice %arg4[%dma_start3A_131, %mul3A_123, %dma_start3A_132] : memref<800x256x128xf32, #tpu.memory_space<hbm>> -> memref<16x8x128xf32, #tpu.memory_space<hbm>>
    %dma_start3A_134 = tpu.memref_slice %arg10[%dma_start3A_125] : memref<2x!tpu.dma_semaphore, #tpu.memory_space<semaphore_mem>> -> memref<1x!tpu.dma_semaphore, #tpu.memory_space<semaphore_mem>>
    %dma_start3A_135 = tpu.memref_squeeze %dma_start3A_134 : memref<1x!tpu.dma_semaphore, #tpu.memory_space<semaphore_mem>> -> memref<!tpu.dma_semaphore, #tpu.memory_space<semaphore_mem>>
    %dma_start3A_136 = arith.constant 16 : i32
    %dma_start3A_137 = arith.constant 0 : i32
    %dma_start3A_138 = tpu.memref_slice %arg4[%dma_start3A_136, %mul3A_123, %dma_start3A_137] : memref<800x256x128xf32, #tpu.memory_space<hbm>> -> memref<16x8x128xf32, #tpu.memory_space<hbm>>
    %dma_start3A_139 = arith.constant 0 : i32
    %dma_start3A_140 = arith.constant 0 : i32
    %dma_start3A_141 = arith.constant 0 : i32
    %dma_start3A_142 = tpu.memref_slice %arg8[%dma_start3A_124, %dma_start3A_139, %dma_start3A_140, %dma_start3A_141] : memref<2x16x8x129xf32, #tpu.memory_space<vmem>> -> memref<1x16x8x128xf32, #tpu.memory_space<vmem>>
    %dma_start3A_143 = tpu.memref_squeeze %dma_start3A_142 : memref<1x16x8x128xf32, #tpu.memory_space<vmem>> -> memref<16x8x128xf32, #tpu.memory_space<vmem>>
    tpu.enqueue_dma source(%dma_start3A_143 : memref<16x8x128xf32, #tpu.memory_space<vmem>>) target(%dma_start3A_138 : memref<16x8x128xf32, #tpu.memory_space<hbm>>) target_semaphore(%dma_start3A_135 : memref<!tpu.dma_semaphore, #tpu.memory_space<semaphore_mem>>)
    %scan3A = arith.constant 0 : i32
    %scan3A_144 = arith.constant 1 : i32
    %scan3A_145 = arith.constant 23 : i32
    %scan3A_146 = arith.addi %scan3A_144, %scan3A_145 : i32
    %scan3A_147 = arith.constant 1 : i32
    scf.for %scan3A_335 = %scan3A_144 to %scan3A_146 step %scan3A_147  : i32 {
      %mul3A_336 = arith.constant 2 : i32
      %mul3A_337 = arith.muli %mul3A_336, %scan3A_335 : i32
      %add3A_338 = arith.constant 1 : i32
      %add3A_339 = arith.addi %mul3A_337, %add3A_338 : i32
      %parallel_loop3A_340 = arith.constant 0 : i32
      %parallel_loop3A_341 = arith.constant 32 : i32
      %parallel_loop3A_342 = arith.constant 1 : i32
      scf.for %parallel_loop3A_515 = %parallel_loop3A_340 to %parallel_loop3A_341 step %parallel_loop3A_342  : i32 {
        %parallel_loop3A_516 = arith.constant 3 : i32
        %parallel_loop3A_517 = arith.shrsi %parallel_loop3A_515, %parallel_loop3A_516 : i32
        %parallel_loop3A_518 = arith.constant 7 : i32
        %parallel_loop3A_519 = arith.andi %parallel_loop3A_515, %parallel_loop3A_518 : i32
        %parallel_loop3A_520 = arith.constant 16 : i32
        %parallel_loop3A_521 = arith.muli %parallel_loop3A_519, %parallel_loop3A_520 : i32
        %parallel_loop3A_522 = arith.constant 200 : i32
        %parallel_loop3A_523 = arith.muli %parallel_loop3A_521, %parallel_loop3A_522 : i32
        %parallel_loop3A_524 = vector.broadcast %parallel_loop3A_523 : i32 to vector<16xi32>
        %parallel_loop3A_525 = arith.addi %mul3A_5, %parallel_loop3A_524 : vector<16xi32>
        %parallel_loop3A_526 = arith.constant 4 : i32
        %parallel_loop3A_527 = arith.muli %add3A_339, %parallel_loop3A_526 : i32
        %parallel_loop3A_528 = arith.addi %parallel_loop3A_527, %parallel_loop3A_517 : i32
        %parallel_loop3A_529 = vector.broadcast %parallel_loop3A_528 : i32 to vector<16xi32>
        %parallel_loop3A_530 = arith.addi %parallel_loop3A_525, %parallel_loop3A_529 : vector<16xi32>
        %parallel_loop3A_531 = tpu.vector_load_idx %arg5[%parallel_loop3A_530] : memref<25600xi32, #tpu.memory_space<vmem>>[vector<16xi32>], vector<16xi32>,
        %parallel_loop3A_532 = arith.constant 128 : i32
        %parallel_loop3A_533 = arith.muli %parallel_loop3A_517, %parallel_loop3A_532 : i32
        %parallel_loop3A_534 = arith.constant 16 : i32
        %parallel_loop3A_535 = arith.muli %parallel_loop3A_519, %parallel_loop3A_534 : i32
        %parallel_loop3A_536 = arith.addi %parallel_loop3A_533, %parallel_loop3A_535 : i32
        %parallel_loop3A_537 = arith.constant 1 : i32
        %parallel_loop3A_538 = arith.index_cast %parallel_loop3A_537 : i32 to index
        %parallel_loop3A_539 = arith.index_cast %parallel_loop3A_536 : i32 to index
        %parallel_loop3A_540 = tpu.vector_load %arg6[%parallel_loop3A_538, %parallel_loop3A_539] {strides = array<i32>} : memref<2x512xi32, #tpu.memory_space<vmem>>, vector<16xi32>,
        tpu.vector_store %arg6[%parallel_loop3A_538, %parallel_loop3A_539], %parallel_loop3A_531 {strides = array<i32>} : memref<2x512xi32, #tpu.memory_space<vmem>>, vector<16xi32>,
      } {sc.loop_unroll_factor = 4 : i64, sc.parallel_access}
      %dma_start3A_343 = arith.constant 1 : i32
      %dma_start3A_344 = arith.constant 1 : i32
      %dma_start3A_345 = arith.constant 1 : i32
      %dma_start3A_346 = arith.constant 0 : i32
      %dma_start3A_347 = arith.constant 0 : i32
      %dma_start3A_348 = tpu.memref_slice %arg7[%dma_start3A_344, %dma_start3A_346, %dma_start3A_347] : memref<2x512x32xf32, #tpu.memory_space<vmem>> -> memref<1x512x32xf32, #tpu.memory_space<vmem>>
      %dma_start3A_349 = tpu.memref_squeeze %dma_start3A_348 : memref<1x512x32xf32, #tpu.memory_space<vmem>> -> memref<512x32xf32, #tpu.memory_space<vmem>>
      %dma_start3A_350 = arith.constant 0 : i32
      %dma_start3A_351 = tpu.memref_slice %arg6[%dma_start3A_343, %dma_start3A_350] : memref<2x512xi32, #tpu.memory_space<vmem>> -> memref<1x512xi32, #tpu.memory_space<vmem>>
      %dma_start3A_352 = tpu.memref_squeeze %dma_start3A_351 : memref<1x512xi32, #tpu.memory_space<vmem>> -> memref<512xi32, #tpu.memory_space<vmem>>
      %dma_start3A_353 = arith.constant 0 : i32
      %dma_start3A_354 = arith.constant 0 : i32
      %dma_start3A_355 = tpu.memref_slice %arg3[%dma_start3A_353, %dma_start3A_354] : memref<1000000x32xf32, #tpu.memory_space<hbm>> -> memref<1000000x32xf32, #tpu.memory_space<hbm>>
      %dma_start3A_356 = tpu.memref_slice %arg9[%dma_start3A_345] : memref<2x!tpu.dma_semaphore, #tpu.memory_space<semaphore_mem>> -> memref<1x!tpu.dma_semaphore, #tpu.memory_space<semaphore_mem>>
      %dma_start3A_357 = tpu.memref_squeeze %dma_start3A_356 : memref<1x!tpu.dma_semaphore, #tpu.memory_space<semaphore_mem>> -> memref<!tpu.dma_semaphore, #tpu.memory_space<semaphore_mem>>
      tpu.enqueue_indirect_dma source(%dma_start3A_355 : memref<1000000x32xf32, #tpu.memory_space<hbm>>) target(%dma_start3A_349 : memref<512x32xf32, #tpu.memory_space<vmem>>) offsets(%dma_start3A_352 : memref<512xi32, #tpu.memory_space<vmem>>) semaphore(%dma_start3A_357 : memref<!tpu.dma_semaphore, #tpu.memory_space<semaphore_mem>>)
      %dma_wait3A_358 = arith.constant 0 : i32
      %dma_wait3A_359 = arith.constant 0 : i32
      %dma_wait3A_360 = arith.constant 0 : i32
      %dma_wait3A_361 = arith.constant 0 : i32
      %dma_wait3A_362 = arith.constant 0 : i32
      %dma_wait3A_363 = tpu.memref_slice %arg7[%dma_wait3A_359, %dma_wait3A_361, %dma_wait3A_362] : memref<2x512x32xf32, #tpu.memory_space<vmem>> -> memref<1x512x32xf32, #tpu.memory_space<vmem>>
      %dma_wait3A_364 = tpu.memref_squeeze %dma_wait3A_363 : memref<1x512x32xf32, #tpu.memory_space<vmem>> -> memref<512x32xf32, #tpu.memory_space<vmem>>
      %dma_wait3A_365 = arith.constant 0 : i32
      %dma_wait3A_366 = tpu.memref_slice %arg6[%dma_wait3A_358, %dma_wait3A_365] : memref<2x512xi32, #tpu.memory_space<vmem>> -> memref<1x512xi32, #tpu.memory_space<vmem>>
      %dma_wait3A_367 = tpu.memref_squeeze %dma_wait3A_366 : memref<1x512xi32, #tpu.memory_space<vmem>> -> memref<512xi32, #tpu.memory_space<vmem>>
      %dma_wait3A_368 = arith.constant 0 : i32
      %dma_wait3A_369 = arith.constant 0 : i32
      %dma_wait3A_370 = tpu.memref_slice %arg3[%dma_wait3A_368, %dma_wait3A_369] : memref<1000000x32xf32, #tpu.memory_space<hbm>> -> memref<1000000x32xf32, #tpu.memory_space<hbm>>
      %dma_wait3A_371 = tpu.memref_slice %arg9[%dma_wait3A_360] : memref<2x!tpu.dma_semaphore, #tpu.memory_space<semaphore_mem>> -> memref<1x!tpu.dma_semaphore, #tpu.memory_space<semaphore_mem>>
      %dma_wait3A_372 = tpu.memref_squeeze %dma_wait3A_371 : memref<1x!tpu.dma_semaphore, #tpu.memory_space<semaphore_mem>> -> memref<!tpu.dma_semaphore, #tpu.memory_space<semaphore_mem>>
      tpu.wait_indirect_dma semaphore(%dma_wait3A_372 : memref<!tpu.dma_semaphore, #tpu.memory_space<semaphore_mem>>) src(%dma_wait3A_370 : memref<1000000x32xf32, #tpu.memory_space<hbm>>) dst(%dma_wait3A_364 : memref<512x32xf32, #tpu.memory_space<vmem>>)
      %parallel_loop3A_373 = arith.constant 0 : i32
      %parallel_loop3A_374 = arith.constant 512 : i32
      %parallel_loop3A_375 = arith.constant 1 : i32
      scf.for %parallel_loop3A_515 = %parallel_loop3A_373 to %parallel_loop3A_374 step %parallel_loop3A_375  : i32 {
        %parallel_loop3A_516 = arith.constant 7 : i32
        %parallel_loop3A_517 = arith.shrsi %parallel_loop3A_515, %parallel_loop3A_516 : i32
        %parallel_loop3A_518 = arith.constant 127 : i32
        %parallel_loop3A_519 = arith.andi %parallel_loop3A_515, %parallel_loop3A_518 : i32
        %parallel_loop3A_520 = arith.constant 0 : i32
        %parallel_loop3A_521 = arith.index_cast %parallel_loop3A_520 : i32 to index
        %parallel_loop3A_522 = arith.index_cast %parallel_loop3A_515 : i32 to index
        %parallel_loop3A_523 = arith.constant 0 : index
        %parallel_loop3A_524 = tpu.vector_load %arg7[%parallel_loop3A_521, %parallel_loop3A_522, %parallel_loop3A_523] {strides = array<i32>} : memref<2x512x32xf32, #tpu.memory_space<vmem>>, vector<16xf32>,
        %parallel_loop3A_525 = arith.constant 0 : i32
        %parallel_loop3A_526 = arith.index_cast %parallel_loop3A_525 : i32 to index
        %parallel_loop3A_527 = arith.index_cast %parallel_loop3A_515 : i32 to index
        %parallel_loop3A_528 = arith.constant 16 : index
        %parallel_loop3A_529 = tpu.vector_load %arg7[%parallel_loop3A_526, %parallel_loop3A_527, %parallel_loop3A_528] {strides = array<i32>} : memref<2x512x32xf32, #tpu.memory_space<vmem>>, vector<16xf32>,
        %parallel_loop3A_530 = arith.constant 4 : i32
        %parallel_loop3A_531 = arith.muli %parallel_loop3A_517, %parallel_loop3A_530 : i32
        %parallel_loop3A_532 = vector.broadcast %parallel_loop3A_531 : i32 to vector<16xi32>
        %parallel_loop3A_533 = arith.addi %shift_right_arithmetic3A_10, %parallel_loop3A_532 : vector<16xi32>
        %parallel_loop3A_534 = arith.constant 0 : i32
        %parallel_loop3A_535 = vector.broadcast %parallel_loop3A_534 : i32 to vector<16xi32>
        %parallel_loop3A_536 = vector.broadcast %parallel_loop3A_519 : i32 to vector<16xi32>
        %parallel_loop3A_537 = arith.addi %parallel_loop3A_535, %parallel_loop3A_536 : vector<16xi32>
        %parallel_loop3A_538 = arith.constant 0 : i32
        %parallel_loop3A_539 = arith.constant 0 : i32
        %parallel_loop3A_540 = arith.constant 0 : i32
        %parallel_loop3A_541 = arith.constant 0 : i32
        %parallel_loop3A_542 = tpu.memref_slice %arg8[%parallel_loop3A_538, %parallel_loop3A_539, %parallel_loop3A_540, %parallel_loop3A_541] : memref<2x16x8x129xf32, #tpu.memory_space<vmem>> -> memref<1x16x8x129xf32, #tpu.memory_space<vmem>>
        %parallel_loop3A_543 = tpu.memref_squeeze %parallel_loop3A_542 : memref<1x16x8x129xf32, #tpu.memory_space<vmem>> -> memref<16x8x129xf32, #tpu.memory_space<vmem>>
        tpu.vector_store_idx %parallel_loop3A_543[%parallel_loop3A_533, %and3A_12, %parallel_loop3A_537], %parallel_loop3A_524 : memref<16x8x129xf32, #tpu.memory_space<vmem>>[vector<16xi32>, vector<16xi32>, vector<16xi32>], vector<16xf32>,
        %parallel_loop3A_544 = arith.constant 2 : i32
        %parallel_loop3A_545 = vector.broadcast %parallel_loop3A_544 : i32 to vector<16xi32>
        %parallel_loop3A_546 = arith.addi %parallel_loop3A_533, %parallel_loop3A_545 : vector<16xi32>
        %parallel_loop3A_547 = arith.constant 0 : i32
        %parallel_loop3A_548 = arith.constant 0 : i32
        %parallel_loop3A_549 = arith.constant 0 : i32
        %parallel_loop3A_550 = arith.constant 0 : i32
        %parallel_loop3A_551 = tpu.memref_slice %arg8[%parallel_loop3A_547, %parallel_loop3A_548, %parallel_loop3A_549, %parallel_loop3A_550] : memref<2x16x8x129xf32, #tpu.memory_space<vmem>> -> memref<1x16x8x129xf32, #tpu.memory_space<vmem>>
        %parallel_loop3A_552 = tpu.memref_squeeze %parallel_loop3A_551 : memref<1x16x8x129xf32, #tpu.memory_space<vmem>> -> memref<16x8x129xf32, #tpu.memory_space<vmem>>
        tpu.vector_store_idx %parallel_loop3A_552[%parallel_loop3A_546, %and3A_12, %parallel_loop3A_537], %parallel_loop3A_529 : memref<16x8x129xf32, #tpu.memory_space<vmem>>[vector<16xi32>, vector<16xi32>, vector<16xi32>], vector<16xf32>,
      } {sc.loop_unroll_factor = 4 : i64, sc.parallel_access}
      %sub3A = arith.constant 2 : i32
      %sub3A_376 = arith.subi %mul3A_337, %sub3A : i32
      %mul3A_377 = arith.constant 4 : i32
      %mul3A_378 = arith.muli %sub3A_376, %mul3A_377 : i32
      %mul3A_379 = arith.constant 4 : i32
      %mul3A_380 = arith.muli %mul3A_378, %mul3A_379 : i32
      %mul3A_381 = arith.constant 8 : i32
      %mul3A_382 = arith.muli %add3A, %mul3A_381 : i32
      %dma_wait3A_383 = arith.constant 0 : i32
      %dma_wait3A_384 = arith.constant 0 : i32
      %dma_wait3A_385 = arith.constant 0 : i32
      %dma_wait3A_386 = arith.constant 0 : i32
      %dma_wait3A_387 = arith.constant 0 : i32
      %dma_wait3A_388 = tpu.memref_slice %arg8[%dma_wait3A_383, %dma_wait3A_385, %dma_wait3A_386, %dma_wait3A_387] : memref<2x16x8x129xf32, #tpu.memory_space<vmem>> -> memref<1x16x8x128xf32, #tpu.memory_space<vmem>>
      %dma_wait3A_389 = tpu.memref_squeeze %dma_wait3A_388 : memref<1x16x8x128xf32, #tpu.memory_space<vmem>> -> memref<16x8x128xf32, #tpu.memory_space<vmem>>
      %dma_wait3A_390 = arith.constant 0 : i32
      %dma_wait3A_391 = tpu.memref_slice %arg4[%mul3A_380, %mul3A_382, %dma_wait3A_390] : memref<800x256x128xf32, #tpu.memory_space<hbm>> -> memref<16x8x128xf32, #tpu.memory_space<hbm>>
      %dma_wait3A_392 = tpu.memref_slice %arg10[%dma_wait3A_384] : memref<2x!tpu.dma_semaphore, #tpu.memory_space<semaphore_mem>> -> memref<1x!tpu.dma_semaphore, #tpu.memory_space<semaphore_mem>>
      %dma_wait3A_393 = tpu.memref_squeeze %dma_wait3A_392 : memref<1x!tpu.dma_semaphore, #tpu.memory_space<semaphore_mem>> -> memref<!tpu.dma_semaphore, #tpu.memory_space<semaphore_mem>>
      %dma_wait3A_394 = arith.constant 0 : i32
      %dma_wait3A_395 = tpu.memref_slice %arg4[%mul3A_380, %mul3A_382, %dma_wait3A_394] : memref<800x256x128xf32, #tpu.memory_space<hbm>> -> memref<16x8x128xf32, #tpu.memory_space<hbm>>
      %dma_wait3A_396 = arith.constant 0 : i32
      %dma_wait3A_397 = arith.constant 0 : i32
      %dma_wait3A_398 = arith.constant 0 : i32
      %dma_wait3A_399 = tpu.memref_slice %arg8[%dma_wait3A_383, %dma_wait3A_396, %dma_wait3A_397, %dma_wait3A_398] : memref<2x16x8x129xf32, #tpu.memory_space<vmem>> -> memref<1x16x8x128xf32, #tpu.memory_space<vmem>>
      %dma_wait3A_400 = tpu.memref_squeeze %dma_wait3A_399 : memref<1x16x8x128xf32, #tpu.memory_space<vmem>> -> memref<16x8x128xf32, #tpu.memory_space<vmem>>
      tpu.wait_dma2 semaphore(%dma_wait3A_393 : memref<!tpu.dma_semaphore, #tpu.memory_space<semaphore_mem>>) src(%dma_wait3A_400 : memref<16x8x128xf32, #tpu.memory_space<vmem>>) dst(%dma_wait3A_395 : memref<16x8x128xf32, #tpu.memory_space<hbm>>)
      %mul3A_401 = arith.constant 4 : i32
      %mul3A_402 = arith.muli %mul3A_337, %mul3A_401 : i32
      %mul3A_403 = arith.constant 4 : i32
      %mul3A_404 = arith.muli %mul3A_402, %mul3A_403 : i32
      %mul3A_405 = arith.constant 8 : i32
      %mul3A_406 = arith.muli %add3A, %mul3A_405 : i32
      %dma_start3A_407 = arith.constant 0 : i32
      %dma_start3A_408 = arith.constant 0 : i32
      %dma_start3A_409 = arith.constant 0 : i32
      %dma_start3A_410 = arith.constant 0 : i32
      %dma_start3A_411 = arith.constant 0 : i32
      %dma_start3A_412 = tpu.memref_slice %arg8[%dma_start3A_407, %dma_start3A_409, %dma_start3A_410, %dma_start3A_411] : memref<2x16x8x129xf32, #tpu.memory_space<vmem>> -> memref<1x16x8x128xf32, #tpu.memory_space<vmem>>
      %dma_start3A_413 = tpu.memref_squeeze %dma_start3A_412 : memref<1x16x8x128xf32, #tpu.memory_space<vmem>> -> memref<16x8x128xf32, #tpu.memory_space<vmem>>
      %dma_start3A_414 = arith.constant 0 : i32
      %dma_start3A_415 = tpu.memref_slice %arg4[%mul3A_404, %mul3A_406, %dma_start3A_414] : memref<800x256x128xf32, #tpu.memory_space<hbm>> -> memref<16x8x128xf32, #tpu.memory_space<hbm>>
      %dma_start3A_416 = tpu.memref_slice %arg10[%dma_start3A_408] : memref<2x!tpu.dma_semaphore, #tpu.memory_space<semaphore_mem>> -> memref<1x!tpu.dma_semaphore, #tpu.memory_space<semaphore_mem>>
      %dma_start3A_417 = tpu.memref_squeeze %dma_start3A_416 : memref<1x!tpu.dma_semaphore, #tpu.memory_space<semaphore_mem>> -> memref<!tpu.dma_semaphore, #tpu.memory_space<semaphore_mem>>
      %dma_start3A_418 = arith.constant 0 : i32
      %dma_start3A_419 = tpu.memref_slice %arg4[%mul3A_404, %mul3A_406, %dma_start3A_418] : memref<800x256x128xf32, #tpu.memory_space<hbm>> -> memref<16x8x128xf32, #tpu.memory_space<hbm>>
      %dma_start3A_420 = arith.constant 0 : i32
      %dma_start3A_421 = arith.constant 0 : i32
      %dma_start3A_422 = arith.constant 0 : i32
      %dma_start3A_423 = tpu.memref_slice %arg8[%dma_start3A_407, %dma_start3A_420, %dma_start3A_421, %dma_start3A_422] : memref<2x16x8x129xf32, #tpu.memory_space<vmem>> -> memref<1x16x8x128xf32, #tpu.memory_space<vmem>>
      %dma_start3A_424 = tpu.memref_squeeze %dma_start3A_423 : memref<1x16x8x128xf32, #tpu.memory_space<vmem>> -> memref<16x8x128xf32, #tpu.memory_space<vmem>>
      tpu.enqueue_dma source(%dma_start3A_424 : memref<16x8x128xf32, #tpu.memory_space<vmem>>) target(%dma_start3A_419 : memref<16x8x128xf32, #tpu.memory_space<hbm>>) target_semaphore(%dma_start3A_417 : memref<!tpu.dma_semaphore, #tpu.memory_space<semaphore_mem>>)
      %add3A_425 = arith.constant 2 : i32
      %add3A_426 = arith.addi %mul3A_337, %add3A_425 : i32
      %parallel_loop3A_427 = arith.constant 0 : i32
      %parallel_loop3A_428 = arith.constant 32 : i32
      %parallel_loop3A_429 = arith.constant 1 : i32
      scf.for %parallel_loop3A_515 = %parallel_loop3A_427 to %parallel_loop3A_428 step %parallel_loop3A_429  : i32 {
        %parallel_loop3A_516 = arith.constant 3 : i32
        %parallel_loop3A_517 = arith.shrsi %parallel_loop3A_515, %parallel_loop3A_516 : i32
        %parallel_loop3A_518 = arith.constant 7 : i32
        %parallel_loop3A_519 = arith.andi %parallel_loop3A_515, %parallel_loop3A_518 : i32
        %parallel_loop3A_520 = arith.constant 16 : i32
        %parallel_loop3A_521 = arith.muli %parallel_loop3A_519, %parallel_loop3A_520 : i32
        %parallel_loop3A_522 = arith.constant 200 : i32
        %parallel_loop3A_523 = arith.muli %parallel_loop3A_521, %parallel_loop3A_522 : i32
        %parallel_loop3A_524 = vector.broadcast %parallel_loop3A_523 : i32 to vector<16xi32>
        %parallel_loop3A_525 = arith.addi %mul3A_5, %parallel_loop3A_524 : vector<16xi32>
        %parallel_loop3A_526 = arith.constant 4 : i32
        %parallel_loop3A_527 = arith.muli %add3A_426, %parallel_loop3A_526 : i32
        %parallel_loop3A_528 = arith.addi %parallel_loop3A_527, %parallel_loop3A_517 : i32
        %parallel_loop3A_529 = vector.broadcast %parallel_loop3A_528 : i32 to vector<16xi32>
        %parallel_loop3A_530 = arith.addi %parallel_loop3A_525, %parallel_loop3A_529 : vector<16xi32>
        %parallel_loop3A_531 = tpu.vector_load_idx %arg5[%parallel_loop3A_530] : memref<25600xi32, #tpu.memory_space<vmem>>[vector<16xi32>], vector<16xi32>,
        %parallel_loop3A_532 = arith.constant 128 : i32
        %parallel_loop3A_533 = arith.muli %parallel_loop3A_517, %parallel_loop3A_532 : i32
        %parallel_loop3A_534 = arith.constant 16 : i32
        %parallel_loop3A_535 = arith.muli %parallel_loop3A_519, %parallel_loop3A_534 : i32
        %parallel_loop3A_536 = arith.addi %parallel_loop3A_533, %parallel_loop3A_535 : i32
        %parallel_loop3A_537 = arith.constant 0 : i32
        %parallel_loop3A_538 = arith.index_cast %parallel_loop3A_537 : i32 to index
        %parallel_loop3A_539 = arith.index_cast %parallel_loop3A_536 : i32 to index
        %parallel_loop3A_540 = tpu.vector_load %arg6[%parallel_loop3A_538, %parallel_loop3A_539] {strides = array<i32>} : memref<2x512xi32, #tpu.memory_space<vmem>>, vector<16xi32>,
        tpu.vector_store %arg6[%parallel_loop3A_538, %parallel_loop3A_539], %parallel_loop3A_531 {strides = array<i32>} : memref<2x512xi32, #tpu.memory_space<vmem>>, vector<16xi32>,
      } {sc.loop_unroll_factor = 4 : i64, sc.parallel_access}
      %dma_start3A_430 = arith.constant 0 : i32
      %dma_start3A_431 = arith.constant 0 : i32
      %dma_start3A_432 = arith.constant 0 : i32
      %dma_start3A_433 = arith.constant 0 : i32
      %dma_start3A_434 = arith.constant 0 : i32
      %dma_start3A_435 = tpu.memref_slice %arg7[%dma_start3A_431, %dma_start3A_433, %dma_start3A_434] : memref<2x512x32xf32, #tpu.memory_space<vmem>> -> memref<1x512x32xf32, #tpu.memory_space<vmem>>
      %dma_start3A_436 = tpu.memref_squeeze %dma_start3A_435 : memref<1x512x32xf32, #tpu.memory_space<vmem>> -> memref<512x32xf32, #tpu.memory_space<vmem>>
      %dma_start3A_437 = arith.constant 0 : i32
      %dma_start3A_438 = tpu.memref_slice %arg6[%dma_start3A_430, %dma_start3A_437] : memref<2x512xi32, #tpu.memory_space<vmem>> -> memref<1x512xi32, #tpu.memory_space<vmem>>
      %dma_start3A_439 = tpu.memref_squeeze %dma_start3A_438 : memref<1x512xi32, #tpu.memory_space<vmem>> -> memref<512xi32, #tpu.memory_space<vmem>>
      %dma_start3A_440 = arith.constant 0 : i32
      %dma_start3A_441 = arith.constant 0 : i32
      %dma_start3A_442 = tpu.memref_slice %arg3[%dma_start3A_440, %dma_start3A_441] : memref<1000000x32xf32, #tpu.memory_space<hbm>> -> memref<1000000x32xf32, #tpu.memory_space<hbm>>
      %dma_start3A_443 = tpu.memref_slice %arg9[%dma_start3A_432] : memref<2x!tpu.dma_semaphore, #tpu.memory_space<semaphore_mem>> -> memref<1x!tpu.dma_semaphore, #tpu.memory_space<semaphore_mem>>
      %dma_start3A_444 = tpu.memref_squeeze %dma_start3A_443 : memref<1x!tpu.dma_semaphore, #tpu.memory_space<semaphore_mem>> -> memref<!tpu.dma_semaphore, #tpu.memory_space<semaphore_mem>>
      tpu.enqueue_indirect_dma source(%dma_start3A_442 : memref<1000000x32xf32, #tpu.memory_space<hbm>>) target(%dma_start3A_436 : memref<512x32xf32, #tpu.memory_space<vmem>>) offsets(%dma_start3A_439 : memref<512xi32, #tpu.memory_space<vmem>>) semaphore(%dma_start3A_444 : memref<!tpu.dma_semaphore, #tpu.memory_space<semaphore_mem>>)
      %dma_wait3A_445 = arith.constant 1 : i32
      %dma_wait3A_446 = arith.constant 1 : i32
      %dma_wait3A_447 = arith.constant 1 : i32
      %dma_wait3A_448 = arith.constant 0 : i32
      %dma_wait3A_449 = arith.constant 0 : i32
      %dma_wait3A_450 = tpu.memref_slice %arg7[%dma_wait3A_446, %dma_wait3A_448, %dma_wait3A_449] : memref<2x512x32xf32, #tpu.memory_space<vmem>> -> memref<1x512x32xf32, #tpu.memory_space<vmem>>
      %dma_wait3A_451 = tpu.memref_squeeze %dma_wait3A_450 : memref<1x512x32xf32, #tpu.memory_space<vmem>> -> memref<512x32xf32, #tpu.memory_space<vmem>>
      %dma_wait3A_452 = arith.constant 0 : i32
      %dma_wait3A_453 = tpu.memref_slice %arg6[%dma_wait3A_445, %dma_wait3A_452] : memref<2x512xi32, #tpu.memory_space<vmem>> -> memref<1x512xi32, #tpu.memory_space<vmem>>
      %dma_wait3A_454 = tpu.memref_squeeze %dma_wait3A_453 : memref<1x512xi32, #tpu.memory_space<vmem>> -> memref<512xi32, #tpu.memory_space<vmem>>
      %dma_wait3A_455 = arith.constant 0 : i32
      %dma_wait3A_456 = arith.constant 0 : i32
      %dma_wait3A_457 = tpu.memref_slice %arg3[%dma_wait3A_455, %dma_wait3A_456] : memref<1000000x32xf32, #tpu.memory_space<hbm>> -> memref<1000000x32xf32, #tpu.memory_space<hbm>>
      %dma_wait3A_458 = tpu.memref_slice %arg9[%dma_wait3A_447] : memref<2x!tpu.dma_semaphore, #tpu.memory_space<semaphore_mem>> -> memref<1x!tpu.dma_semaphore, #tpu.memory_space<semaphore_mem>>
      %dma_wait3A_459 = tpu.memref_squeeze %dma_wait3A_458 : memref<1x!tpu.dma_semaphore, #tpu.memory_space<semaphore_mem>> -> memref<!tpu.dma_semaphore, #tpu.memory_space<semaphore_mem>>
      tpu.wait_indirect_dma semaphore(%dma_wait3A_459 : memref<!tpu.dma_semaphore, #tpu.memory_space<semaphore_mem>>) src(%dma_wait3A_457 : memref<1000000x32xf32, #tpu.memory_space<hbm>>) dst(%dma_wait3A_451 : memref<512x32xf32, #tpu.memory_space<vmem>>)
      %parallel_loop3A_460 = arith.constant 0 : i32
      %parallel_loop3A_461 = arith.constant 512 : i32
      %parallel_loop3A_462 = arith.constant 1 : i32
      scf.for %parallel_loop3A_515 = %parallel_loop3A_460 to %parallel_loop3A_461 step %parallel_loop3A_462  : i32 {
        %parallel_loop3A_516 = arith.constant 7 : i32
        %parallel_loop3A_517 = arith.shrsi %parallel_loop3A_515, %parallel_loop3A_516 : i32
        %parallel_loop3A_518 = arith.constant 127 : i32
        %parallel_loop3A_519 = arith.andi %parallel_loop3A_515, %parallel_loop3A_518 : i32
        %parallel_loop3A_520 = arith.constant 1 : i32
        %parallel_loop3A_521 = arith.index_cast %parallel_loop3A_520 : i32 to index
        %parallel_loop3A_522 = arith.index_cast %parallel_loop3A_515 : i32 to index
        %parallel_loop3A_523 = arith.constant 0 : index
        %parallel_loop3A_524 = tpu.vector_load %arg7[%parallel_loop3A_521, %parallel_loop3A_522, %parallel_loop3A_523] {strides = array<i32>} : memref<2x512x32xf32, #tpu.memory_space<vmem>>, vector<16xf32>,
        %parallel_loop3A_525 = arith.constant 1 : i32
        %parallel_loop3A_526 = arith.index_cast %parallel_loop3A_525 : i32 to index
        %parallel_loop3A_527 = arith.index_cast %parallel_loop3A_515 : i32 to index
        %parallel_loop3A_528 = arith.constant 16 : index
        %parallel_loop3A_529 = tpu.vector_load %arg7[%parallel_loop3A_526, %parallel_loop3A_527, %parallel_loop3A_528] {strides = array<i32>} : memref<2x512x32xf32, #tpu.memory_space<vmem>>, vector<16xf32>,
        %parallel_loop3A_530 = arith.constant 4 : i32
        %parallel_loop3A_531 = arith.muli %parallel_loop3A_517, %parallel_loop3A_530 : i32
        %parallel_loop3A_532 = vector.broadcast %parallel_loop3A_531 : i32 to vector<16xi32>
        %parallel_loop3A_533 = arith.addi %shift_right_arithmetic3A_10, %parallel_loop3A_532 : vector<16xi32>
        %parallel_loop3A_534 = arith.constant 0 : i32
        %parallel_loop3A_535 = vector.broadcast %parallel_loop3A_534 : i32 to vector<16xi32>
        %parallel_loop3A_536 = vector.broadcast %parallel_loop3A_519 : i32 to vector<16xi32>
        %parallel_loop3A_537 = arith.addi %parallel_loop3A_535, %parallel_loop3A_536 : vector<16xi32>
        %parallel_loop3A_538 = arith.constant 1 : i32
        %parallel_loop3A_539 = arith.constant 0 : i32
        %parallel_loop3A_540 = arith.constant 0 : i32
        %parallel_loop3A_541 = arith.constant 0 : i32
        %parallel_loop3A_542 = tpu.memref_slice %arg8[%parallel_loop3A_538, %parallel_loop3A_539, %parallel_loop3A_540, %parallel_loop3A_541] : memref<2x16x8x129xf32, #tpu.memory_space<vmem>> -> memref<1x16x8x129xf32, #tpu.memory_space<vmem>>
        %parallel_loop3A_543 = tpu.memref_squeeze %parallel_loop3A_542 : memref<1x16x8x129xf32, #tpu.memory_space<vmem>> -> memref<16x8x129xf32, #tpu.memory_space<vmem>>
        tpu.vector_store_idx %parallel_loop3A_543[%parallel_loop3A_533, %and3A_12, %parallel_loop3A_537], %parallel_loop3A_524 : memref<16x8x129xf32, #tpu.memory_space<vmem>>[vector<16xi32>, vector<16xi32>, vector<16xi32>], vector<16xf32>,
        %parallel_loop3A_544 = arith.constant 2 : i32
        %parallel_loop3A_545 = vector.broadcast %parallel_loop3A_544 : i32 to vector<16xi32>
        %parallel_loop3A_546 = arith.addi %parallel_loop3A_533, %parallel_loop3A_545 : vector<16xi32>
        %parallel_loop3A_547 = arith.constant 1 : i32
        %parallel_loop3A_548 = arith.constant 0 : i32
        %parallel_loop3A_549 = arith.constant 0 : i32
        %parallel_loop3A_550 = arith.constant 0 : i32
        %parallel_loop3A_551 = tpu.memref_slice %arg8[%parallel_loop3A_547, %parallel_loop3A_548, %parallel_loop3A_549, %parallel_loop3A_550] : memref<2x16x8x129xf32, #tpu.memory_space<vmem>> -> memref<1x16x8x129xf32, #tpu.memory_space<vmem>>
        %parallel_loop3A_552 = tpu.memref_squeeze %parallel_loop3A_551 : memref<1x16x8x129xf32, #tpu.memory_space<vmem>> -> memref<16x8x129xf32, #tpu.memory_space<vmem>>
        tpu.vector_store_idx %parallel_loop3A_552[%parallel_loop3A_546, %and3A_12, %parallel_loop3A_537], %parallel_loop3A_529 : memref<16x8x129xf32, #tpu.memory_space<vmem>>[vector<16xi32>, vector<16xi32>, vector<16xi32>], vector<16xf32>,
      } {sc.loop_unroll_factor = 4 : i64, sc.parallel_access}
      %sub3A_463 = arith.constant 1 : i32
      %sub3A_464 = arith.subi %mul3A_337, %sub3A_463 : i32
      %mul3A_465 = arith.constant 4 : i32
      %mul3A_466 = arith.muli %sub3A_464, %mul3A_465 : i32
      %mul3A_467 = arith.constant 4 : i32
      %mul3A_468 = arith.muli %mul3A_466, %mul3A_467 : i32
      %mul3A_469 = arith.constant 8 : i32
      %mul3A_470 = arith.muli %add3A, %mul3A_469 : i32
      %dma_wait3A_471 = arith.constant 1 : i32
      %dma_wait3A_472 = arith.constant 1 : i32
      %dma_wait3A_473 = arith.constant 0 : i32
      %dma_wait3A_474 = arith.constant 0 : i32
      %dma_wait3A_475 = arith.constant 0 : i32
      %dma_wait3A_476 = tpu.memref_slice %arg8[%dma_wait3A_471, %dma_wait3A_473, %dma_wait3A_474, %dma_wait3A_475] : memref<2x16x8x129xf32, #tpu.memory_space<vmem>> -> memref<1x16x8x128xf32, #tpu.memory_space<vmem>>
      %dma_wait3A_477 = tpu.memref_squeeze %dma_wait3A_476 : memref<1x16x8x128xf32, #tpu.memory_space<vmem>> -> memref<16x8x128xf32, #tpu.memory_space<vmem>>
      %dma_wait3A_478 = arith.constant 0 : i32
      %dma_wait3A_479 = tpu.memref_slice %arg4[%mul3A_468, %mul3A_470, %dma_wait3A_478] : memref<800x256x128xf32, #tpu.memory_space<hbm>> -> memref<16x8x128xf32, #tpu.memory_space<hbm>>
      %dma_wait3A_480 = tpu.memref_slice %arg10[%dma_wait3A_472] : memref<2x!tpu.dma_semaphore, #tpu.memory_space<semaphore_mem>> -> memref<1x!tpu.dma_semaphore, #tpu.memory_space<semaphore_mem>>
      %dma_wait3A_481 = tpu.memref_squeeze %dma_wait3A_480 : memref<1x!tpu.dma_semaphore, #tpu.memory_space<semaphore_mem>> -> memref<!tpu.dma_semaphore, #tpu.memory_space<semaphore_mem>>
      %dma_wait3A_482 = arith.constant 0 : i32
      %dma_wait3A_483 = tpu.memref_slice %arg4[%mul3A_468, %mul3A_470, %dma_wait3A_482] : memref<800x256x128xf32, #tpu.memory_space<hbm>> -> memref<16x8x128xf32, #tpu.memory_space<hbm>>
      %dma_wait3A_484 = arith.constant 0 : i32
      %dma_wait3A_485 = arith.constant 0 : i32
      %dma_wait3A_486 = arith.constant 0 : i32
      %dma_wait3A_487 = tpu.memref_slice %arg8[%dma_wait3A_471, %dma_wait3A_484, %dma_wait3A_485, %dma_wait3A_486] : memref<2x16x8x129xf32, #tpu.memory_space<vmem>> -> memref<1x16x8x128xf32, #tpu.memory_space<vmem>>
      %dma_wait3A_488 = tpu.memref_squeeze %dma_wait3A_487 : memref<1x16x8x128xf32, #tpu.memory_space<vmem>> -> memref<16x8x128xf32, #tpu.memory_space<vmem>>
      tpu.wait_dma2 semaphore(%dma_wait3A_481 : memref<!tpu.dma_semaphore, #tpu.memory_space<semaphore_mem>>) src(%dma_wait3A_488 : memref<16x8x128xf32, #tpu.memory_space<vmem>>) dst(%dma_wait3A_483 : memref<16x8x128xf32, #tpu.memory_space<hbm>>)
      %add3A_489 = arith.constant 1 : i32
      %add3A_490 = arith.addi %mul3A_337, %add3A_489 : i32
      %mul3A_491 = arith.constant 4 : i32
      %mul3A_492 = arith.muli %add3A_490, %mul3A_491 : i32
      %mul3A_493 = arith.constant 4 : i32
      %mul3A_494 = arith.muli %mul3A_492, %mul3A_493 : i32
      %mul3A_495 = arith.constant 8 : i32
      %mul3A_496 = arith.muli %add3A, %mul3A_495 : i32
      %dma_start3A_497 = arith.constant 1 : i32
      %dma_start3A_498 = arith.constant 1 : i32
      %dma_start3A_499 = arith.constant 0 : i32
      %dma_start3A_500 = arith.constant 0 : i32
      %dma_start3A_501 = arith.constant 0 : i32
      %dma_start3A_502 = tpu.memref_slice %arg8[%dma_start3A_497, %dma_start3A_499, %dma_start3A_500, %dma_start3A_501] : memref<2x16x8x129xf32, #tpu.memory_space<vmem>> -> memref<1x16x8x128xf32, #tpu.memory_space<vmem>>
      %dma_start3A_503 = tpu.memref_squeeze %dma_start3A_502 : memref<1x16x8x128xf32, #tpu.memory_space<vmem>> -> memref<16x8x128xf32, #tpu.memory_space<vmem>>
      %dma_start3A_504 = arith.constant 0 : i32
      %dma_start3A_505 = tpu.memref_slice %arg4[%mul3A_494, %mul3A_496, %dma_start3A_504] : memref<800x256x128xf32, #tpu.memory_space<hbm>> -> memref<16x8x128xf32, #tpu.memory_space<hbm>>
      %dma_start3A_506 = tpu.memref_slice %arg10[%dma_start3A_498] : memref<2x!tpu.dma_semaphore, #tpu.memory_space<semaphore_mem>> -> memref<1x!tpu.dma_semaphore, #tpu.memory_space<semaphore_mem>>
      %dma_start3A_507 = tpu.memref_squeeze %dma_start3A_506 : memref<1x!tpu.dma_semaphore, #tpu.memory_space<semaphore_mem>> -> memref<!tpu.dma_semaphore, #tpu.memory_space<semaphore_mem>>
      %dma_start3A_508 = arith.constant 0 : i32
      %dma_start3A_509 = tpu.memref_slice %arg4[%mul3A_494, %mul3A_496, %dma_start3A_508] : memref<800x256x128xf32, #tpu.memory_space<hbm>> -> memref<16x8x128xf32, #tpu.memory_space<hbm>>
      %dma_start3A_510 = arith.constant 0 : i32
      %dma_start3A_511 = arith.constant 0 : i32
      %dma_start3A_512 = arith.constant 0 : i32
      %dma_start3A_513 = tpu.memref_slice %arg8[%dma_start3A_497, %dma_start3A_510, %dma_start3A_511, %dma_start3A_512] : memref<2x16x8x129xf32, #tpu.memory_space<vmem>> -> memref<1x16x8x128xf32, #tpu.memory_space<vmem>>
      %dma_start3A_514 = tpu.memref_squeeze %dma_start3A_513 : memref<1x16x8x128xf32, #tpu.memory_space<vmem>> -> memref<16x8x128xf32, #tpu.memory_space<vmem>>
      tpu.enqueue_dma source(%dma_start3A_514 : memref<16x8x128xf32, #tpu.memory_space<vmem>>) target(%dma_start3A_509 : memref<16x8x128xf32, #tpu.memory_space<hbm>>) target_semaphore(%dma_start3A_507 : memref<!tpu.dma_semaphore, #tpu.memory_space<semaphore_mem>>)
    }
    %scan3A_148 = arith.constant 23 : i32
    %parallel_loop3A_149 = arith.constant 0 : i32
    %parallel_loop3A_150 = arith.constant 32 : i32
    %parallel_loop3A_151 = arith.constant 1 : i32
    scf.for %parallel_loop3A_335 = %parallel_loop3A_149 to %parallel_loop3A_150 step %parallel_loop3A_151  : i32 {
      %parallel_loop3A_336 = arith.constant 3 : i32
      %parallel_loop3A_337 = arith.shrsi %parallel_loop3A_335, %parallel_loop3A_336 : i32
      %parallel_loop3A_338 = arith.constant 7 : i32
      %parallel_loop3A_339 = arith.andi %parallel_loop3A_335, %parallel_loop3A_338 : i32
      %parallel_loop3A_340 = arith.constant 16 : i32
      %parallel_loop3A_341 = arith.muli %parallel_loop3A_339, %parallel_loop3A_340 : i32
      %parallel_loop3A_342 = arith.constant 200 : i32
      %parallel_loop3A_343 = arith.muli %parallel_loop3A_341, %parallel_loop3A_342 : i32
      %parallel_loop3A_344 = vector.broadcast %parallel_loop3A_343 : i32 to vector<16xi32>
      %parallel_loop3A_345 = arith.addi %mul3A_5, %parallel_loop3A_344 : vector<16xi32>
      %parallel_loop3A_346 = arith.constant 196 : i32
      %parallel_loop3A_347 = arith.addi %parallel_loop3A_346, %parallel_loop3A_337 : i32
      %parallel_loop3A_348 = vector.broadcast %parallel_loop3A_347 : i32 to vector<16xi32>
      %parallel_loop3A_349 = arith.addi %parallel_loop3A_345, %parallel_loop3A_348 : vector<16xi32>
      %parallel_loop3A_350 = tpu.vector_load_idx %arg5[%parallel_loop3A_349] : memref<25600xi32, #tpu.memory_space<vmem>>[vector<16xi32>], vector<16xi32>,
      %parallel_loop3A_351 = arith.constant 128 : i32
      %parallel_loop3A_352 = arith.muli %parallel_loop3A_337, %parallel_loop3A_351 : i32
      %parallel_loop3A_353 = arith.constant 16 : i32
      %parallel_loop3A_354 = arith.muli %parallel_loop3A_339, %parallel_loop3A_353 : i32
      %parallel_loop3A_355 = arith.addi %parallel_loop3A_352, %parallel_loop3A_354 : i32
      %parallel_loop3A_356 = arith.constant 1 : i32
      %parallel_loop3A_357 = arith.index_cast %parallel_loop3A_356 : i32 to index
      %parallel_loop3A_358 = arith.index_cast %parallel_loop3A_355 : i32 to index
      %parallel_loop3A_359 = tpu.vector_load %arg6[%parallel_loop3A_357, %parallel_loop3A_358] {strides = array<i32>} : memref<2x512xi32, #tpu.memory_space<vmem>>, vector<16xi32>,
      tpu.vector_store %arg6[%parallel_loop3A_357, %parallel_loop3A_358], %parallel_loop3A_350 {strides = array<i32>} : memref<2x512xi32, #tpu.memory_space<vmem>>, vector<16xi32>,
    } {sc.loop_unroll_factor = 4 : i64, sc.parallel_access}
    %dma_start3A_152 = arith.constant 1 : i32
    %dma_start3A_153 = arith.constant 1 : i32
    %dma_start3A_154 = arith.constant 1 : i32
    %dma_start3A_155 = arith.constant 0 : i32
    %dma_start3A_156 = arith.constant 0 : i32
    %dma_start3A_157 = tpu.memref_slice %arg7[%dma_start3A_153, %dma_start3A_155, %dma_start3A_156] : memref<2x512x32xf32, #tpu.memory_space<vmem>> -> memref<1x512x32xf32, #tpu.memory_space<vmem>>
    %dma_start3A_158 = tpu.memref_squeeze %dma_start3A_157 : memref<1x512x32xf32, #tpu.memory_space<vmem>> -> memref<512x32xf32, #tpu.memory_space<vmem>>
    %dma_start3A_159 = arith.constant 0 : i32
    %dma_start3A_160 = tpu.memref_slice %arg6[%dma_start3A_152, %dma_start3A_159] : memref<2x512xi32, #tpu.memory_space<vmem>> -> memref<1x512xi32, #tpu.memory_space<vmem>>
    %dma_start3A_161 = tpu.memref_squeeze %dma_start3A_160 : memref<1x512xi32, #tpu.memory_space<vmem>> -> memref<512xi32, #tpu.memory_space<vmem>>
    %dma_start3A_162 = arith.constant 0 : i32
    %dma_start3A_163 = arith.constant 0 : i32
    %dma_start3A_164 = tpu.memref_slice %arg3[%dma_start3A_162, %dma_start3A_163] : memref<1000000x32xf32, #tpu.memory_space<hbm>> -> memref<1000000x32xf32, #tpu.memory_space<hbm>>
    %dma_start3A_165 = tpu.memref_slice %arg9[%dma_start3A_154] : memref<2x!tpu.dma_semaphore, #tpu.memory_space<semaphore_mem>> -> memref<1x!tpu.dma_semaphore, #tpu.memory_space<semaphore_mem>>
    %dma_start3A_166 = tpu.memref_squeeze %dma_start3A_165 : memref<1x!tpu.dma_semaphore, #tpu.memory_space<semaphore_mem>> -> memref<!tpu.dma_semaphore, #tpu.memory_space<semaphore_mem>>
    tpu.enqueue_indirect_dma source(%dma_start3A_164 : memref<1000000x32xf32, #tpu.memory_space<hbm>>) target(%dma_start3A_158 : memref<512x32xf32, #tpu.memory_space<vmem>>) offsets(%dma_start3A_161 : memref<512xi32, #tpu.memory_space<vmem>>) semaphore(%dma_start3A_166 : memref<!tpu.dma_semaphore, #tpu.memory_space<semaphore_mem>>)
    %dma_wait3A_167 = arith.constant 0 : i32
    %dma_wait3A_168 = arith.constant 0 : i32
    %dma_wait3A_169 = arith.constant 0 : i32
    %dma_wait3A_170 = arith.constant 0 : i32
    %dma_wait3A_171 = arith.constant 0 : i32
    %dma_wait3A_172 = tpu.memref_slice %arg7[%dma_wait3A_168, %dma_wait3A_170, %dma_wait3A_171] : memref<2x512x32xf32, #tpu.memory_space<vmem>> -> memref<1x512x32xf32, #tpu.memory_space<vmem>>
    %dma_wait3A_173 = tpu.memref_squeeze %dma_wait3A_172 : memref<1x512x32xf32, #tpu.memory_space<vmem>> -> memref<512x32xf32, #tpu.memory_space<vmem>>
    %dma_wait3A_174 = arith.constant 0 : i32
    %dma_wait3A_175 = tpu.memref_slice %arg6[%dma_wait3A_167, %dma_wait3A_174] : memref<2x512xi32, #tpu.memory_space<vmem>> -> memref<1x512xi32, #tpu.memory_space<vmem>>
    %dma_wait3A_176 = tpu.memref_squeeze %dma_wait3A_175 : memref<1x512xi32, #tpu.memory_space<vmem>> -> memref<512xi32, #tpu.memory_space<vmem>>
    %dma_wait3A_177 = arith.constant 0 : i32
    %dma_wait3A_178 = arith.constant 0 : i32
    %dma_wait3A_179 = tpu.memref_slice %arg3[%dma_wait3A_177, %dma_wait3A_178] : memref<1000000x32xf32, #tpu.memory_space<hbm>> -> memref<1000000x32xf32, #tpu.memory_space<hbm>>
    %dma_wait3A_180 = tpu.memref_slice %arg9[%dma_wait3A_169] : memref<2x!tpu.dma_semaphore, #tpu.memory_space<semaphore_mem>> -> memref<1x!tpu.dma_semaphore, #tpu.memory_space<semaphore_mem>>
    %dma_wait3A_181 = tpu.memref_squeeze %dma_wait3A_180 : memref<1x!tpu.dma_semaphore, #tpu.memory_space<semaphore_mem>> -> memref<!tpu.dma_semaphore, #tpu.memory_space<semaphore_mem>>
    tpu.wait_indirect_dma semaphore(%dma_wait3A_181 : memref<!tpu.dma_semaphore, #tpu.memory_space<semaphore_mem>>) src(%dma_wait3A_179 : memref<1000000x32xf32, #tpu.memory_space<hbm>>) dst(%dma_wait3A_173 : memref<512x32xf32, #tpu.memory_space<vmem>>)
    %parallel_loop3A_182 = arith.constant 0 : i32
    %parallel_loop3A_183 = arith.constant 512 : i32
    %parallel_loop3A_184 = arith.constant 1 : i32
    scf.for %parallel_loop3A_335 = %parallel_loop3A_182 to %parallel_loop3A_183 step %parallel_loop3A_184  : i32 {
      %parallel_loop3A_336 = arith.constant 7 : i32
      %parallel_loop3A_337 = arith.shrsi %parallel_loop3A_335, %parallel_loop3A_336 : i32
      %parallel_loop3A_338 = arith.constant 127 : i32
      %parallel_loop3A_339 = arith.andi %parallel_loop3A_335, %parallel_loop3A_338 : i32
      %parallel_loop3A_340 = arith.constant 0 : i32
      %parallel_loop3A_341 = arith.index_cast %parallel_loop3A_340 : i32 to index
      %parallel_loop3A_342 = arith.index_cast %parallel_loop3A_335 : i32 to index
      %parallel_loop3A_343 = arith.constant 0 : index
      %parallel_loop3A_344 = tpu.vector_load %arg7[%parallel_loop3A_341, %parallel_loop3A_342, %parallel_loop3A_343] {strides = array<i32>} : memref<2x512x32xf32, #tpu.memory_space<vmem>>, vector<16xf32>,
      %parallel_loop3A_345 = arith.constant 0 : i32
      %parallel_loop3A_346 = arith.index_cast %parallel_loop3A_345 : i32 to index
      %parallel_loop3A_347 = arith.index_cast %parallel_loop3A_335 : i32 to index
      %parallel_loop3A_348 = arith.constant 16 : index
      %parallel_loop3A_349 = tpu.vector_load %arg7[%parallel_loop3A_346, %parallel_loop3A_347, %parallel_loop3A_348] {strides = array<i32>} : memref<2x512x32xf32, #tpu.memory_space<vmem>>, vector<16xf32>,
      %parallel_loop3A_350 = arith.constant 4 : i32
      %parallel_loop3A_351 = arith.muli %parallel_loop3A_337, %parallel_loop3A_350 : i32
      %parallel_loop3A_352 = vector.broadcast %parallel_loop3A_351 : i32 to vector<16xi32>
      %parallel_loop3A_353 = arith.addi %shift_right_arithmetic3A_10, %parallel_loop3A_352 : vector<16xi32>
      %parallel_loop3A_354 = arith.constant 0 : i32
      %parallel_loop3A_355 = vector.broadcast %parallel_loop3A_354 : i32 to vector<16xi32>
      %parallel_loop3A_356 = vector.broadcast %parallel_loop3A_339 : i32 to vector<16xi32>
      %parallel_loop3A_357 = arith.addi %parallel_loop3A_355, %parallel_loop3A_356 : vector<16xi32>
      %parallel_loop3A_358 = arith.constant 0 : i32
      %parallel_loop3A_359 = arith.constant 0 : i32
      %parallel_loop3A_360 = arith.constant 0 : i32
      %parallel_loop3A_361 = arith.constant 0 : i32
      %parallel_loop3A_362 = tpu.memref_slice %arg8[%parallel_loop3A_358, %parallel_loop3A_359, %parallel_loop3A_360, %parallel_loop3A_361] : memref<2x16x8x129xf32, #tpu.memory_space<vmem>> -> memref<1x16x8x129xf32, #tpu.memory_space<vmem>>
      %parallel_loop3A_363 = tpu.memref_squeeze %parallel_loop3A_362 : memref<1x16x8x129xf32, #tpu.memory_space<vmem>> -> memref<16x8x129xf32, #tpu.memory_space<vmem>>
      tpu.vector_store_idx %parallel_loop3A_363[%parallel_loop3A_353, %and3A_12, %parallel_loop3A_357], %parallel_loop3A_344 : memref<16x8x129xf32, #tpu.memory_space<vmem>>[vector<16xi32>, vector<16xi32>, vector<16xi32>], vector<16xf32>,
      %parallel_loop3A_364 = arith.constant 2 : i32
      %parallel_loop3A_365 = vector.broadcast %parallel_loop3A_364 : i32 to vector<16xi32>
      %parallel_loop3A_366 = arith.addi %parallel_loop3A_353, %parallel_loop3A_365 : vector<16xi32>
      %parallel_loop3A_367 = arith.constant 0 : i32
      %parallel_loop3A_368 = arith.constant 0 : i32
      %parallel_loop3A_369 = arith.constant 0 : i32
      %parallel_loop3A_370 = arith.constant 0 : i32
      %parallel_loop3A_371 = tpu.memref_slice %arg8[%parallel_loop3A_367, %parallel_loop3A_368, %parallel_loop3A_369, %parallel_loop3A_370] : memref<2x16x8x129xf32, #tpu.memory_space<vmem>> -> memref<1x16x8x129xf32, #tpu.memory_space<vmem>>
      %parallel_loop3A_372 = tpu.memref_squeeze %parallel_loop3A_371 : memref<1x16x8x129xf32, #tpu.memory_space<vmem>> -> memref<16x8x129xf32, #tpu.memory_space<vmem>>
      tpu.vector_store_idx %parallel_loop3A_372[%parallel_loop3A_366, %and3A_12, %parallel_loop3A_357], %parallel_loop3A_349 : memref<16x8x129xf32, #tpu.memory_space<vmem>>[vector<16xi32>, vector<16xi32>, vector<16xi32>], vector<16xf32>,
    } {sc.loop_unroll_factor = 4 : i64, sc.parallel_access}
    %mul3A_185 = arith.constant 8 : i32
    %mul3A_186 = arith.muli %add3A, %mul3A_185 : i32
    %dma_wait3A_187 = arith.constant 0 : i32
    %dma_wait3A_188 = arith.constant 0 : i32
    %dma_wait3A_189 = arith.constant 0 : i32
    %dma_wait3A_190 = arith.constant 0 : i32
    %dma_wait3A_191 = arith.constant 0 : i32
    %dma_wait3A_192 = tpu.memref_slice %arg8[%dma_wait3A_187, %dma_wait3A_189, %dma_wait3A_190, %dma_wait3A_191] : memref<2x16x8x129xf32, #tpu.memory_space<vmem>> -> memref<1x16x8x128xf32, #tpu.memory_space<vmem>>
    %dma_wait3A_193 = tpu.memref_squeeze %dma_wait3A_192 : memref<1x16x8x128xf32, #tpu.memory_space<vmem>> -> memref<16x8x128xf32, #tpu.memory_space<vmem>>
    %dma_wait3A_194 = arith.constant 736 : i32
    %dma_wait3A_195 = arith.constant 0 : i32
    %dma_wait3A_196 = tpu.memref_slice %arg4[%dma_wait3A_194, %mul3A_186, %dma_wait3A_195] : memref<800x256x128xf32, #tpu.memory_space<hbm>> -> memref<16x8x128xf32, #tpu.memory_space<hbm>>
    %dma_wait3A_197 = tpu.memref_slice %arg10[%dma_wait3A_188] : memref<2x!tpu.dma_semaphore, #tpu.memory_space<semaphore_mem>> -> memref<1x!tpu.dma_semaphore, #tpu.memory_space<semaphore_mem>>
    %dma_wait3A_198 = tpu.memref_squeeze %dma_wait3A_197 : memref<1x!tpu.dma_semaphore, #tpu.memory_space<semaphore_mem>> -> memref<!tpu.dma_semaphore, #tpu.memory_space<semaphore_mem>>
    %dma_wait3A_199 = arith.constant 736 : i32
    %dma_wait3A_200 = arith.constant 0 : i32
    %dma_wait3A_201 = tpu.memref_slice %arg4[%dma_wait3A_199, %mul3A_186, %dma_wait3A_200] : memref<800x256x128xf32, #tpu.memory_space<hbm>> -> memref<16x8x128xf32, #tpu.memory_space<hbm>>
    %dma_wait3A_202 = arith.constant 0 : i32
    %dma_wait3A_203 = arith.constant 0 : i32
    %dma_wait3A_204 = arith.constant 0 : i32
    %dma_wait3A_205 = tpu.memref_slice %arg8[%dma_wait3A_187, %dma_wait3A_202, %dma_wait3A_203, %dma_wait3A_204] : memref<2x16x8x129xf32, #tpu.memory_space<vmem>> -> memref<1x16x8x128xf32, #tpu.memory_space<vmem>>
    %dma_wait3A_206 = tpu.memref_squeeze %dma_wait3A_205 : memref<1x16x8x128xf32, #tpu.memory_space<vmem>> -> memref<16x8x128xf32, #tpu.memory_space<vmem>>
    tpu.wait_dma2 semaphore(%dma_wait3A_198 : memref<!tpu.dma_semaphore, #tpu.memory_space<semaphore_mem>>) src(%dma_wait3A_206 : memref<16x8x128xf32, #tpu.memory_space<vmem>>) dst(%dma_wait3A_201 : memref<16x8x128xf32, #tpu.memory_space<hbm>>)
    %mul3A_207 = arith.constant 8 : i32
    %mul3A_208 = arith.muli %add3A, %mul3A_207 : i32
    %dma_start3A_209 = arith.constant 0 : i32
    %dma_start3A_210 = arith.constant 0 : i32
    %dma_start3A_211 = arith.constant 0 : i32
    %dma_start3A_212 = arith.constant 0 : i32
    %dma_start3A_213 = arith.constant 0 : i32
    %dma_start3A_214 = tpu.memref_slice %arg8[%dma_start3A_209, %dma_start3A_211, %dma_start3A_212, %dma_start3A_213] : memref<2x16x8x129xf32, #tpu.memory_space<vmem>> -> memref<1x16x8x128xf32, #tpu.memory_space<vmem>>
    %dma_start3A_215 = tpu.memref_squeeze %dma_start3A_214 : memref<1x16x8x128xf32, #tpu.memory_space<vmem>> -> memref<16x8x128xf32, #tpu.memory_space<vmem>>
    %dma_start3A_216 = arith.constant 768 : i32
    %dma_start3A_217 = arith.constant 0 : i32
    %dma_start3A_218 = tpu.memref_slice %arg4[%dma_start3A_216, %mul3A_208, %dma_start3A_217] : memref<800x256x128xf32, #tpu.memory_space<hbm>> -> memref<16x8x128xf32, #tpu.memory_space<hbm>>
    %dma_start3A_219 = tpu.memref_slice %arg10[%dma_start3A_210] : memref<2x!tpu.dma_semaphore, #tpu.memory_space<semaphore_mem>> -> memref<1x!tpu.dma_semaphore, #tpu.memory_space<semaphore_mem>>
    %dma_start3A_220 = tpu.memref_squeeze %dma_start3A_219 : memref<1x!tpu.dma_semaphore, #tpu.memory_space<semaphore_mem>> -> memref<!tpu.dma_semaphore, #tpu.memory_space<semaphore_mem>>
    %dma_start3A_221 = arith.constant 768 : i32
    %dma_start3A_222 = arith.constant 0 : i32
    %dma_start3A_223 = tpu.memref_slice %arg4[%dma_start3A_221, %mul3A_208, %dma_start3A_222] : memref<800x256x128xf32, #tpu.memory_space<hbm>> -> memref<16x8x128xf32, #tpu.memory_space<hbm>>
    %dma_start3A_224 = arith.constant 0 : i32
    %dma_start3A_225 = arith.constant 0 : i32
    %dma_start3A_226 = arith.constant 0 : i32
    %dma_start3A_227 = tpu.memref_slice %arg8[%dma_start3A_209, %dma_start3A_224, %dma_start3A_225, %dma_start3A_226] : memref<2x16x8x129xf32, #tpu.memory_space<vmem>> -> memref<1x16x8x128xf32, #tpu.memory_space<vmem>>
    %dma_start3A_228 = tpu.memref_squeeze %dma_start3A_227 : memref<1x16x8x128xf32, #tpu.memory_space<vmem>> -> memref<16x8x128xf32, #tpu.memory_space<vmem>>
    tpu.enqueue_dma source(%dma_start3A_228 : memref<16x8x128xf32, #tpu.memory_space<vmem>>) target(%dma_start3A_223 : memref<16x8x128xf32, #tpu.memory_space<hbm>>) target_semaphore(%dma_start3A_220 : memref<!tpu.dma_semaphore, #tpu.memory_space<semaphore_mem>>)
    %dma_wait3A_229 = arith.constant 1 : i32
    %dma_wait3A_230 = arith.constant 1 : i32
    %dma_wait3A_231 = arith.constant 1 : i32
    %dma_wait3A_232 = arith.constant 0 : i32
    %dma_wait3A_233 = arith.constant 0 : i32
    %dma_wait3A_234 = tpu.memref_slice %arg7[%dma_wait3A_230, %dma_wait3A_232, %dma_wait3A_233] : memref<2x512x32xf32, #tpu.memory_space<vmem>> -> memref<1x512x32xf32, #tpu.memory_space<vmem>>
    %dma_wait3A_235 = tpu.memref_squeeze %dma_wait3A_234 : memref<1x512x32xf32, #tpu.memory_space<vmem>> -> memref<512x32xf32, #tpu.memory_space<vmem>>
    %dma_wait3A_236 = arith.constant 0 : i32
    %dma_wait3A_237 = tpu.memref_slice %arg6[%dma_wait3A_229, %dma_wait3A_236] : memref<2x512xi32, #tpu.memory_space<vmem>> -> memref<1x512xi32, #tpu.memory_space<vmem>>
    %dma_wait3A_238 = tpu.memref_squeeze %dma_wait3A_237 : memref<1x512xi32, #tpu.memory_space<vmem>> -> memref<512xi32, #tpu.memory_space<vmem>>
    %dma_wait3A_239 = arith.constant 0 : i32
    %dma_wait3A_240 = arith.constant 0 : i32
    %dma_wait3A_241 = tpu.memref_slice %arg3[%dma_wait3A_239, %dma_wait3A_240] : memref<1000000x32xf32, #tpu.memory_space<hbm>> -> memref<1000000x32xf32, #tpu.memory_space<hbm>>
    %dma_wait3A_242 = tpu.memref_slice %arg9[%dma_wait3A_231] : memref<2x!tpu.dma_semaphore, #tpu.memory_space<semaphore_mem>> -> memref<1x!tpu.dma_semaphore, #tpu.memory_space<semaphore_mem>>
    %dma_wait3A_243 = tpu.memref_squeeze %dma_wait3A_242 : memref<1x!tpu.dma_semaphore, #tpu.memory_space<semaphore_mem>> -> memref<!tpu.dma_semaphore, #tpu.memory_space<semaphore_mem>>
    tpu.wait_indirect_dma semaphore(%dma_wait3A_243 : memref<!tpu.dma_semaphore, #tpu.memory_space<semaphore_mem>>) src(%dma_wait3A_241 : memref<1000000x32xf32, #tpu.memory_space<hbm>>) dst(%dma_wait3A_235 : memref<512x32xf32, #tpu.memory_space<vmem>>)
    %parallel_loop3A_244 = arith.constant 0 : i32
    %parallel_loop3A_245 = arith.constant 512 : i32
    %parallel_loop3A_246 = arith.constant 1 : i32
    scf.for %parallel_loop3A_335 = %parallel_loop3A_244 to %parallel_loop3A_245 step %parallel_loop3A_246  : i32 {
      %parallel_loop3A_336 = arith.constant 7 : i32
      %parallel_loop3A_337 = arith.shrsi %parallel_loop3A_335, %parallel_loop3A_336 : i32
      %parallel_loop3A_338 = arith.constant 127 : i32
      %parallel_loop3A_339 = arith.andi %parallel_loop3A_335, %parallel_loop3A_338 : i32
      %parallel_loop3A_340 = arith.constant 1 : i32
      %parallel_loop3A_341 = arith.index_cast %parallel_loop3A_340 : i32 to index
      %parallel_loop3A_342 = arith.index_cast %parallel_loop3A_335 : i32 to index
      %parallel_loop3A_343 = arith.constant 0 : index
      %parallel_loop3A_344 = tpu.vector_load %arg7[%parallel_loop3A_341, %parallel_loop3A_342, %parallel_loop3A_343] {strides = array<i32>} : memref<2x512x32xf32, #tpu.memory_space<vmem>>, vector<16xf32>,
      %parallel_loop3A_345 = arith.constant 1 : i32
      %parallel_loop3A_346 = arith.index_cast %parallel_loop3A_345 : i32 to index
      %parallel_loop3A_347 = arith.index_cast %parallel_loop3A_335 : i32 to index
      %parallel_loop3A_348 = arith.constant 16 : index
      %parallel_loop3A_349 = tpu.vector_load %arg7[%parallel_loop3A_346, %parallel_loop3A_347, %parallel_loop3A_348] {strides = array<i32>} : memref<2x512x32xf32, #tpu.memory_space<vmem>>, vector<16xf32>,
      %parallel_loop3A_350 = arith.constant 4 : i32
      %parallel_loop3A_351 = arith.muli %parallel_loop3A_337, %parallel_loop3A_350 : i32
      %parallel_loop3A_352 = vector.broadcast %parallel_loop3A_351 : i32 to vector<16xi32>
      %parallel_loop3A_353 = arith.addi %shift_right_arithmetic3A_10, %parallel_loop3A_352 : vector<16xi32>
      %parallel_loop3A_354 = arith.constant 0 : i32
      %parallel_loop3A_355 = vector.broadcast %parallel_loop3A_354 : i32 to vector<16xi32>
      %parallel_loop3A_356 = vector.broadcast %parallel_loop3A_339 : i32 to vector<16xi32>
      %parallel_loop3A_357 = arith.addi %parallel_loop3A_355, %parallel_loop3A_356 : vector<16xi32>
      %parallel_loop3A_358 = arith.constant 1 : i32
      %parallel_loop3A_359 = arith.constant 0 : i32
      %parallel_loop3A_360 = arith.constant 0 : i32
      %parallel_loop3A_361 = arith.constant 0 : i32
      %parallel_loop3A_362 = tpu.memref_slice %arg8[%parallel_loop3A_358, %parallel_loop3A_359, %parallel_loop3A_360, %parallel_loop3A_361] : memref<2x16x8x129xf32, #tpu.memory_space<vmem>> -> memref<1x16x8x129xf32, #tpu.memory_space<vmem>>
      %parallel_loop3A_363 = tpu.memref_squeeze %parallel_loop3A_362 : memref<1x16x8x129xf32, #tpu.memory_space<vmem>> -> memref<16x8x129xf32, #tpu.memory_space<vmem>>
      tpu.vector_store_idx %parallel_loop3A_363[%parallel_loop3A_353, %and3A_12, %parallel_loop3A_357], %parallel_loop3A_344 : memref<16x8x129xf32, #tpu.memory_space<vmem>>[vector<16xi32>, vector<16xi32>, vector<16xi32>], vector<16xf32>,
      %parallel_loop3A_364 = arith.constant 2 : i32
      %parallel_loop3A_365 = vector.broadcast %parallel_loop3A_364 : i32 to vector<16xi32>
      %parallel_loop3A_366 = arith.addi %parallel_loop3A_353, %parallel_loop3A_365 : vector<16xi32>
      %parallel_loop3A_367 = arith.constant 1 : i32
      %parallel_loop3A_368 = arith.constant 0 : i32
      %parallel_loop3A_369 = arith.constant 0 : i32
      %parallel_loop3A_370 = arith.constant 0 : i32
      %parallel_loop3A_371 = tpu.memref_slice %arg8[%parallel_loop3A_367, %parallel_loop3A_368, %parallel_loop3A_369, %parallel_loop3A_370] : memref<2x16x8x129xf32, #tpu.memory_space<vmem>> -> memref<1x16x8x129xf32, #tpu.memory_space<vmem>>
      %parallel_loop3A_372 = tpu.memref_squeeze %parallel_loop3A_371 : memref<1x16x8x129xf32, #tpu.memory_space<vmem>> -> memref<16x8x129xf32, #tpu.memory_space<vmem>>
      tpu.vector_store_idx %parallel_loop3A_372[%parallel_loop3A_366, %and3A_12, %parallel_loop3A_357], %parallel_loop3A_349 : memref<16x8x129xf32, #tpu.memory_space<vmem>>[vector<16xi32>, vector<16xi32>, vector<16xi32>], vector<16xf32>,
    } {sc.loop_unroll_factor = 4 : i64, sc.parallel_access}
    %mul3A_247 = arith.constant 8 : i32
    %mul3A_248 = arith.muli %add3A, %mul3A_247 : i32
    %dma_wait3A_249 = arith.constant 1 : i32
    %dma_wait3A_250 = arith.constant 1 : i32
    %dma_wait3A_251 = arith.constant 0 : i32
    %dma_wait3A_252 = arith.constant 0 : i32
    %dma_wait3A_253 = arith.constant 0 : i32
    %dma_wait3A_254 = tpu.memref_slice %arg8[%dma_wait3A_249, %dma_wait3A_251, %dma_wait3A_252, %dma_wait3A_253] : memref<2x16x8x129xf32, #tpu.memory_space<vmem>> -> memref<1x16x8x128xf32, #tpu.memory_space<vmem>>
    %dma_wait3A_255 = tpu.memref_squeeze %dma_wait3A_254 : memref<1x16x8x128xf32, #tpu.memory_space<vmem>> -> memref<16x8x128xf32, #tpu.memory_space<vmem>>
    %dma_wait3A_256 = arith.constant 752 : i32
    %dma_wait3A_257 = arith.constant 0 : i32
    %dma_wait3A_258 = tpu.memref_slice %arg4[%dma_wait3A_256, %mul3A_248, %dma_wait3A_257] : memref<800x256x128xf32, #tpu.memory_space<hbm>> -> memref<16x8x128xf32, #tpu.memory_space<hbm>>
    %dma_wait3A_259 = tpu.memref_slice %arg10[%dma_wait3A_250] : memref<2x!tpu.dma_semaphore, #tpu.memory_space<semaphore_mem>> -> memref<1x!tpu.dma_semaphore, #tpu.memory_space<semaphore_mem>>
    %dma_wait3A_260 = tpu.memref_squeeze %dma_wait3A_259 : memref<1x!tpu.dma_semaphore, #tpu.memory_space<semaphore_mem>> -> memref<!tpu.dma_semaphore, #tpu.memory_space<semaphore_mem>>
    %dma_wait3A_261 = arith.constant 752 : i32
    %dma_wait3A_262 = arith.constant 0 : i32
    %dma_wait3A_263 = tpu.memref_slice %arg4[%dma_wait3A_261, %mul3A_248, %dma_wait3A_262] : memref<800x256x128xf32, #tpu.memory_space<hbm>> -> memref<16x8x128xf32, #tpu.memory_space<hbm>>
    %dma_wait3A_264 = arith.constant 0 : i32
    %dma_wait3A_265 = arith.constant 0 : i32
    %dma_wait3A_266 = arith.constant 0 : i32
    %dma_wait3A_267 = tpu.memref_slice %arg8[%dma_wait3A_249, %dma_wait3A_264, %dma_wait3A_265, %dma_wait3A_266] : memref<2x16x8x129xf32, #tpu.memory_space<vmem>> -> memref<1x16x8x128xf32, #tpu.memory_space<vmem>>
    %dma_wait3A_268 = tpu.memref_squeeze %dma_wait3A_267 : memref<1x16x8x128xf32, #tpu.memory_space<vmem>> -> memref<16x8x128xf32, #tpu.memory_space<vmem>>
    tpu.wait_dma2 semaphore(%dma_wait3A_260 : memref<!tpu.dma_semaphore, #tpu.memory_space<semaphore_mem>>) src(%dma_wait3A_268 : memref<16x8x128xf32, #tpu.memory_space<vmem>>) dst(%dma_wait3A_263 : memref<16x8x128xf32, #tpu.memory_space<hbm>>)
    %mul3A_269 = arith.constant 8 : i32
    %mul3A_270 = arith.muli %add3A, %mul3A_269 : i32
    %dma_start3A_271 = arith.constant 1 : i32
    %dma_start3A_272 = arith.constant 1 : i32
    %dma_start3A_273 = arith.constant 0 : i32
    %dma_start3A_274 = arith.constant 0 : i32
    %dma_start3A_275 = arith.constant 0 : i32
    %dma_start3A_276 = tpu.memref_slice %arg8[%dma_start3A_271, %dma_start3A_273, %dma_start3A_274, %dma_start3A_275] : memref<2x16x8x129xf32, #tpu.memory_space<vmem>> -> memref<1x16x8x128xf32, #tpu.memory_space<vmem>>
    %dma_start3A_277 = tpu.memref_squeeze %dma_start3A_276 : memref<1x16x8x128xf32, #tpu.memory_space<vmem>> -> memref<16x8x128xf32, #tpu.memory_space<vmem>>
    %dma_start3A_278 = arith.constant 784 : i32
    %dma_start3A_279 = arith.constant 0 : i32
    %dma_start3A_280 = tpu.memref_slice %arg4[%dma_start3A_278, %mul3A_270, %dma_start3A_279] : memref<800x256x128xf32, #tpu.memory_space<hbm>> -> memref<16x8x128xf32, #tpu.memory_space<hbm>>
    %dma_start3A_281 = tpu.memref_slice %arg10[%dma_start3A_272] : memref<2x!tpu.dma_semaphore, #tpu.memory_space<semaphore_mem>> -> memref<1x!tpu.dma_semaphore, #tpu.memory_space<semaphore_mem>>
    %dma_start3A_282 = tpu.memref_squeeze %dma_start3A_281 : memref<1x!tpu.dma_semaphore, #tpu.memory_space<semaphore_mem>> -> memref<!tpu.dma_semaphore, #tpu.memory_space<semaphore_mem>>
    %dma_start3A_283 = arith.constant 784 : i32
    %dma_start3A_284 = arith.constant 0 : i32
    %dma_start3A_285 = tpu.memref_slice %arg4[%dma_start3A_283, %mul3A_270, %dma_start3A_284] : memref<800x256x128xf32, #tpu.memory_space<hbm>> -> memref<16x8x128xf32, #tpu.memory_space<hbm>>
    %dma_start3A_286 = arith.constant 0 : i32
    %dma_start3A_287 = arith.constant 0 : i32
    %dma_start3A_288 = arith.constant 0 : i32
    %dma_start3A_289 = tpu.memref_slice %arg8[%dma_start3A_271, %dma_start3A_286, %dma_start3A_287, %dma_start3A_288] : memref<2x16x8x129xf32, #tpu.memory_space<vmem>> -> memref<1x16x8x128xf32, #tpu.memory_space<vmem>>
    %dma_start3A_290 = tpu.memref_squeeze %dma_start3A_289 : memref<1x16x8x128xf32, #tpu.memory_space<vmem>> -> memref<16x8x128xf32, #tpu.memory_space<vmem>>
    tpu.enqueue_dma source(%dma_start3A_290 : memref<16x8x128xf32, #tpu.memory_space<vmem>>) target(%dma_start3A_285 : memref<16x8x128xf32, #tpu.memory_space<hbm>>) target_semaphore(%dma_start3A_282 : memref<!tpu.dma_semaphore, #tpu.memory_space<semaphore_mem>>)
    %mul3A_291 = arith.constant 8 : i32
    %mul3A_292 = arith.muli %add3A, %mul3A_291 : i32
    %dma_wait3A_293 = arith.constant 0 : i32
    %dma_wait3A_294 = arith.constant 0 : i32
    %dma_wait3A_295 = arith.constant 0 : i32
    %dma_wait3A_296 = arith.constant 0 : i32
    %dma_wait3A_297 = arith.constant 0 : i32
    %dma_wait3A_298 = tpu.memref_slice %arg8[%dma_wait3A_293, %dma_wait3A_295, %dma_wait3A_296, %dma_wait3A_297] : memref<2x16x8x129xf32, #tpu.memory_space<vmem>> -> memref<1x16x8x128xf32, #tpu.memory_space<vmem>>
    %dma_wait3A_299 = tpu.memref_squeeze %dma_wait3A_298 : memref<1x16x8x128xf32, #tpu.memory_space<vmem>> -> memref<16x8x128xf32, #tpu.memory_space<vmem>>
    %dma_wait3A_300 = arith.constant 768 : i32
    %dma_wait3A_301 = arith.constant 0 : i32
    %dma_wait3A_302 = tpu.memref_slice %arg4[%dma_wait3A_300, %mul3A_292, %dma_wait3A_301] : memref<800x256x128xf32, #tpu.memory_space<hbm>> -> memref<16x8x128xf32, #tpu.memory_space<hbm>>
    %dma_wait3A_303 = tpu.memref_slice %arg10[%dma_wait3A_294] : memref<2x!tpu.dma_semaphore, #tpu.memory_space<semaphore_mem>> -> memref<1x!tpu.dma_semaphore, #tpu.memory_space<semaphore_mem>>
    %dma_wait3A_304 = tpu.memref_squeeze %dma_wait3A_303 : memref<1x!tpu.dma_semaphore, #tpu.memory_space<semaphore_mem>> -> memref<!tpu.dma_semaphore, #tpu.memory_space<semaphore_mem>>
    %dma_wait3A_305 = arith.constant 768 : i32
    %dma_wait3A_306 = arith.constant 0 : i32
    %dma_wait3A_307 = tpu.memref_slice %arg4[%dma_wait3A_305, %mul3A_292, %dma_wait3A_306] : memref<800x256x128xf32, #tpu.memory_space<hbm>> -> memref<16x8x128xf32, #tpu.memory_space<hbm>>
    %dma_wait3A_308 = arith.constant 0 : i32
    %dma_wait3A_309 = arith.constant 0 : i32
    %dma_wait3A_310 = arith.constant 0 : i32
    %dma_wait3A_311 = tpu.memref_slice %arg8[%dma_wait3A_293, %dma_wait3A_308, %dma_wait3A_309, %dma_wait3A_310] : memref<2x16x8x129xf32, #tpu.memory_space<vmem>> -> memref<1x16x8x128xf32, #tpu.memory_space<vmem>>
    %dma_wait3A_312 = tpu.memref_squeeze %dma_wait3A_311 : memref<1x16x8x128xf32, #tpu.memory_space<vmem>> -> memref<16x8x128xf32, #tpu.memory_space<vmem>>
    tpu.wait_dma2 semaphore(%dma_wait3A_304 : memref<!tpu.dma_semaphore, #tpu.memory_space<semaphore_mem>>) src(%dma_wait3A_312 : memref<16x8x128xf32, #tpu.memory_space<vmem>>) dst(%dma_wait3A_307 : memref<16x8x128xf32, #tpu.memory_space<hbm>>)
    %mul3A_313 = arith.constant 8 : i32
    %mul3A_314 = arith.muli %add3A, %mul3A_313 : i32
    %dma_wait3A_315 = arith.constant 1 : i32
    %dma_wait3A_316 = arith.constant 1 : i32
    %dma_wait3A_317 = arith.constant 0 : i32
    %dma_wait3A_318 = arith.constant 0 : i32
    %dma_wait3A_319 = arith.constant 0 : i32
    %dma_wait3A_320 = tpu.memref_slice %arg8[%dma_wait3A_315, %dma_wait3A_317, %dma_wait3A_318, %dma_wait3A_319] : memref<2x16x8x129xf32, #tpu.memory_space<vmem>> -> memref<1x16x8x128xf32, #tpu.memory_space<vmem>>
    %dma_wait3A_321 = tpu.memref_squeeze %dma_wait3A_320 : memref<1x16x8x128xf32, #tpu.memory_space<vmem>> -> memref<16x8x128xf32, #tpu.memory_space<vmem>>
    %dma_wait3A_322 = arith.constant 784 : i32
    %dma_wait3A_323 = arith.constant 0 : i32
    %dma_wait3A_324 = tpu.memref_slice %arg4[%dma_wait3A_322, %mul3A_314, %dma_wait3A_323] : memref<800x256x128xf32, #tpu.memory_space<hbm>> -> memref<16x8x128xf32, #tpu.memory_space<hbm>>
    %dma_wait3A_325 = tpu.memref_slice %arg10[%dma_wait3A_316] : memref<2x!tpu.dma_semaphore, #tpu.memory_space<semaphore_mem>> -> memref<1x!tpu.dma_semaphore, #tpu.memory_space<semaphore_mem>>
    %dma_wait3A_326 = tpu.memref_squeeze %dma_wait3A_325 : memref<1x!tpu.dma_semaphore, #tpu.memory_space<semaphore_mem>> -> memref<!tpu.dma_semaphore, #tpu.memory_space<semaphore_mem>>
    %dma_wait3A_327 = arith.constant 784 : i32
    %dma_wait3A_328 = arith.constant 0 : i32
    %dma_wait3A_329 = tpu.memref_slice %arg4[%dma_wait3A_327, %mul3A_314, %dma_wait3A_328] : memref<800x256x128xf32, #tpu.memory_space<hbm>> -> memref<16x8x128xf32, #tpu.memory_space<hbm>>
    %dma_wait3A_330 = arith.constant 0 : i32
    %dma_wait3A_331 = arith.constant 0 : i32
    %dma_wait3A_332 = arith.constant 0 : i32
    %dma_wait3A_333 = tpu.memref_slice %arg8[%dma_wait3A_315, %dma_wait3A_330, %dma_wait3A_331, %dma_wait3A_332] : memref<2x16x8x129xf32, #tpu.memory_space<vmem>> -> memref<1x16x8x128xf32, #tpu.memory_space<vmem>>
    %dma_wait3A_334 = tpu.memref_squeeze %dma_wait3A_333 : memref<1x16x8x128xf32, #tpu.memory_space<vmem>> -> memref<16x8x128xf32, #tpu.memory_space<vmem>>
    tpu.wait_dma2 semaphore(%dma_wait3A_326 : memref<!tpu.dma_semaphore, #tpu.memory_space<semaphore_mem>>) src(%dma_wait3A_334 : memref<16x8x128xf32, #tpu.memory_space<vmem>>) dst(%dma_wait3A_329 : memref<16x8x128xf32, #tpu.memory_space<hbm>>)
    return
  }
}

</mosaic_0001>

<sc_bundles>
// kernel: _embed.3.cloned.1.call-start
scs
__scs_entry_jumppad:
0x0: {  	(pc) =	sbr.rel $0x88, $3  }
0x1: {  	(tag) =	ssettag $0x0;
	lr =	simm.s32 $0x1  }
0x2: {  	[smem:$0x3F9F] =	sst lr;
	_ =	strace $0xD0000000  }
0x3: {  	_ = 	snop  }
0x4: {  	_ = 	snop  }
0x5: {  	_ = 	snop  }
0x6: {  	_ = 	snop  }
0x7: {  	_ = 	snop  }
__scs_overlays_trampoline_lowered:
0x8: {  	[smem:$0x3FAE] =	sst s0  }
0x9: {  	[smem:$0x3FAF] =	sst s1  }
0xa: {  	[smem:$0x3FB0] =	sst s2  }
0xb: {  	[smem:$0x3FB1] =	sst s3  }
0xc: {  	[smem:$0x3FB2] =	sst s4  }
0xd: {  	[smem:$0x3FB3] =	sst s5  }
0xe: {  	[smem:$0x3FB4] =	sst s6  }
0xf: {  	[smem:$0x3FB5] =	sst s7  }
0x10: {  	[smem:$0x3FB6] =	sst s8  }
0x11: {  	[smem:$0x3FB7] =	sst s9;
	s0 =	simm.s32 @!p0 $0x0  }
0x12: {  	s1 =	sld [smem:$0x3F9D];
	s0 =	simm.s32 @p0 $0x1  }
0x13: {  	[smem:$0x3FB8] =	sst s0;
	s0 =	simm.s32 @!p1 $0x0  }
0x14: {  	s2 =	sld [smem:$0x3F9C];
	s0 =	simm.s32 @p1 $0x1  }
0x15: {  	[smem:$0x3FB9] =	sst s0;
	s0 =	simm.s32 @!p2 $0x0  }
0x16: {  	s3 =	sld [smem:$0x3FDB];
	s0 =	simm.s32 @p2 $0x1  }
0x17: {  	s4 =	simm.s32 $0x1BF5;
	[smem:$0x3FBB] =	sst s0  }
0x18: {  	s0 =	sld [smem:$0x3F9E];
	_ =	swait.ge [sflag:s4], $0x0  }
0x19: {  	s7 =	sld [smem:$0x3F9F]  }
0x1a: {  	s8 =	sadd.s32 $0xFFFFE003, lr  }
0x1b: {  	s9 =	sadd.s32 $0xFFFFFEF7, lr;
	s5 =	simm.s32 $0xFFFFFFFF;
	p2 =	slt.u32 s8, $0xFFFFF086  }
0x1c: {  	p1 =	slt.u32 s9, $0xF7A;
	s5 =	simm.s32 @!p2 $0x0  }
0x1d: {  	s5 =	simm.s32 @p1 $0x1;
	p0 =	seq.s32 s7, s2  }
0x1e: {  	s7 =	smul.u32 @!p0 $0xF7A, s2;
	p2 =	seq.s32 @!p0 s5, $0x0  }
0x1f: {  	s9 =	smul.u32 $0xF7A, s1;
	s8 =	simm.s32 @!p0 $0x1BF5;
	p2 =	por !p2, p0  }
0x20: {  	[sflag:s8] =	ssyncset.s32 @!p0 $0xFFFFF086;
	s6 =	sadd.s32 @!p0 s3, s7;
	s7 =	simm.s32 @!p0 $0x108  }
0x21: {  	s3 =	sadd.s32 s3, s9;
	s6 =	sadd.s32 @!p0 $0x88, s6;
	s7 =	simm.s32 @p2 $0x1082  }
0x22: {  	[simem:s7], [sflag:s8] =	dma.local @!p0 [hbm:s6], $0xF7A  }
0x23: {  	s9 =	sor.u32 $0xD0000000, s2;
	s6 =	simm.s32 $0x108;
	_ =	swait.ge @!p0 [sflag:s8], $0x0  }
0x24: {  	s3 =	sadd.s32 $0x88, s3;
	s6 =	simm.s32 @!p1 $0x1082;
	[sflag:s4] =	ssyncset.s32 $0xFFFFF086  }
0x25: {  	[simem:s6], [sflag:s4] =	dma.local [hbm:s3], $0xF7A  }
0x26: {  	[smem:$0x3F9F] =	sst s1;
	(tag) =	ssettag s2;
	_ =	strace s9  }
0x27: {  	s1 =	sld [smem:$0x3FAF]  }
0x28: {  	s2 =	sld [smem:$0x3FB0]  }
0x29: {  	s4 =	sld [smem:$0x3FB2]  }
0x2a: {  	p0 =	seq.s32 s5, $0x0;
	s5 =	sld [smem:$0x3FB3]  }
0x2b: {  	s6 =	sld [smem:$0x3FB4]  }
0x2c: {  	s7 =	sld [smem:$0x3FB5]  }
0x2d: {  	s3 =	simm.s32 $0x108;
	s8 =	sld [smem:$0x3FB6]  }
0x2e: {  	s3 =	simm.s32 @!p0 $0x1082;
	s9 =	sld [smem:$0x3FB7]  }
0x2f: {  	lr =	sadd.s32 s0, s3;
	s0 =	sld [smem:$0x3FAE]  }
0x30: {  	s3 =	sld [smem:$0x3FB1]  }
0x31: {  	[smem:$0x3FBA] =	sst s10  }
0x32: {  	s10 =	sld [smem:$0x3FB8];
	_ =	sdelay $0x3  }
0x33: {  	p0 =	seq.s32 s10, $0x1;
	s10 =	sld [smem:$0x3FBA];
	_ =	sdelay $0x3  }
0x34: {  	[smem:$0x3FBA] =	sst s10  }
0x35: {  	s10 =	sld [smem:$0x3FB9];
	_ =	sdelay $0x3  }
0x36: {  	p1 =	seq.s32 s10, $0x1;
	s10 =	sld [smem:$0x3FBA];
	_ =	sdelay $0x3  }
0x37: {  	[smem:$0x3FBA] =	sst s10  }
0x38: {  	s10 =	sld [smem:$0x3FBB]  }
0x39: {  	_ = 	snop;
	(pc) =	sbr.ind lr, $3  }
0x3a: {  	_ = 	snop  }
0x3b: {  	_ = 	snop  }
0x3c: {  	p2 =	seq.s32 s10, $0x1;
	s10 =	sld [smem:$0x3FBA]  }
0x3d: {  	_ =	shalt  }
0x3e: {  	_ =	shalt  }
0x3f: {  	_ =	shalt  }
0x40: {  	_ =	shalt  }
0x41: {  	_ =	shalt  }
0x42: {  	_ =	shalt  }
0x43: {  	_ =	shalt  }
0x44: {  	_ =	shalt  }
0x45: {  	_ =	shalt  }
0x46: {  	_ =	shalt  }
0x47: {  	_ =	shalt  }
0x48: {  	_ =	shalt  }
0x49: {  	_ =	shalt  }
0x4a: {  	_ =	shalt  }
0x4b: {  	_ =	shalt  }
0x4c: {  	_ =	shalt  }
0x4d: {  	_ =	shalt  }
0x4e: {  	_ =	shalt  }
0x4f: {  	_ =	shalt  }
0x50: {  	_ =	shalt  }
0x51: {  	_ =	shalt  }
0x52: {  	_ =	shalt  }
0x53: {  	_ =	shalt  }
0x54: {  	_ =	shalt  }
0x55: {  	_ =	shalt  }
0x56: {  	_ =	shalt  }
0x57: {  	_ =	shalt  }
0x58: {  	_ =	shalt  }
0x59: {  	_ =	shalt  }
0x5a: {  	_ =	shalt  }
0x5b: {  	_ =	shalt  }
0x5c: {  	_ =	shalt  }
0x5d: {  	_ =	shalt  }
0x5e: {  	_ =	shalt  }
0x5f: {  	_ =	shalt  }
0x60: {  	_ =	shalt  }
0x61: {  	_ =	shalt  }
0x62: {  	_ =	shalt  }
0x63: {  	_ =	shalt  }
0x64: {  	_ =	shalt  }
0x65: {  	_ =	shalt  }
0x66: {  	_ =	shalt  }
0x67: {  	_ =	shalt  }
0x68: {  	_ =	shalt  }
0x69: {  	_ =	shalt  }
0x6a: {  	_ =	shalt  }
0x6b: {  	_ =	shalt  }
0x6c: {  	_ =	shalt  }
0x6d: {  	_ =	shalt  }
0x6e: {  	_ =	shalt  }
0x6f: {  	_ =	shalt  }
0x70: {  	_ =	shalt  }
0x71: {  	_ =	shalt  }
0x72: {  	_ =	shalt  }
0x73: {  	_ =	shalt  }
0x74: {  	_ =	shalt  }
0x75: {  	_ =	shalt  }
0x76: {  	_ =	shalt  }
0x77: {  	_ =	shalt  }
0x78: {  	_ =	shalt  }
0x79: {  	_ =	shalt  }
0x7a: {  	_ =	shalt  }
0x7b: {  	_ =	shalt  }
0x7c: {  	_ =	shalt  }
0x7d: {  	_ =	shalt  }
0x7e: {  	_ =	shalt  }
0x7f: {  	_ =	shalt  }
0x80: {  	_ =	shalt  }
0x81: {  	_ =	shalt  }
0x82: {  	_ =	shalt  }
0x83: {  	_ =	shalt  }
0x84: {  	_ =	shalt  }
0x85: {  	_ =	shalt  }
0x86: {  	_ =	shalt  }
0x87: {  	_ =	shalt  }
.Lfunc_end0:
.L_simem_size_0:
called_computation_lowered:
.L_overlay_start_0:
0x88: {  	s2 =	sld [smem:$0x3FD9]  }
0x89: {  	s3 =	sld [smem:$0x3FFE];
	_ =	sdelay $0x1  }
0x8a: {  	s1 =	srdreg.scid  }
0x8b: {  	s0 =	sand.u32 $0x1, s1  }
0x8c: {  	s17 =	sshll.u32 s0, $0xA;
	s2 =	sadd.s32 s3, s2  }
0x8d: {  	s2 =	sadd.s32 s2, s17  }
0x8e: {  	[smem:$0x3FC6] =	sst s2  }
0x8f: {  	_ = 	snop  }
0x90: {  	s2 =	sld [smem:$0x3FC9]  }
0x91: {  	s18 =	sld [smem:$0x3FD0];
	(tm) =	ssettm $0x1  }
0x92: {  	s4 =	sld [smem:$0x3FFB];
	_ =	sdelay $0x3  }
0x93: {  	_ =	strace s4  }
0x94: {  	s4 =	sld [smem:$0x3FFC];
	_ =	sdelay $0x3  }
0x95: {  	_ =	strace s4  }
0x96: {  	s4 =	sld [smem:$0x3FFD];
	_ =	sdelay $0x3  }
0x97: {  	_ =	strace s4  }
0x98: {  	_ =	strace $0x8FFFFFFF  }
0x99: {  	s19 =	sld [smem:$0x3FDB];
	_ =	sdelay $0x1  }
0x9a: {  	s5 =	simm.s32 $_scs_section_size  }
0x9b: {  	s6 =	simm.s32 $_size__tile_overlayer_lowered;
	s7 =	simm.s32 $_tile_overlayer_lowered  }
0x9c: {  	s22 =	simm.s32 $0x1BFF;
	s21 =	sshll.u32 s7, $0x1;
	s4 =	sadd.s32 s5, s19  }
0x9d: {  	s8 =	simm.s32 $0x0;
	s20 =	sshll.u32 s6, $0x1;
	s6 =	sadd.s32 s21, s4  }
0x9e: {  	[timem:s8], [sflag:s22] =	dma.local [hbm:s6], s20  }
0x9f: {  	_ =	swait.ge [sflag:s22], s20  }
0xa0: {  	s5 =	ssub.s32 $0x0, s20;
	[sflag:s22] =	ssyncset.done $0x0  }
0xa1: {  	[sflag:s22] =	ssyncadd.s32 s5;
	_ =	sdelay $0x1  }
0xa2: {  	s23 =	simm.s32 $0x1B8B  }
0xa3: {  	_ =	swait.ge [sflag:s23], $0x1  }
0xa4: {  	[sflag:s23] =	ssyncset.done $0x0  }
0xa5: {  	s25 =	simm.s32 $0x1B8E;
	s24 =	sld [smem:$0x3FFE];
	[sflag:s23] =	ssyncadd.s32 $0xFFFFFFFF  }
0xa6: {  	s26 =	simm.s32 $execute0_lowered;
	[smem:$0x3FD2] =	sst s25  }
0xa7: {  	s6 =	sshll.u32 s26, $0x1;
	_ =	strace $0x80000046;
	[dreg:$0x1] =	wrdreg $0xFFFFFFFF  }
0xa8: {  	s28 =	simm.s32 $_size_execute0_lowered;
	s4 =	sadd.s32 s4, s6;
	[dreg:$0x0] =	wrdreg $0x0  }
0xa9: {  	s6 =	sshll.u32 s28, $0x1;
	[dreg:$0x2] =	wrdreg s4  }
0xaa: {  	[dreg:$0x3] =	wrdreg s6  }
0xab: {  	[dreg:$0x4] =	wrdreg $0xC0  }
0xac: {  	_ =	task [dreg:s8], $0x5FFFF  }
0xad: {  	[dreg:$0x1] =	wrdreg $0xFFFFFFFF  }
0xae: {  	[dreg:$0x0] =	wrdreg $0x60  }
0xaf: {  	[dreg:$0x2] =	wrdreg s2  }
0xb0: {  	[dreg:$0x3] =	wrdreg s24  }
0xb1: {  	[dreg:$0x4] =	wrdreg s18  }
0xb2: {  	[dreg:$0x5] =	wrdreg $0x9  }
0xb3: {  	_ =	task.clear_ibuf [dreg:s8], $0x6FFFF;
	_ =	strace $0x90000046  }
0xb4: {  	s29 =	simm.s32 $0x9;
	_ =	strace $0x80000048  }
0xb5: {  	_ =	swait.ge [sflag:s29], $0x1  }
0xb6: {  	[sflag:s29] =	ssyncadd.s32 $0xFFFFFFFF  }
0xb7: {  	_ =	strace $0x90000048  }
0xb8: {  	_ =	sfence  }
0xb9: {  	s30 =	sld [smem:$0x0];
	_ =	sdelay $0x2  }
0xba: {  	s31 =	sshll.u32 s1, $0xD;
	s1 =	sshrl.u32 s1, $0x2  }
0xbb: {  	s3 =	sand.u32 $0x4000, s31;
	s1 =	sadd.s32 s1, s30  }
0xbc: {  	s0 =	sor.u32 s3, s0;
	s1 =	sshll.u32 s1, $0x11  }
0xbd: {  	s0 =	sor.u32 s1, s0  }
0xbe: {  	s0 =	sadd.s32 $0x8F2B, s0  }
0xbf: {  	[sflag:s0] =	ssyncadd.remote.s32 $0x1  }
0xc0: {  	_ =	sfence.sel $0xFFFF  }
0xc1: {  	[dreg:$0x0] =	wrdreg $0xFFFFFFFF;
	(pc) =	sbr.abs _section_cstart, $3  }
0xc2: {  	[dreg:$0x1] =	wrdreg $0xFFFFFFFF  }
0xc3: {  	_ =	task.clear_ibuf [dreg:s8], $0x2FFFF;
	_ =	strace $0x9FFFFFFF  }
0xc4: {  	(tm) =	ssettm $0x7FFFFFFF  }
0xc5: {  	_ =	shalt  }
tec
execute0_lowered:
.L_overlay_start_1:
0x0: {  	(tag) =	ssettag $0x1  }
0x1: {  	s0 =	rddreg [dreg:$0x0]  }
0x2: {  	s1 =	rddreg [dreg:$0x1]  }
0x3: {  	s2 =	rddreg [dreg:$0x2]  }
0x4: {  	s4 =	srdreg.scid;
	s5 =	stileid.u32  }
0x5: {  	s3 =	simm.s32 $0x0;
	s13 =	simm.s32 $0x200;
	s18 =	simm.s32 $0x1  }
0x6: {  	s19 =	simm.s32 $0xE800;
	s4 =	sand.u32 $0x1, s4;
	s5 =	sshll.u32 s5, $0x1  }
0x7: {  	s20 =	simm.s32 $0x2;
	s21 =	simm.s32 $0x12C00;
	s5 =	sor.u32 s4, s5  }
0x8: {  	[smem:$0x7FF] =	sst s3;
	s7 =	smul.u32 $0xC80, s5;
	s8 =	sshll.u32 s5, $0x7  }
0x9: {  	_ =	strace $0x80000047;
	s6 =	ssub.s32 $0x2, s4;
	s28 =	sadd.s32 s2, s8  }
0xa: {  	s4 =	sadd.s32 $0xF42800, s1;
	s0 =	sadd.s32 s0, s7;
	[dreg:$0x5] =	wrdreg s28  }
0xb: {  	s26 =	sshrl.u32 s6, $0x1;
	s29 =	sadd.s32 $0x10000, s28;
	[dreg:$0x4] =	wrdreg s0  }
0xc: {  	v1 =	vlaneseq.u32;
	s1 =	ssub.s32 s6, s26;
	s30 =	sadd.s32 $0x300000, s28;
	[dreg:$0x6] =	wrdreg s29  }
0xd: {  	s22 =	simm.s32 $0x3;
	v0 =	vmul.u32 $0x88, v1;
	s31 =	smax.u32 s1, $0x1;
	[dreg:$0x7] =	wrdreg s30  }
0xe: {  	s23 =	simm.s32 $0x4;
	s0 =	sadd.s32 $0x310000, s28;
	[dreg:$0x9] =	wrdreg s31  }
0xf: {  	v1 =	vmul.u32 $0xC8, v1;
	v2 =	vadd.s32 $0x880, v0;
	s7 =	sshll.u32 s5, $0xA;
	s1 =	simm.s32 $0x0;
	[dreg:$0x8] =	wrdreg s0  }
.LBB2_1:
0x10: {  	s0 =	rddreg [dreg:$0x4];
	s15 =	simm.s32 $0x0  }
0x11: {  	[tilespmem:s3], [sflag:$0x5] =	stream.linear.gather [hbm4b:s0+s3], $0x6400, $0x38;
	[tilespmem:$0x17000] =	vst v63  }
0x12: {  	s0 =	sand.u32 $0x4, s15  }
0x13: {  	[dreg:$0xa] =	wrdreg s1;
	s1 =	sor.u32 $0x3, s0  }
0x14: {  	s5 =	smul.u32 $0xC80, s1  }
0x15: {  	s6 =	simm.s32 $0x5;
	s25 =	simm.s32 $0x4  }
0x16: {  	s11 =	sor.u32 $0x1, s0;
	s16 =	smul.u32 $0xC80, s0;
	s5 =	sadd.s32 $0x0, s5  }
0x17: {  	s14 =	simm.s32 $0x0;
	s12 =	sor.u32 $0x2, s0;
	s24 =	smul.u32 $0xC80, s11;
	v3 =	vadd.s32 s5, v1  }
0x18: {  	s15 =	sand.u32 $0x3FFFFF80, s14;
	_ =	swait.ge [sflag:s6], $0x6400;
	s29 =	smul.u32 $0xC80, s12  }
0x19: {  	s8 =	sshll.u32 s0, $0x4;
	[sflag:s6] =	ssyncset.done $0x0;
	s17 =	sadd.s32 $0x0, s24  }
0x1a: {  	[sflag:s6] =	ssyncadd.s32 $0xFFFF9C00;
	s6 =	sand.u32 $0x4, s25;
	s24 =	sadd.s32 $0x0, s29;
	v4 =	vadd.s32 s17, v1  }
0x1b: {  	s26 =	sshll.u32 s11, $0x4;
	s29 =	sor.u32 $0x3, s6;
	s5 =	sadd.s32 $0x0, s16;
	v6 =	vadd.s32 s24, v1  }
0x1c: {  	s28 =	sshll.u32 s12, $0x4;
	s10 =	sor.u32 $0x1, s6;
	s12 =	smul.u32 $0xC80, s29;
	v8 =	vadd.s32 s5, v1;
	v9 =	vld.idx.msk [tilespmem:v3+s3+$0x0], $0xffff  }
0x1d: {  	s1 =	sshll.u32 s1, $0x4;
	s11 =	sor.u32 $0x2, s6;
	s0 =	smul.u32 $0xC80, s10  }
0x1e: {  	s31 =	sshll.u32 s10, $0x4;
	s30 =	sshll.u32 s11, $0x4;
	s9 =	smul.u32 $0xC80, s11  }
0x1f: {  	s16 =	smul.u32 $0xC80, s6;
	s5 =	sadd.s32 $0x6400, s15;
	s11 =	sadd.s32 $0x0, s12;
	v5 =	vld.idx.msk [tilespmem:v4+s3+$0x0], $0xffff  }
0x20: {  	s10 =	sadd.s32 $0x0, s0;
	s9 =	sadd.s32 $0x0, s9;
	s17 =	sor.u32 s1, s5;
	v7 =	vadd.s32 s11, v1;
	v3 =	vld.idx.msk [tilespmem:v6+s3+$0x0], $0xffff  }
0x21: {  	s0 =	sshll.u32 s6, $0x4;
	s1 =	sor.u32 s8, s5;
	s11 =	sadd.s32 $0x0, s16;
	v6 =	vadd.s32 s9, v1;
	v4 =	vld.idx.msk [tilespmem:v8+s3+$0x0], $0xffff;
	v8 =	vadd.s32 s10, v1;
	[tilespmem:s17+$0x0] =	vst v9  }
.LBB2_2:
0x22: {  	s6 =	sor.u32 s26, s5  }
0x23: {  	s5 =	sor.u32 s28, s5;
	s8 =	smov.u32 s25;
	s25 =	sadd.s32 $0x4, s25  }
0x24: {  	v9 =	vadd.s32 s11, v1;
	s9 =	smov.u32 s29;
	s26 =	smov.u32 s31;
	s10 =	sand.u32 $0x4, s25  }
0x25: {  	s28 =	smov.u32 s30;
	p0 =	slt.u32 s25, $0x1C;
	[tilespmem:s6+$0x0] =	vst v5;
	s29 =	sor.u32 $0x3, s10  }
0x26: {  	s6 =	sor.u32 $0x1, s10;
	s11 =	sor.u32 $0x2, s10;
	v10 =	vld.idx.msk [tilespmem:v7+s3+$0x0], $0xffff;
	[tilespmem:s5+$0x0] =	vst v3;
	s5 =	smul.u32 $0xC80, s29  }
0x27: {  	s31 =	sshll.u32 s6, $0x4;
	s30 =	sshll.u32 s11, $0x4;
	[tilespmem:s1+$0x0] =	vst v4;
	s6 =	smul.u32 $0xC80, s6  }
.Ltmp0:
0x28: {  	s8 =	sshll.u32 s8, $0x4;
	s1 =	sshrl.u32 s25, $0x3;
	v5 =	vld.idx.msk [tilespmem:v8+s3+$0x0], $0xffff;
	(pc) =	sbr.rel @p0 .LBB2_2-.Ltmp0, $4  }
0x29: {  	s8 =	sand.u32 $0x3FFFFF80, s8;
	s11 =	smul.u32 $0xC80, s11;
	s5 =	sadd.s32 s1, s5;
	v3 =	vld.idx.msk [tilespmem:v6+s3+$0x0], $0xffff  }
0x2a: {  	s12 =	smul.u32 $0xC80, s10;
	v7 =	vadd.s32 s5, v1;
	v4 =	vld.idx.msk [tilespmem:v9+s3+$0x0], $0xffff;
	s5 =	sadd.s32 $0x6400, s8;
	s8 =	sshll.u32 s9, $0x4  }
0x2b: {  	s6 =	sadd.s32 s1, s6;
	s9 =	sadd.s32 s1, s11;
	s8 =	sor.u32 s8, s5  }
0x2c: {  	s11 =	sadd.s32 s1, s12;
	v8 =	vadd.s32 s6, v1;
	v6 =	vadd.s32 s9, v1;
	s1 =	sor.u32 s0, s5;
	s0 =	sshll.u32 s10, $0x4;
	[tilespmem:s8+$0x0] =	vst v10  }
0x2d: {  	_ =	sdelay $0x1  }
0x2e: {  	v9 =	vadd.s32 s11, v1;
	_ =	sdelay $0x1  }
0x2f: {  	v7 =	vld.idx.msk [tilespmem:v7+s3+$0x0], $0xffff  }
0x30: {  	s6 =	sor.u32 s26, s5;
	s8 =	sshll.u32 s25, $0x4;
	v8 =	vld.idx.msk [tilespmem:v8+s3+$0x0], $0xffff  }
0x31: {  	s25 =	sor.u32 s28, s5;
	[tilespmem:s6+$0x0] =	vst v5;
	s26 =	sand.u32 $0x3FFFFF80, s8;
	v5 =	vld.idx.msk [tilespmem:v6+s3+$0x0], $0xffff  }
0x32: {  	s9 =	sshll.u32 s29, $0x4;
	[tilespmem:s25+$0x0] =	vst v3;
	s8 =	sadd.s32 $0x6400, s26;
	v3 =	vld.idx.msk [tilespmem:v9+s3+$0x0], $0xffff  }
0x33: {  	[tilespmem:s1+$0x0] =	vst v4;
	s10 =	sor.u32 s9, s8  }
0x34: {  	s11 =	sor.u32 s31, s8;
	[tilespmem:s10+$0x0] =	vst v7  }
0x35: {  	s12 =	sor.u32 s30, s8;
	[tilespmem:s11+$0x0] =	vst v8  }
0x36: {  	s16 =	simm.s32 $0x0;
	s0 =	sor.u32 s0, s8;
	[tilespmem:s12+$0x0] =	vst v5  }
0x37: {  	s14 =	simm.s32 $0x6400;
	s15 =	simm.s32 $0x6800;
	[tilespmem:s0+$0x0] =	vst v3;
	s0 =	sand.u32 $0x4, s16  }
0x38: {  	[tilespmem:s15], [sflag:$0x1] =	stream.indirect.gather [hbm4b:s4+s13], $0x20, s14, s13, $0xb8;
	[tilespmem:$0x17000] =	vst v63  }
0x39: {  	s1 =	sor.u32 $0x3, s0  }
0x3a: {  	s24 =	simm.s32 $0x0;
	s25 =	smul.u32 $0xC80, s1  }
0x3b: {  	s6 =	sor.u32 $0x4, s24;
	s17 =	sor.u32 $0x1, s0;
	s30 =	smul.u32 $0xC80, s0  }
0x3c: {  	s9 =	sor.u32 $0x2, s0;
	s10 =	smul.u32 $0xC80, s17;
	s8 =	sadd.s32 s6, s25  }
0x3d: {  	s12 =	sshll.u32 s0, $0x4;
	s14 =	simm.s32 $0x0;
	s26 =	smul.u32 $0xC80, s9;
	v3 =	vadd.s32 s8, v1  }
0x3e: {  	s15 =	simm.s32 $0x0;
	s5 =	sshll.u32 s17, $0x4;
	s10 =	sadd.s32 s6, s10  }
0x3f: {  	s9 =	sshll.u32 s9, $0x4;
	s25 =	simm.s32 $0x4;
	s31 =	sadd.s32 s6, s26;
	v4 =	vadd.s32 s10, v1  }
0x40: {  	s1 =	sshll.u32 s1, $0x4;
	s6 =	sadd.s32 s30, s6;
	s8 =	sand.u32 $0x4, s25;
	v5 =	vadd.s32 s31, v1  }
0x41: {  	s26 =	sand.u32 $0x3FFFFF80, s15;
	v7 =	vadd.s32 s6, v1;
	s6 =	sor.u32 $0x4, s14;
	s28 =	sor.u32 $0x3, s8  }
0x42: {  	s30 =	sadd.s32 $0x6400, s26;
	s10 =	sor.u32 $0x1, s8;
	s24 =	smul.u32 $0xC80, s28;
	v9 =	vld.idx.msk [tilespmem:v3+s3+$0x0], $0xffff  }
0x43: {  	s11 =	sor.u32 $0x2, s8;
	s15 =	sor.u32 s1, s30;
	s16 =	smul.u32 $0xC80, s10  }
0x44: {  	s26 =	sshll.u32 s8, $0x4;
	s14 =	smul.u32 $0xC80, s11;
	s24 =	sadd.s32 s6, s24;
	v4 =	vld.idx.msk [tilespmem:v4+s3+$0x0], $0xffff  }
0x45: {  	s1 =	sor.u32 s12, s30;
	s17 =	sadd.s32 s6, s16;
	s16 =	smul.u32 $0xC80, s8;
	v6 =	vadd.s32 s24, v1;
	v5 =	vld.idx.msk [tilespmem:v5+s3+$0x0], $0xffff  }
0x46: {  	s29 =	sshll.u32 s10, $0x4;
	s0 =	sshll.u32 s11, $0x4;
	s24 =	sadd.s32 s6, s14;
	v3 =	vld.idx.msk [tilespmem:v7+s3+$0x0], $0xffff;
	v8 =	vadd.s32 s17, v1  }
0x47: {  	s11 =	sor.u32 s5, s30;
	s5 =	sor.u32 s9, s30;
	s12 =	sadd.s32 s16, s6;
	v7 =	vadd.s32 s24, v1;
	[tilespmem:s15+$0x200] =	vst v9  }
.LBB2_4:
0x48: {  	s6 =	smov.u32 s25;
	s25 =	sadd.s32 $0x4, s25  }
0x49: {  	v9 =	vadd.s32 s12, v1;
	[tilespmem:s11+$0x200] =	vst v4;
	s8 =	smov.u32 s28;
	s9 =	smov.u32 s29;
	s10 =	smov.u32 s0  }
0x4a: {  	s11 =	sand.u32 $0x4, s25;
	p0 =	slt.u32 s25, $0x1C;
	v10 =	vld.idx.msk [tilespmem:v6+s3+$0x0], $0xffff;
	[tilespmem:s5+$0x200] =	vst v5;
	s6 =	sshll.u32 s6, $0x4  }
0x4b: {  	s0 =	sor.u32 $0x1, s11;
	s5 =	sor.u32 $0x2, s11;
	s28 =	sor.u32 $0x3, s11;
	v4 =	vld.idx.msk [tilespmem:v8+s3+$0x0], $0xffff;
	[tilespmem:s1+$0x200] =	vst v3  }
0x4c: {  	s8 =	sshll.u32 s8, $0x4;
	s1 =	sshrl.u32 s25, $0x3;
	s12 =	smul.u32 $0xC80, s28  }
0x4d: {  	s6 =	sand.u32 $0x3FFFFF80, s6;
	s14 =	sor.u32 $0x4, s1;
	s1 =	smul.u32 $0xC80, s0;
	v5 =	vld.idx.msk [tilespmem:v7+s3+$0x0], $0xffff  }
.Ltmp1:
0x4e: {  	s6 =	sadd.s32 $0x6400, s6;
	s12 =	sadd.s32 s14, s12;
	v3 =	vld.idx.msk [tilespmem:v9+s3+$0x0], $0xffff;
	(pc) =	sbr.rel @p0 .LBB2_4-.Ltmp1, $4  }
0x4f: {  	s15 =	smul.u32 $0xC80, s5;
	s8 =	sor.u32 s8, s6;
	s1 =	sadd.s32 s14, s1;
	v6 =	vadd.s32 s12, v1  }
0x50: {  	s29 =	sshll.u32 s0, $0x4;
	s0 =	sshll.u32 s5, $0x4;
	s12 =	smul.u32 $0xC80, s11;
	v8 =	vadd.s32 s1, v1;
	[tilespmem:s8+$0x200] =	vst v10  }
0x51: {  	s5 =	sadd.s32 s14, s15;
	s1 =	sor.u32 s26, s6;
	s26 =	sshll.u32 s11, $0x4  }
0x52: {  	v7 =	vadd.s32 s5, v1;
	s11 =	sor.u32 s9, s6;
	s5 =	sor.u32 s10, s6;
	s12 =	sadd.s32 s12, s14  }
0x53: {  	_ =	sdelay $0x1  }
0x54: {  	v9 =	vadd.s32 s12, v1;
	_ =	sdelay $0x1  }
0x55: {  	v6 =	vld.idx.msk [tilespmem:v6+s3+$0x0], $0xffff  }
0x56: {  	s6 =	sshll.u32 s25, $0x4;
	[tilespmem:s11+$0x200] =	vst v4;
	v4 =	vld.idx.msk [tilespmem:v7+s3+$0x0], $0xffff;
	s8 =	simm.s32 $0x0  }
0x57: {  	v8 =	vld.idx.msk [tilespmem:v8+s3+$0x0], $0xffff;
	[tilespmem:s5+$0x200] =	vst v5;
	s31 =	sshll.u32 s28, $0x4;
	s6 =	sand.u32 $0x3FFFFF80, s6;
	s8 =	sand.u32 $0xC, s8  }
0x58: {  	[tilespmem:s1+$0x200] =	vst v3;
	s9 =	simm.s32 $0x2;
	s11 =	simm.s32 $0x3;
	s30 =	sadd.s32 $0x6400, s6;
	v3 =	vmov s8;
	v5 =	vld.idx.msk [tilespmem:v9+s3+$0x0], $0xffff  }
0x59: {  	v7 =	vmov s11;
	s6 =	sor.u32 s31, s30;
	v3 =	vmul.u32 $0x440, v3;
	s12 =	sor.u32 s26, s30;
	s26 =	simm.s32 $0x0  }
0x5a: {  	s15 =	simm.s32 $0x1;
	v10 =	vand.u32 $0x7, v7;
	s0 =	sor.u32 s0, s30;
	s1 =	sand.u32 $0xC, s26;
	[tilespmem:s6+$0x200] =	vst v6;
	v6 =	vmov s9  }
0x5b: {  	s10 =	sor.u32 s29, s30;
	[tilespmem:s0+$0x200] =	vst v4;
	v3 =	vbroadcast v3, $0x0;
	v4 =	vmov s15;
	v21 =	vmov s1  }
0x5c: {  	[tilespmem:s10+$0x200] =	vst v8;
	v8 =	vand.u32 $0x78, v6;
	v12 =	vand.u32 $0x6, v6;
	v6 =	vand.u32 $0x78, v7  }
0x5d: {  	s14 =	simm.s32 $0x0;
	s16 =	simm.s32 $0x6600;
	s17 =	simm.s32 $0xA800;
	v7 =	vand.u32 $0x78, v4;
	v13 =	vand.u32 $0x5, v4;
	v9 =	vadd.s32 v0, v3;
	[tilespmem:s12+$0x200] =	vst v5  }
0x5e: {  	v21 =	vmul.u32 $0x440, v21;
	v3 =	vadd.s32 v2, v3;
	v14 =	vadd.s32 v7, v9;
	[tilespmem:s17], [sflag:$0x2] =	stream.indirect.gather [hbm4b:s4+s13], $0x20, s16, s13, $0xb8;
	[tilespmem:$0x17000] =	vst v63  }
0x5f: {  	v18 =	vadd.s32 v8, v9;
	v8 =	vadd.s32 v8, v3;
	v5 =	vmov s14;
	_ =	swait.ge [sflag:s18], $0x4000  }
0x60: {  	v22 =	vadd.s32 v6, v3;
	v14 =	vor.u32 v13, v14;
	v11 =	vand.u32 $0x78, v5;
	[sflag:s18] =	ssyncset.done $0x0  }
0x61: {  	s24 =	simm.s32 $0x6840;
	v27 =	vor.u32 v10, v22;
	v15 =	vand.u32 $0x4, v5;
	v4 =	vadd.s32 v11, v9;
	[sflag:s18] =	ssyncadd.s32 $0xFFFFC000  }
0x62: {  	s29 =	simm.s32 $0x7;
	v23 =	vor.u32 v12, v18;
	v5 =	vadd.s32 v6, v9;
	v16 =	vor.u32 v15, v4;
	v17 =	vld [tilespmem:s24+$0xFFFFFFC0]  }
0x63: {  	s28 =	simm.s32 $0x6;
	v19 =	vor.u32 v10, v5;
	v11 =	vadd.s32 v11, v3;
	v9 =	vmov s29;
	v20 =	vld [tilespmem:s24+$0x20]  }
0x64: {  	v10 =	vor.u32 v12, v8;
	v4 =	vadd.s32 v7, v3;
	v7 =	vmov s28;
	v26 =	vld [tilespmem:s24+$0xFFFFFFE0]  }
0x65: {  	s31 =	simm.s32 $0x4;
	v6 =	vand.u32 $0x7, v9;
	v9 =	vand.u32 $0x78, v9;
	v11 =	vor.u32 v15, v11  }
0x66: {  	s30 =	simm.s32 $0x5;
	v15 =	vmov s31;
	v4 =	vor.u32 v13, v4;
	v13 =	vbroadcast v21, $0x0;
	v25 =	vld [tilespmem:s24+$0x30]  }
0x67: {  	v5 =	vand.u32 $0x78, v7;
	v3 =	vand.u32 $0x6, v7;
	v21 =	vmov s30;
	v7 =	vld [tilespmem:s24+$0xFFFFFFD0];
	[tilespmem:v16+s19+$0x0] =	vst.idx.msk $0xffff, v17  }
0x68: {  	v24 =	vand.u32 $0x78, v15;
	v12 =	vand.u32 $0x4, v15;
	v22 =	vld [tilespmem:s24+$0x0];
	v28 =	vadd.s32 v0, v13;
	[tilespmem:v19+s19+$0x0] =	vst.idx.msk $0xffff, v20  }
0x69: {  	s25 =	simm.s32 $0x68C0;
	v13 =	vadd.s32 v2, v13;
	v15 =	vadd.s32 v5, v28;
	v17 =	vand.u32 $0x78, v21;
	v19 =	vld [tilespmem:s24+$0xFFFFFFF0];
	[tilespmem:v14+s19+$0x0] =	vst.idx.msk $0xffff, v26  }
0x6a: {  	v8 =	vld [tilespmem:s25+$0xFFFFFFC0];
	v14 =	vadd.s32 v24, v28;
	v26 =	vadd.s32 v9, v28;
	v20 =	vadd.s32 v17, v28  }
0x6b: {  	s26 =	simm.s32 $0x8;
	s0 =	simm.s32 $0x6940;
	v16 =	vand.u32 $0x5, v21;
	v21 =	vld [tilespmem:s24+$0x10];
	[tilespmem:v27+s19+$0x0] =	vst.idx.msk $0xffff, v25;
	v18 =	vor.u32 v12, v14;
	v14 =	vor.u32 v6, v26  }
.LBB2_6:
0x6c: {  	s1 =	sshrl.u32 s26, $0x5  }
0x6d: {  	v25 =	vld [tilespmem:s0+$0xFFFFFFC0];
	s5 =	sadd.s32 $0x2, s26;
	s6 =	sadd.s32 $0x3, s26;
	v24 =	vadd.s32 v24, v13;
	v17 =	vadd.s32 v17, v13;
	v26 =	vadd.s32 v5, v13;
	s8 =	smov.u32 s26  }
0x6e: {  	p0 =	slt.u32 s26, $0x1FC;
	s26 =	sadd.s32 $0x4, s26;
	s1 =	sand.u32 $0xC, s1;
	v27 =	vmov s5;
	v28 =	vmov s6;
	v17 =	vor.u32 v16, v17;
	v29 =	vld [tilespmem:s25+$0x20];
	[tilespmem:v23+s19+$0x0] =	vst.idx.msk $0xffff, v22  }
0x6f: {  	v13 =	vadd.s32 v9, v13;
	v22 =	vmov s1;
	v5 =	vand.u32 $0x78, v27;
	v30 =	vld [tilespmem:s25+$0x30];
	[tilespmem:v4+s19+$0x0] =	vst.idx.msk $0xffff, v19;
	v4 =	vmovc v17  }
0x70: {  	v32 =	vor.u32 v16, v20;
	v19 =	vand.u32 $0x7, v28;
	v17 =	vmul.u32 $0x440, v22;
	v31 =	vld [tilespmem:s25+$0xFFFFFFE0];
	[tilespmem:v11+s19+$0x0] =	vst.idx.msk $0xffff, v7  }
0x71: {  	s1 =	sadd.s32 $0x1, s8;
	v16 =	vand.u32 $0x6, v27;
	v9 =	vand.u32 $0x78, v28;
	v27 =	vor.u32 v6, v13;
	v6 =	vmovc v19;
	v7 =	vld [tilespmem:s25+$0xFFFFFFD0];
	[tilespmem:v10+s19+$0x0] =	vst.idx.msk $0xffff, v21  }
0x72: {  	v20 =	vmov s1;
	v11 =	vor.u32 v12, v24;
	v13 =	vbroadcast v17, $0x0;
	[tilespmem:v18+s19+$0x0] =	vst.idx.msk $0xffff, v8;
	v8 =	vmovc v25  }
.Ltmp2:
0x73: {  	v12 =	vmov s8;
	v10 =	vor.u32 v3, v26;
	v17 =	vand.u32 $0x78, v20;
	v22 =	vld [tilespmem:s25+$0x0];
	[tilespmem:v14+s19+$0x0] =	vst.idx.msk $0xffff, v29;
	(pc) =	sbr.rel @p0 .LBB2_6-.Ltmp2, $4  }
0x74: {  	v23 =	vor.u32 v3, v15;
	v3 =	vmovc v16;
	v14 =	vadd.s32 v0, v13;
	v13 =	vadd.s32 v2, v13;
	v19 =	vld [tilespmem:s25+$0xFFFFFFF0]  }
0x75: {  	v24 =	vand.u32 $0x78, v12;
	v16 =	vand.u32 $0x5, v20;
	v20 =	vadd.s32 v17, v14;
	[tilespmem:v32+s19+$0x0] =	vst.idx.msk $0xffff, v31  }
0x76: {  	v12 =	vand.u32 $0x4, v12;
	v15 =	vadd.s32 v24, v14;
	v25 =	vadd.s32 v9, v14;
	v21 =	vld [tilespmem:s25+$0x10];
	[tilespmem:v27+s19+$0x0] =	vst.idx.msk $0xffff, v30;
	s25 =	smov.u32 s0  }
0x77: {  	v18 =	vor.u32 v12, v15;
	v15 =	vadd.s32 v5, v14;
	v14 =	vor.u32 v6, v25;
	s0 =	sadd.s32 $0x80, s0  }
0x78: {  	_ =	sdelay $0x2  }
0x79: {  	v25 =	vld [tilespmem:s25+$0x20]  }
0x7a: {  	[tilespmem:v23+s19+$0x0] =	vst.idx.msk $0xffff, v22;
	v55 =	vld [tilespmem:s25+$0xFFFFFFE0]  }
0x7b: {  	v56 =	vor.u32 v16, v20;
	[tilespmem:v11+s19+$0x0] =	vst.idx.msk $0xffff, v7;
	v57 =	vld [tilespmem:s25+$0xFFFFFFD0]  }
0x7c: {  	v9 =	vadd.s32 v9, v13;
	v59 =	vld [tilespmem:s25+$0x0];
	v60 =	vor.u32 v3, v15;
	[tilespmem:v18+s19+$0x0] =	vst.idx.msk $0xffff, v8  }
0x7d: {  	v54 =	vld [tilespmem:s25+$0x30];
	v58 =	vadd.s32 v17, v13;
	[tilespmem:v4+s19+$0x0] =	vst.idx.msk $0xffff, v19;
	v6 =	vor.u32 v6, v9  }
0x7e: {  	v61 =	vadd.s32 v24, v13;
	v62 =	vld [tilespmem:s25+$0xFFFFFFF0];
	v9 =	vor.u32 v16, v58;
	[tilespmem:v10+s19+$0x0] =	vst.idx.msk $0xffff, v21  }
0x7f: {  	v5 =	vadd.s32 v5, v13;
	v12 =	vor.u32 v12, v61;
	[tilespmem:v14+s19+$0x0] =	vst.idx.msk $0xffff, v25  }
0x80: {  	v63 =	vld [tilespmem:s25+$0x10];
	v3 =	vor.u32 v3, v5;
	[tilespmem:v56+s19+$0x0] =	vst.idx.msk $0xffff, v55  }
0x81: {  	[tilespmem:v60+s19+$0x0] =	vst.idx.msk $0xffff, v59  }
0x82: {  	[tilespmem:v6+s19+$0x0] =	vst.idx.msk $0xffff, v54  }
0x83: {  	[tilespmem:v9+s19+$0x0] =	vst.idx.msk $0xffff, v62  }
0x84: {  	[tilespmem:v12+s19+$0x0] =	vst.idx.msk $0xffff, v57  }
0x85: {  	[tilespmem:v3+s19+$0x0] =	vst.idx.msk $0xffff, v63  }
0x86: {  	s0 =	simm.s32 $0xE800;
	s6 =	rddreg [dreg:$0x5]  }
0x87: {  	[hbm4b:s6+s3] =	stream.linear.scatter [tilespmem:s0], [sflag:$0x3], $0x80, $0x38;
	[tilespmem:$0x17000] =	vst v63  }
0x88: {  	s14 =	simm.s32 $0xE888;
	s1 =	sadd.s32 $0x10, s6  }
0x89: {  	[hbm4b:s1+s3] =	stream.linear.scatter [tilespmem:s14], [sflag:$0x3], $0x80, $0x38;
	[tilespmem:$0x17000] =	vst v63  }
0x8a: {  	s15 =	simm.s32 $0xE910;
	s17 =	simm.s32 $0xE998;
	s16 =	sadd.s32 $0x20, s6  }
0x8b: {  	[hbm4b:s16+s3] =	stream.linear.scatter [tilespmem:s15], [sflag:$0x3], $0x80, $0x38;
	[tilespmem:$0x17000] =	vst v63  }
0x8c: {  	s25 =	simm.s32 $0xEA20;
	s28 =	simm.s32 $0xEAA8;
	s24 =	sadd.s32 $0x30, s6  }
0x8d: {  	[hbm4b:s24+s3] =	stream.linear.scatter [tilespmem:s17], [sflag:$0x3], $0x80, $0x38;
	[tilespmem:$0x17000] =	vst v63  }
0x8e: {  	s30 =	simm.s32 $0xEB30;
	s5 =	simm.s32 $0xEBB8;
	s26 =	sadd.s32 $0x40, s6  }
0x8f: {  	[hbm4b:s26+s3] =	stream.linear.scatter [tilespmem:s25], [sflag:$0x3], $0x80, $0x38;
	[tilespmem:$0x17000] =	vst v63  }
0x90: {  	s29 =	sadd.s32 $0x50, s6;
	s31 =	sadd.s32 $0x60, s6;
	s0 =	simm.s32 $0x440  }
0x91: {  	[hbm4b:s29+s3] =	stream.linear.scatter [tilespmem:s28], [sflag:$0x3], $0x80, $0x38;
	[tilespmem:$0x17000] =	vst v63  }
0x92: {  	s11 =	sadd.s32 $0x70, s6;
	s1 =	simm.s32 $0x2200;
	s25 =	sadd.s32 $0x1000, s6  }
0x93: {  	[hbm4b:s31+s3] =	stream.linear.scatter [tilespmem:s30], [sflag:$0x3], $0x80, $0x38;
	[tilespmem:$0x17000] =	vst v63  }
.LBB2_8:
0x94: {  	[hbm4b:s11+s3] =	stream.linear.scatter [tilespmem:s5], [sflag:$0x3], $0x80, $0x38;
	[tilespmem:$0x17000] =	vst v63  }
0x95: {  	s5 =	smov.u32 s0;
	s0 =	smov.u32 s1  }
0x96: {  	s6 =	sadd.s32 $0x1100, s1;
	s0 =	sshra.s32 s0, $0x2;
	s8 =	sadd.s32 $0xE800, s5  }
0x97: {  	[hbm4b:s25+s3] =	stream.linear.scatter [tilespmem:s8], [sflag:$0x3], $0x80, $0x38;
	[tilespmem:$0x17000] =	vst v63  }
0x98: {  	p0 =	sne.s32 s1, $0xFF00;
	s1 =	sadd.s32 $0xE888, s5;
	s8 =	sadd.s32 $0x10, s25  }
0x99: {  	[hbm4b:s8+s3] =	stream.linear.scatter [tilespmem:s1], [sflag:$0x3], $0x80, $0x38;
	[tilespmem:$0x17000] =	vst v63  }
0x9a: {  	s1 =	sadd.s32 $0xE910, s5;
	s8 =	sadd.s32 $0x20, s25  }
0x9b: {  	[hbm4b:s8+s3] =	stream.linear.scatter [tilespmem:s1], [sflag:$0x3], $0x80, $0x38;
	[tilespmem:$0x17000] =	vst v63  }
0x9c: {  	s1 =	sadd.s32 $0xE998, s5;
	s8 =	sadd.s32 $0x30, s25  }
0x9d: {  	[hbm4b:s8+s3] =	stream.linear.scatter [tilespmem:s1], [sflag:$0x3], $0x80, $0x38;
	[tilespmem:$0x17000] =	vst v63  }
0x9e: {  	s1 =	sadd.s32 $0xEA20, s5;
	s8 =	sadd.s32 $0x40, s25  }
0x9f: {  	[hbm4b:s8+s3] =	stream.linear.scatter [tilespmem:s1], [sflag:$0x3], $0x80, $0x38;
	[tilespmem:$0x17000] =	vst v63  }
.Ltmp3:
0xa0: {  	s1 =	sadd.s32 $0xEAA8, s5;
	s8 =	sadd.s32 $0x50, s25;
	(pc) =	sbr.rel @p0 .LBB2_8-.Ltmp3, $4  }
0xa1: {  	[hbm4b:s8+s3] =	stream.linear.scatter [tilespmem:s1], [sflag:$0x3], $0x80, $0x38;
	[tilespmem:$0x17000] =	vst v63  }
0xa2: {  	s11 =	sadd.s32 $0x70, s25;
	s1 =	sadd.s32 $0xEB30, s5;
	s8 =	sadd.s32 $0x60, s25  }
0xa3: {  	[hbm4b:s8+s3] =	stream.linear.scatter [tilespmem:s1], [sflag:$0x3], $0x80, $0x38;
	[tilespmem:$0x17000] =	vst v63  }
0xa4: {  	s5 =	sadd.s32 $0xEBB8, s5;
	s25 =	sadd.s32 $0x1000, s25;
	s1 =	smov.u32 s6  }
0xa5: {  	[hbm4b:s11+s3] =	stream.linear.scatter [tilespmem:s5], [sflag:$0x3], $0x80, $0x38;
	[tilespmem:$0x17000] =	vst v63  }
0xa6: {  	s1 =	sadd.s32 $0xE800, s0;
	s24 =	sadd.s32 $0xE888, s0  }
0xa7: {  	s26 =	sadd.s32 $0x10, s25;
	s30 =	sadd.s32 $0xE910, s0;
	s31 =	sadd.s32 $0x20, s25  }
0xa8: {  	s5 =	sadd.s32 $0xE998, s0;
	s6 =	sadd.s32 $0x30, s25;
	s8 =	sadd.s32 $0xEA20, s0  }
0xa9: {  	[hbm4b:s25+s3] =	stream.linear.scatter [tilespmem:s1], [sflag:$0x3], $0x80, $0x38;
	[tilespmem:$0x17000] =	vst v63  }
0xaa: {  	s9 =	sadd.s32 $0x40, s25;
	s10 =	sadd.s32 $0xEAA8, s0;
	s17 =	simm.s32 $0x0  }
0xab: {  	[hbm4b:s26+s3] =	stream.linear.scatter [tilespmem:s24], [sflag:$0x3], $0x80, $0x38;
	[tilespmem:$0x17000] =	vst v63  }
0xac: {  	s12 =	sadd.s32 $0xEB30, s0;
	s15 =	sadd.s32 $0xEBB8, s0;
	s0 =	sand.u32 $0x4, s17  }
0xad: {  	[hbm4b:s31+s3] =	stream.linear.scatter [tilespmem:s30], [sflag:$0x3], $0x80, $0x38;
	[tilespmem:$0x17000] =	vst v63  }
0xae: {  	s11 =	sadd.s32 $0x50, s25;
	s14 =	sadd.s32 $0x60, s25;
	s24 =	sor.u32 $0x3, s0  }
0xaf: {  	[hbm4b:s6+s3] =	stream.linear.scatter [tilespmem:s5], [sflag:$0x3], $0x80, $0x38;
	[tilespmem:$0x17000] =	vst v63  }
0xb0: {  	s16 =	sadd.s32 $0x70, s25;
	s25 =	sor.u32 $0x1, s0;
	s1 =	sshll.u32 s24, $0x4  }
0xb1: {  	[hbm4b:s9+s3] =	stream.linear.scatter [tilespmem:s8], [sflag:$0x3], $0x80, $0x38;
	[tilespmem:$0x17000] =	vst v63  }
0xb2: {  	s6 =	simm.s32 $0x0;
	s8 =	smul.u32 $0xC80, s24;
	s9 =	sor.u32 $0x2, s0  }
0xb3: {  	s5 =	sshll.u32 s25, $0x4;
	s6 =	sor.u32 $0x8, s6;
	s26 =	smul.u32 $0xC80, s9  }
0xb4: {  	[hbm4b:s11+s3] =	stream.linear.scatter [tilespmem:s10], [sflag:$0x3], $0x80, $0x38;
	[tilespmem:$0x17000] =	vst v63  }
0xb5: {  	s10 =	smul.u32 $0xC80, s25;
	s8 =	sadd.s32 s6, s8;
	s25 =	simm.s32 $0x4  }
0xb6: {  	s30 =	smul.u32 $0xC80, s0;
	v3 =	vadd.s32 s8, v1;
	s31 =	sadd.s32 s6, s26;
	s8 =	sand.u32 $0x4, s25  }
0xb7: {  	[hbm4b:s14+s3] =	stream.linear.scatter [tilespmem:s12], [sflag:$0x3], $0x80, $0x38;
	[tilespmem:$0x17000] =	vst v63  }
0xb8: {  	s10 =	sadd.s32 s6, s10;
	s28 =	sor.u32 $0x3, s8;
	v5 =	vadd.s32 s31, v1;
	s31 =	smul.u32 $0xC80, s8  }
0xb9: {  	s9 =	sshll.u32 s9, $0x4;
	s11 =	sor.u32 $0x1, s8;
	v4 =	vadd.s32 s10, v1;
	s14 =	smul.u32 $0xC80, s28  }
0xba: {  	s6 =	sadd.s32 s30, s6;
	s26 =	sor.u32 $0x2, s8;
	s17 =	smul.u32 $0xC80, s11  }
0xbb: {  	v7 =	vadd.s32 s6, v1;
	[hbm4b:s16+s3] =	stream.linear.scatter [tilespmem:s15], [sflag:$0x3], $0x80, $0x38;
	[tilespmem:$0x17000] =	vst v63  }
0xbc: {  	s12 =	sshll.u32 s0, $0x4;
	s24 =	smul.u32 $0xC80, s26;
	s16 =	simm.s32 $0x0;
	v9 =	vld.idx.msk [tilespmem:v3+s3+$0x0], $0xffff  }
0xbd: {  	s29 =	sshll.u32 s11, $0x4;
	s15 =	simm.s32 $0x0;
	s6 =	sor.u32 $0x8, s16  }
0xbe: {  	s0 =	sshll.u32 s26, $0x4;
	s15 =	sand.u32 $0x3FFFFF80, s15;
	s14 =	sadd.s32 s6, s14;
	v4 =	vld.idx.msk [tilespmem:v4+s3+$0x0], $0xffff  }
0xbf: {  	s26 =	sshll.u32 s8, $0x4;
	s15 =	sadd.s32 $0x6400, s15;
	s16 =	sadd.s32 s6, s17;
	v6 =	vadd.s32 s14, v1;
	v5 =	vld.idx.msk [tilespmem:v5+s3+$0x0], $0xffff  }
0xc0: {  	s24 =	sadd.s32 s6, s24;
	s30 =	sor.u32 s1, s15;
	s1 =	sor.u32 s12, s15;
	v8 =	vadd.s32 s16, v1;
	v3 =	vld.idx.msk [tilespmem:v7+s3+$0x0], $0xffff  }
0xc1: {  	s12 =	sadd.s32 s31, s6;
	s11 =	sor.u32 s5, s15;
	s5 =	sor.u32 s9, s15;
	v7 =	vadd.s32 s24, v1;
	[tilespmem:s30+$0x0] =	vst v9  }
.LBB2_10:
0xc2: {  	s6 =	smov.u32 s25;
	s25 =	sadd.s32 $0x4, s25  }
0xc3: {  	v9 =	vadd.s32 s12, v1;
	[tilespmem:s11+$0x0] =	vst v4;
	s8 =	smov.u32 s28;
	s9 =	smov.u32 s29;
	s10 =	smov.u32 s0  }
0xc4: {  	s11 =	sand.u32 $0x4, s25;
	p0 =	slt.u32 s25, $0x1C;
	v10 =	vld.idx.msk [tilespmem:v6+s3+$0x0], $0xffff;
	[tilespmem:s5+$0x0] =	vst v5;
	s6 =	sshll.u32 s6, $0x4  }
0xc5: {  	s0 =	sor.u32 $0x1, s11;
	s5 =	sor.u32 $0x2, s11;
	s28 =	sor.u32 $0x3, s11;
	v4 =	vld.idx.msk [tilespmem:v8+s3+$0x0], $0xffff;
	[tilespmem:s1+$0x0] =	vst v3  }
0xc6: {  	s8 =	sshll.u32 s8, $0x4;
	s1 =	sshrl.u32 s25, $0x3;
	s12 =	smul.u32 $0xC80, s28  }
0xc7: {  	s6 =	sand.u32 $0x3FFFFF80, s6;
	s14 =	sor.u32 $0x8, s1;
	s1 =	smul.u32 $0xC80, s0;
	v5 =	vld.idx.msk [tilespmem:v7+s3+$0x0], $0xffff  }
.Ltmp4:
0xc8: {  	s6 =	sadd.s32 $0x6400, s6;
	s12 =	sadd.s32 s14, s12;
	v3 =	vld.idx.msk [tilespmem:v9+s3+$0x0], $0xffff;
	(pc) =	sbr.rel @p0 .LBB2_10-.Ltmp4, $4  }
0xc9: {  	s15 =	smul.u32 $0xC80, s5;
	s8 =	sor.u32 s8, s6;
	s1 =	sadd.s32 s14, s1;
	v6 =	vadd.s32 s12, v1  }
0xca: {  	s29 =	sshll.u32 s0, $0x4;
	s0 =	sshll.u32 s5, $0x4;
	s12 =	smul.u32 $0xC80, s11;
	v8 =	vadd.s32 s1, v1;
	[tilespmem:s8+$0x0] =	vst v10  }
0xcb: {  	s5 =	sadd.s32 s14, s15;
	s1 =	sor.u32 s26, s6;
	s26 =	sshll.u32 s11, $0x4  }
0xcc: {  	v7 =	vadd.s32 s5, v1;
	s11 =	sor.u32 s9, s6;
	s5 =	sor.u32 s10, s6;
	s12 =	sadd.s32 s12, s14  }
0xcd: {  	_ =	sdelay $0x1  }
0xce: {  	v9 =	vadd.s32 s12, v1;
	_ =	sdelay $0x1  }
0xcf: {  	v6 =	vld.idx.msk [tilespmem:v6+s3+$0x0], $0xffff  }
0xd0: {  	s6 =	sshll.u32 s25, $0x4;
	[tilespmem:s11+$0x0] =	vst v4;
	v4 =	vld.idx.msk [tilespmem:v7+s3+$0x0], $0xffff;
	s8 =	simm.s32 $0x0  }
0xd1: {  	v8 =	vld.idx.msk [tilespmem:v8+s3+$0x0], $0xffff;
	[tilespmem:s5+$0x0] =	vst v5;
	s31 =	sshll.u32 s28, $0x4;
	s6 =	sand.u32 $0x3FFFFF80, s6;
	s8 =	sand.u32 $0xC, s8  }
0xd2: {  	[tilespmem:s1+$0x0] =	vst v3;
	s9 =	simm.s32 $0x2;
	s11 =	simm.s32 $0x3;
	s30 =	sadd.s32 $0x6400, s6;
	v3 =	vmov s8;
	v5 =	vld.idx.msk [tilespmem:v9+s3+$0x0], $0xffff  }
0xd3: {  	v7 =	vmov s11;
	s6 =	sor.u32 s31, s30;
	v3 =	vmul.u32 $0x440, v3;
	s12 =	sor.u32 s26, s30;
	s26 =	simm.s32 $0x0  }
0xd4: {  	s15 =	simm.s32 $0x1;
	v10 =	vand.u32 $0x7, v7;
	s0 =	sor.u32 s0, s30;
	s1 =	sand.u32 $0xC, s26;
	[tilespmem:s6+$0x0] =	vst v6;
	v6 =	vmov s9  }
0xd5: {  	s10 =	sor.u32 s29, s30;
	[tilespmem:s0+$0x0] =	vst v4;
	v3 =	vbroadcast v3, $0x0;
	v4 =	vmov s15;
	v21 =	vmov s1  }
0xd6: {  	[tilespmem:s10+$0x0] =	vst v8;
	v8 =	vand.u32 $0x78, v6;
	v12 =	vand.u32 $0x6, v6;
	v6 =	vand.u32 $0x78, v7  }
0xd7: {  	s14 =	simm.s32 $0x0;
	s16 =	simm.s32 $0x6400;
	s17 =	simm.s32 $0x6800;
	v7 =	vand.u32 $0x78, v4;
	v13 =	vand.u32 $0x5, v4;
	v9 =	vadd.s32 v0, v3;
	[tilespmem:s12+$0x0] =	vst v5  }
0xd8: {  	v21 =	vmul.u32 $0x440, v21;
	v3 =	vadd.s32 v2, v3;
	v14 =	vadd.s32 v7, v9;
	[tilespmem:s17], [sflag:$0x1] =	stream.indirect.gather [hbm4b:s4+s13], $0x20, s16, s13, $0xb8;
	[tilespmem:$0x17000] =	vst v63  }
0xd9: {  	v18 =	vadd.s32 v8, v9;
	v8 =	vadd.s32 v8, v3;
	v5 =	vmov s14;
	_ =	swait.ge [sflag:s20], $0x4000  }
0xda: {  	v22 =	vadd.s32 v6, v3;
	v14 =	vor.u32 v13, v14;
	v11 =	vand.u32 $0x78, v5;
	[sflag:s20] =	ssyncset.done $0x0  }
0xdb: {  	s24 =	simm.s32 $0xA870;
	v27 =	vor.u32 v10, v22;
	v15 =	vand.u32 $0x4, v5;
	v4 =	vadd.s32 v11, v9;
	[sflag:s20] =	ssyncadd.s32 $0xFFFFC000  }
0xdc: {  	s29 =	simm.s32 $0x7;
	v23 =	vor.u32 v12, v18;
	v5 =	vadd.s32 v6, v9;
	v16 =	vor.u32 v15, v4;
	v17 =	vld [tilespmem:s24+$0xFFFFFF90]  }
0xdd: {  	s28 =	simm.s32 $0x6;
	v19 =	vor.u32 v10, v5;
	v11 =	vadd.s32 v11, v3;
	v9 =	vmov s29;
	v20 =	vld [tilespmem:s24+$0xFFFFFFF0]  }
0xde: {  	v10 =	vor.u32 v12, v8;
	v4 =	vadd.s32 v7, v3;
	v7 =	vmov s28;
	v26 =	vld [tilespmem:s24+$0xFFFFFFB0]  }
0xdf: {  	s31 =	simm.s32 $0x4;
	v6 =	vand.u32 $0x7, v9;
	v9 =	vand.u32 $0x78, v9;
	v11 =	vor.u32 v15, v11  }
0xe0: {  	s30 =	simm.s32 $0x5;
	v15 =	vmov s31;
	v4 =	vor.u32 v13, v4;
	v13 =	vbroadcast v21, $0x0;
	v25 =	vld [tilespmem:s24+$0x0]  }
0xe1: {  	v5 =	vand.u32 $0x78, v7;
	v3 =	vand.u32 $0x6, v7;
	v21 =	vmov s30;
	v7 =	vld [tilespmem:s24+$0xFFFFFFA0];
	[tilespmem:v16+s21+$0x0] =	vst.idx.msk $0xffff, v17  }
0xe2: {  	v24 =	vand.u32 $0x78, v15;
	v12 =	vand.u32 $0x4, v15;
	v22 =	vld [tilespmem:s24+$0xFFFFFFD0];
	v28 =	vadd.s32 v0, v13;
	[tilespmem:v19+s21+$0x0] =	vst.idx.msk $0xffff, v20  }
0xe3: {  	s25 =	simm.s32 $0xA8F0;
	v13 =	vadd.s32 v2, v13;
	v15 =	vadd.s32 v5, v28;
	v17 =	vand.u32 $0x78, v21;
	v19 =	vld [tilespmem:s24+$0xFFFFFFC0];
	[tilespmem:v14+s21+$0x0] =	vst.idx.msk $0xffff, v26  }
0xe4: {  	v8 =	vld [tilespmem:s25+$0xFFFFFF90];
	v14 =	vadd.s32 v24, v28;
	v26 =	vadd.s32 v9, v28;
	v20 =	vadd.s32 v17, v28  }
0xe5: {  	s26 =	simm.s32 $0x8;
	s0 =	simm.s32 $0xA970;
	v16 =	vand.u32 $0x5, v21;
	v21 =	vld [tilespmem:s24+$0xFFFFFFE0];
	[tilespmem:v27+s21+$0x0] =	vst.idx.msk $0xffff, v25;
	v18 =	vor.u32 v12, v14;
	v14 =	vor.u32 v6, v26  }
.LBB2_12:
0xe6: {  	s1 =	sshrl.u32 s26, $0x5  }
0xe7: {  	v25 =	vld [tilespmem:s0+$0xFFFFFF90];
	s5 =	sadd.s32 $0x2, s26;
	s6 =	sadd.s32 $0x3, s26;
	v24 =	vadd.s32 v24, v13;
	v17 =	vadd.s32 v17, v13;
	v26 =	vadd.s32 v5, v13;
	s8 =	smov.u32 s26  }
0xe8: {  	p0 =	slt.u32 s26, $0x1FC;
	s26 =	sadd.s32 $0x4, s26;
	s1 =	sand.u32 $0xC, s1;
	v27 =	vmov s5;
	v28 =	vmov s6;
	v17 =	vor.u32 v16, v17;
	v29 =	vld [tilespmem:s25+$0xFFFFFFF0];
	[tilespmem:v23+s21+$0x0] =	vst.idx.msk $0xffff, v22  }
0xe9: {  	v13 =	vadd.s32 v9, v13;
	v22 =	vmov s1;
	v5 =	vand.u32 $0x78, v27;
	v30 =	vld [tilespmem:s25+$0x0];
	[tilespmem:v4+s21+$0x0] =	vst.idx.msk $0xffff, v19;
	v4 =	vmovc v17  }
0xea: {  	v32 =	vor.u32 v16, v20;
	v19 =	vand.u32 $0x7, v28;
	v17 =	vmul.u32 $0x440, v22;
	v31 =	vld [tilespmem:s25+$0xFFFFFFB0];
	[tilespmem:v11+s21+$0x0] =	vst.idx.msk $0xffff, v7  }
0xeb: {  	s1 =	sadd.s32 $0x1, s8;
	v16 =	vand.u32 $0x6, v27;
	v9 =	vand.u32 $0x78, v28;
	v27 =	vor.u32 v6, v13;
	v6 =	vmovc v19;
	v7 =	vld [tilespmem:s25+$0xFFFFFFA0];
	[tilespmem:v10+s21+$0x0] =	vst.idx.msk $0xffff, v21  }
0xec: {  	v20 =	vmov s1;
	v11 =	vor.u32 v12, v24;
	v13 =	vbroadcast v17, $0x0;
	[tilespmem:v18+s21+$0x0] =	vst.idx.msk $0xffff, v8;
	v8 =	vmovc v25  }
.Ltmp5:
0xed: {  	v12 =	vmov s8;
	v10 =	vor.u32 v3, v26;
	v17 =	vand.u32 $0x78, v20;
	v22 =	vld [tilespmem:s25+$0xFFFFFFD0];
	[tilespmem:v14+s21+$0x0] =	vst.idx.msk $0xffff, v29;
	(pc) =	sbr.rel @p0 .LBB2_12-.Ltmp5, $4  }
0xee: {  	v23 =	vor.u32 v3, v15;
	v3 =	vmovc v16;
	v14 =	vadd.s32 v0, v13;
	v13 =	vadd.s32 v2, v13;
	v19 =	vld [tilespmem:s25+$0xFFFFFFC0]  }
0xef: {  	v24 =	vand.u32 $0x78, v12;
	v16 =	vand.u32 $0x5, v20;
	v20 =	vadd.s32 v17, v14;
	[tilespmem:v32+s21+$0x0] =	vst.idx.msk $0xffff, v31  }
0xf0: {  	v12 =	vand.u32 $0x4, v12;
	v15 =	vadd.s32 v24, v14;
	v25 =	vadd.s32 v9, v14;
	v21 =	vld [tilespmem:s25+$0xFFFFFFE0];
	[tilespmem:v27+s21+$0x0] =	vst.idx.msk $0xffff, v30;
	s25 =	smov.u32 s0  }
0xf1: {  	v18 =	vor.u32 v12, v15;
	v15 =	vadd.s32 v5, v14;
	v14 =	vor.u32 v6, v25;
	s0 =	sadd.s32 $0x80, s0  }
0xf2: {  	_ =	sdelay $0x2  }
0xf3: {  	v25 =	vld [tilespmem:s25+$0xFFFFFFF0]  }
0xf4: {  	[tilespmem:v23+s21+$0x0] =	vst.idx.msk $0xffff, v22;
	v55 =	vld [tilespmem:s25+$0xFFFFFFB0]  }
0xf5: {  	v56 =	vor.u32 v16, v20;
	[tilespmem:v11+s21+$0x0] =	vst.idx.msk $0xffff, v7;
	v57 =	vld [tilespmem:s25+$0xFFFFFFA0]  }
0xf6: {  	v9 =	vadd.s32 v9, v13;
	v59 =	vld [tilespmem:s25+$0xFFFFFFD0];
	v60 =	vor.u32 v3, v15;
	[tilespmem:v18+s21+$0x0] =	vst.idx.msk $0xffff, v8  }
0xf7: {  	v54 =	vld [tilespmem:s25+$0x0];
	v58 =	vadd.s32 v17, v13;
	[tilespmem:v4+s21+$0x0] =	vst.idx.msk $0xffff, v19;
	v6 =	vor.u32 v6, v9  }
0xf8: {  	v61 =	vadd.s32 v24, v13;
	v62 =	vld [tilespmem:s25+$0xFFFFFFC0];
	v9 =	vor.u32 v16, v58;
	[tilespmem:v10+s21+$0x0] =	vst.idx.msk $0xffff, v21  }
0xf9: {  	v5 =	vadd.s32 v5, v13;
	v12 =	vor.u32 v12, v61;
	[tilespmem:v14+s21+$0x0] =	vst.idx.msk $0xffff, v25  }
0xfa: {  	v63 =	vld [tilespmem:s25+$0xFFFFFFE0];
	v3 =	vor.u32 v3, v5;
	[tilespmem:v56+s21+$0x0] =	vst.idx.msk $0xffff, v55  }
0xfb: {  	[tilespmem:v60+s21+$0x0] =	vst.idx.msk $0xffff, v59  }
0xfc: {  	[tilespmem:v6+s21+$0x0] =	vst.idx.msk $0xffff, v54  }
0xfd: {  	[tilespmem:v9+s21+$0x0] =	vst.idx.msk $0xffff, v62  }
0xfe: {  	[tilespmem:v12+s21+$0x0] =	vst.idx.msk $0xffff, v57  }
0xff: {  	[tilespmem:v3+s21+$0x0] =	vst.idx.msk $0xffff, v63  }
0x100: {  	s0 =	simm.s32 $0x12C00;
	s6 =	rddreg [dreg:$0x6]  }
0x101: {  	[hbm4b:s6+s3] =	stream.linear.scatter [tilespmem:s0], [sflag:$0x4], $0x80, $0x38;
	[tilespmem:$0x17000] =	vst v63  }
0x102: {  	s14 =	simm.s32 $0x12C88;
	s1 =	sadd.s32 $0x10, s6  }
0x103: {  	[hbm4b:s1+s3] =	stream.linear.scatter [tilespmem:s14], [sflag:$0x4], $0x80, $0x38;
	[tilespmem:$0x17000] =	vst v63  }
0x104: {  	s15 =	simm.s32 $0x12D10;
	s17 =	simm.s32 $0x12D98;
	s16 =	sadd.s32 $0x20, s6  }
0x105: {  	[hbm4b:s16+s3] =	stream.linear.scatter [tilespmem:s15], [sflag:$0x4], $0x80, $0x38;
	[tilespmem:$0x17000] =	vst v63  }
0x106: {  	s25 =	simm.s32 $0x12E20;
	s28 =	simm.s32 $0x12EA8;
	s24 =	sadd.s32 $0x30, s6  }
0x107: {  	[hbm4b:s24+s3] =	stream.linear.scatter [tilespmem:s17], [sflag:$0x4], $0x80, $0x38;
	[tilespmem:$0x17000] =	vst v63  }
0x108: {  	s30 =	simm.s32 $0x12F30;
	s5 =	simm.s32 $0x12FB8;
	s26 =	sadd.s32 $0x40, s6  }
0x109: {  	[hbm4b:s26+s3] =	stream.linear.scatter [tilespmem:s25], [sflag:$0x4], $0x80, $0x38;
	[tilespmem:$0x17000] =	vst v63  }
0x10a: {  	s29 =	sadd.s32 $0x50, s6;
	s31 =	sadd.s32 $0x60, s6;
	s0 =	simm.s32 $0x440  }
0x10b: {  	[hbm4b:s29+s3] =	stream.linear.scatter [tilespmem:s28], [sflag:$0x4], $0x80, $0x38;
	[tilespmem:$0x17000] =	vst v63  }
0x10c: {  	s11 =	sadd.s32 $0x70, s6;
	s1 =	simm.s32 $0x2200;
	s25 =	sadd.s32 $0x1000, s6  }
0x10d: {  	[hbm4b:s31+s3] =	stream.linear.scatter [tilespmem:s30], [sflag:$0x4], $0x80, $0x38;
	[tilespmem:$0x17000] =	vst v63  }
.LBB2_14:
0x10e: {  	[hbm4b:s11+s3] =	stream.linear.scatter [tilespmem:s5], [sflag:$0x4], $0x80, $0x38;
	[tilespmem:$0x17000] =	vst v63  }
0x10f: {  	s5 =	smov.u32 s0;
	s0 =	smov.u32 s1  }
0x110: {  	s6 =	sadd.s32 $0x1100, s1;
	s0 =	sshra.s32 s0, $0x2;
	s8 =	sadd.s32 $0x12C00, s5  }
0x111: {  	[hbm4b:s25+s3] =	stream.linear.scatter [tilespmem:s8], [sflag:$0x4], $0x80, $0x38;
	[tilespmem:$0x17000] =	vst v63  }
0x112: {  	p0 =	sne.s32 s1, $0xFF00;
	s1 =	sadd.s32 $0x12C88, s5;
	s8 =	sadd.s32 $0x10, s25  }
0x113: {  	[hbm4b:s8+s3] =	stream.linear.scatter [tilespmem:s1], [sflag:$0x4], $0x80, $0x38;
	[tilespmem:$0x17000] =	vst v63  }
0x114: {  	s1 =	sadd.s32 $0x12D10, s5;
	s8 =	sadd.s32 $0x20, s25  }
0x115: {  	[hbm4b:s8+s3] =	stream.linear.scatter [tilespmem:s1], [sflag:$0x4], $0x80, $0x38;
	[tilespmem:$0x17000] =	vst v63  }
0x116: {  	s1 =	sadd.s32 $0x12D98, s5;
	s8 =	sadd.s32 $0x30, s25  }
0x117: {  	[hbm4b:s8+s3] =	stream.linear.scatter [tilespmem:s1], [sflag:$0x4], $0x80, $0x38;
	[tilespmem:$0x17000] =	vst v63  }
0x118: {  	s1 =	sadd.s32 $0x12E20, s5;
	s8 =	sadd.s32 $0x40, s25  }
0x119: {  	[hbm4b:s8+s3] =	stream.linear.scatter [tilespmem:s1], [sflag:$0x4], $0x80, $0x38;
	[tilespmem:$0x17000] =	vst v63  }
.Ltmp6:
0x11a: {  	s1 =	sadd.s32 $0x12EA8, s5;
	s8 =	sadd.s32 $0x50, s25;
	(pc) =	sbr.rel @p0 .LBB2_14-.Ltmp6, $4  }
0x11b: {  	[hbm4b:s8+s3] =	stream.linear.scatter [tilespmem:s1], [sflag:$0x4], $0x80, $0x38;
	[tilespmem:$0x17000] =	vst v63  }
0x11c: {  	s11 =	sadd.s32 $0x70, s25;
	s1 =	sadd.s32 $0x12F30, s5;
	s8 =	sadd.s32 $0x60, s25  }
0x11d: {  	[hbm4b:s8+s3] =	stream.linear.scatter [tilespmem:s1], [sflag:$0x4], $0x80, $0x38;
	[tilespmem:$0x17000] =	vst v63  }
0x11e: {  	s5 =	sadd.s32 $0x12FB8, s5;
	s25 =	sadd.s32 $0x1000, s25;
	s1 =	smov.u32 s6  }
0x11f: {  	[hbm4b:s11+s3] =	stream.linear.scatter [tilespmem:s5], [sflag:$0x4], $0x80, $0x38;
	[tilespmem:$0x17000] =	vst v63  }
0x120: {  	s1 =	sadd.s32 $0x12C00, s0  }
0x121: {  	[hbm4b:s25+s3] =	stream.linear.scatter [tilespmem:s1], [sflag:$0x4], $0x80, $0x38;
	[tilespmem:$0x17000] =	vst v63  }
0x122: {  	s9 =	sadd.s32 $0x12C88, s0;
	s10 =	sadd.s32 $0x10, s25  }
0x123: {  	[hbm4b:s10+s3] =	stream.linear.scatter [tilespmem:s9], [sflag:$0x4], $0x80, $0x38;
	[tilespmem:$0x17000] =	vst v63  }
0x124: {  	s11 =	sadd.s32 $0x12D10, s0;
	s12 =	sadd.s32 $0x20, s25  }
0x125: {  	[hbm4b:s12+s3] =	stream.linear.scatter [tilespmem:s11], [sflag:$0x4], $0x80, $0x38;
	[tilespmem:$0x17000] =	vst v63  }
0x126: {  	s14 =	sadd.s32 $0x12D98, s0;
	s15 =	sadd.s32 $0x30, s25  }
0x127: {  	[hbm4b:s15+s3] =	stream.linear.scatter [tilespmem:s14], [sflag:$0x4], $0x80, $0x38;
	[tilespmem:$0x17000] =	vst v63  }
0x128: {  	s16 =	sadd.s32 $0x12E20, s0;
	s17 =	sadd.s32 $0x40, s25  }
0x129: {  	[hbm4b:s17+s3] =	stream.linear.scatter [tilespmem:s16], [sflag:$0x4], $0x80, $0x38;
	[tilespmem:$0x17000] =	vst v63  }
0x12a: {  	s24 =	sadd.s32 $0x12EA8, s0;
	s26 =	sadd.s32 $0x50, s25  }
0x12b: {  	[hbm4b:s26+s3] =	stream.linear.scatter [tilespmem:s24], [sflag:$0x4], $0x80, $0x38;
	[tilespmem:$0x17000] =	vst v63  }
0x12c: {  	s28 =	sadd.s32 $0x12F30, s0;
	s29 =	sadd.s32 $0x60, s25  }
0x12d: {  	[hbm4b:s29+s3] =	stream.linear.scatter [tilespmem:s28], [sflag:$0x4], $0x80, $0x38;
	[tilespmem:$0x17000] =	vst v63  }
0x12e: {  	s30 =	sadd.s32 $0x12FB8, s0;
	s31 =	sadd.s32 $0x70, s25;
	s25 =	simm.s32 $0x1  }
0x12f: {  	[hbm4b:s31+s3] =	stream.linear.scatter [tilespmem:s30], [sflag:$0x4], $0x80, $0x38;
	[tilespmem:$0x17000] =	vst v63  }
.LBB2_16:
0x130: {  	s0 =	simm.s32 $0x0  }
0x131: {  	s0 =	sand.u32 $0x4, s0  }
0x132: {  	s26 =	sshllo.u32 s25, $0x1;
	s1 =	sor.u32 $0x3, s0  }
0x133: {  	s28 =	sshll.u32 s26, $0x2;
	s6 =	smul.u32 $0xC80, s1  }
0x134: {  	s5 =	sor.u32 $0x1, s0;
	s9 =	sadd.s32 $0x0, s28  }
0x135: {  	s8 =	sor.u32 $0x2, s0;
	s10 =	smul.u32 $0xC80, s5;
	s6 =	sadd.s32 s9, s6  }
0x136: {  	s29 =	simm.s32 $0x4;
	s14 =	simm.s32 $0x0;
	s11 =	smul.u32 $0xC80, s8;
	v3 =	vadd.s32 s6, v1  }
0x137: {  	s14 =	sand.u32 $0x3FFFFF80, s14;
	s16 =	smul.u32 $0xC80, s0;
	s10 =	sadd.s32 s9, s10  }
0x138: {  	s14 =	sadd.s32 $0x6400, s14;
	s12 =	sshll.u32 s5, $0x4;
	s17 =	sadd.s32 s9, s11;
	v4 =	vadd.s32 s10, v1  }
0x139: {  	s8 =	sshll.u32 s8, $0x4;
	s11 =	sand.u32 $0x4, s29;
	s6 =	sadd.s32 s16, s9;
	v5 =	vadd.s32 s17, v1  }
0x13a: {  	s5 =	sshll.u32 s0, $0x4;
	s1 =	sshll.u32 s1, $0x4;
	s31 =	sor.u32 $0x3, s11;
	v7 =	vadd.s32 s6, v1  }
0x13b: {  	s5 =	sor.u32 s5, s14;
	s9 =	sor.u32 $0x1, s11;
	s24 =	smul.u32 $0xC80, s31;
	v9 =	vld.idx.msk [tilespmem:v3+s3+$0x0], $0xffff  }
0x13c: {  	s0 =	sor.u32 $0x2, s11;
	s6 =	sadd.s32 $0x0, s28;
	s15 =	smul.u32 $0xC80, s9  }
0x13d: {  	s12 =	sor.u32 s12, s14;
	s16 =	smul.u32 $0xC80, s0;
	s10 =	sadd.s32 s6, s24;
	v4 =	vld.idx.msk [tilespmem:v4+s3+$0x0], $0xffff  }
0x13e: {  	s17 =	smul.u32 $0xC80, s11;
	s30 =	sshll.u32 s11, $0x4;
	s15 =	sadd.s32 s6, s15;
	v6 =	vadd.s32 s10, v1;
	v5 =	vld.idx.msk [tilespmem:v5+s3+$0x0], $0xffff  }
0x13f: {  	s11 =	sor.u32 s8, s14;
	s24 =	sor.u32 s1, s14;
	s16 =	sadd.s32 s6, s16;
	v8 =	vadd.s32 s15, v1;
	v3 =	vld.idx.msk [tilespmem:v7+s3+$0x0], $0xffff  }
0x140: {  	s0 =	sshll.u32 s0, $0x4;
	s1 =	sshll.u32 s9, $0x4;
	v7 =	vadd.s32 s16, v1;
	[tilespmem:s24+$0x200] =	vst v9;
	s24 =	sadd.s32 s17, s6  }
.LBB2_17:
0x141: {  	s6 =	smov.u32 s29;
	s29 =	sadd.s32 $0x4, s29  }
0x142: {  	v9 =	vadd.s32 s24, v1;
	[tilespmem:s12+$0x200] =	vst v4;
	s8 =	smov.u32 s31;
	s9 =	smov.u32 s1;
	s10 =	smov.u32 s0  }
0x143: {  	s12 =	sand.u32 $0x4, s29;
	p0 =	slt.u32 s29, $0x1C;
	v10 =	vld.idx.msk [tilespmem:v6+s3+$0x0], $0xffff;
	[tilespmem:s11+$0x200] =	vst v5;
	s1 =	sshrl.u32 s29, $0x3  }
0x144: {  	s0 =	sor.u32 $0x1, s12;
	s11 =	sor.u32 $0x2, s12;
	s31 =	sor.u32 $0x3, s12;
	v4 =	vld.idx.msk [tilespmem:v8+s3+$0x0], $0xffff;
	[tilespmem:s5+$0x200] =	vst v3  }
0x145: {  	s6 =	sshll.u32 s6, $0x4;
	s8 =	sshll.u32 s8, $0x4;
	s5 =	smul.u32 $0xC80, s31  }
0x146: {  	s14 =	sadd.s32 s28, s1;
	s6 =	sand.u32 $0x3FFFFF80, s6;
	s1 =	smul.u32 $0xC80, s0;
	v5 =	vld.idx.msk [tilespmem:v7+s3+$0x0], $0xffff  }
.Ltmp7:
0x147: {  	s6 =	sadd.s32 $0x6400, s6;
	s5 =	sadd.s32 s14, s5;
	v3 =	vld.idx.msk [tilespmem:v9+s3+$0x0], $0xffff;
	(pc) =	sbr.rel @p0 .LBB2_17-.Ltmp7, $4  }
0x148: {  	s15 =	smul.u32 $0xC80, s11;
	s1 =	sadd.s32 s14, s1;
	v6 =	vadd.s32 s5, v1;
	s5 =	sor.u32 s8, s6  }
0x149: {  	s8 =	smul.u32 $0xC80, s12;
	v8 =	vadd.s32 s1, v1;
	s1 =	sshll.u32 s0, $0x4;
	s0 =	sshll.u32 s11, $0x4;
	[tilespmem:s5+$0x200] =	vst v10  }
0x14a: {  	s11 =	sadd.s32 s14, s15;
	s5 =	sor.u32 s30, s6;
	s30 =	sshll.u32 s12, $0x4  }
0x14b: {  	v7 =	vadd.s32 s11, v1;
	s12 =	sor.u32 s9, s6;
	s11 =	sor.u32 s10, s6;
	s24 =	sadd.s32 s8, s14  }
0x14c: {  	_ =	sdelay $0x2  }
0x14d: {  	v9 =	vadd.s32 s24, v1  }
0x14e: {  	v6 =	vld.idx.msk [tilespmem:v6+s3+$0x0], $0xffff  }
0x14f: {  	v8 =	vld.idx.msk [tilespmem:v8+s3+$0x0], $0xffff;
	s6 =	sshll.u32 s29, $0x4  }
0x150: {  	[tilespmem:s12+$0x200] =	vst v4;
	v4 =	vld.idx.msk [tilespmem:v7+s3+$0x0], $0xffff;
	s8 =	simm.s32 $0x0;
	s6 =	sand.u32 $0x3FFFFF80, s6  }
0x151: {  	[tilespmem:s11+$0x200] =	vst v5;
	s9 =	sshll.u32 s31, $0x4;
	s8 =	sand.u32 $0xC, s8;
	s6 =	sadd.s32 $0x6400, s6  }
0x152: {  	[tilespmem:s5+$0x200] =	vst v3;
	v3 =	vmov s8;
	s8 =	simm.s32 $0x3;
	s24 =	sor.u32 s9, s6;
	v5 =	vld.idx.msk [tilespmem:v9+s3+$0x0], $0xffff  }
0x153: {  	s31 =	simm.s32 $0x2;
	s1 =	sor.u32 s1, s6;
	v3 =	vmul.u32 $0x440, v3;
	v7 =	vmov s8;
	[tilespmem:s24+$0x200] =	vst v6  }
0x154: {  	s11 =	simm.s32 $0x1;
	s0 =	sor.u32 s0, s6;
	v10 =	vand.u32 $0x7, v7;
	v6 =	vmov s31;
	[tilespmem:s1+$0x200] =	vst v8  }
0x155: {  	s16 =	simm.s32 $0x0;
	[tilespmem:s0+$0x200] =	vst v4;
	v3 =	vbroadcast v3, $0x0;
	v4 =	vmov s11;
	v8 =	vand.u32 $0x78, v6  }
0x156: {  	s9 =	sor.u32 s30, s6;
	s1 =	sand.u32 $0xC, s16;
	v12 =	vand.u32 $0x6, v6;
	v6 =	vand.u32 $0x78, v7;
	v7 =	vand.u32 $0x78, v4  }
0x157: {  	s10 =	simm.s32 $0x0;
	s12 =	simm.s32 $0x6600;
	s14 =	simm.s32 $0xA800;
	v13 =	vand.u32 $0x5, v4;
	v21 =	vmov s1;
	v9 =	vadd.s32 v0, v3;
	[tilespmem:s9+$0x200] =	vst v5  }
0x158: {  	v3 =	vadd.s32 v2, v3;
	v21 =	vmul.u32 $0x440, v21;
	v14 =	vadd.s32 v7, v9;
	[tilespmem:s14], [sflag:$0x2] =	stream.indirect.gather [hbm4b:s4+s13], $0x20, s12, s13, $0xb8;
	[tilespmem:$0x17000] =	vst v63  }
0x159: {  	v18 =	vadd.s32 v8, v9;
	v8 =	vadd.s32 v8, v3;
	v5 =	vmov s10;
	_ =	swait.ge [sflag:s18], $0x4000  }
0x15a: {  	v22 =	vadd.s32 v6, v3;
	v14 =	vor.u32 v13, v14;
	v11 =	vand.u32 $0x78, v5;
	[sflag:s18] =	ssyncset.done $0x0  }
0x15b: {  	s15 =	simm.s32 $0x6840;
	v27 =	vor.u32 v10, v22;
	v15 =	vand.u32 $0x4, v5;
	v4 =	vadd.s32 v11, v9;
	[sflag:s18] =	ssyncadd.s32 $0xFFFFC000  }
0x15c: {  	s24 =	simm.s32 $0x7;
	v23 =	vor.u32 v12, v18;
	v5 =	vadd.s32 v6, v9;
	v16 =	vor.u32 v15, v4;
	v17 =	vld [tilespmem:s15+$0xFFFFFFC0]  }
0x15d: {  	s17 =	simm.s32 $0x6;
	v19 =	vor.u32 v10, v5;
	v11 =	vadd.s32 v11, v3;
	v9 =	vmov s24;
	v20 =	vld [tilespmem:s15+$0x20]  }
0x15e: {  	v10 =	vor.u32 v12, v8;
	v4 =	vadd.s32 v7, v3;
	v7 =	vmov s17;
	v26 =	vld [tilespmem:s15+$0xFFFFFFE0]  }
0x15f: {  	s31 =	simm.s32 $0x4;
	v6 =	vand.u32 $0x7, v9;
	v9 =	vand.u32 $0x78, v9;
	v11 =	vor.u32 v15, v11  }
0x160: {  	s30 =	simm.s32 $0x5;
	v15 =	vmov s31;
	v4 =	vor.u32 v13, v4;
	v13 =	vbroadcast v21, $0x0;
	v25 =	vld [tilespmem:s15+$0x30]  }
0x161: {  	v5 =	vand.u32 $0x78, v7;
	v3 =	vand.u32 $0x6, v7;
	v21 =	vmov s30;
	v7 =	vld [tilespmem:s15+$0xFFFFFFD0];
	[tilespmem:v16+s19+$0x0] =	vst.idx.msk $0xffff, v17  }
0x162: {  	v24 =	vand.u32 $0x78, v15;
	v12 =	vand.u32 $0x4, v15;
	v22 =	vld [tilespmem:s15+$0x0];
	v28 =	vadd.s32 v0, v13;
	[tilespmem:v19+s19+$0x0] =	vst.idx.msk $0xffff, v20  }
0x163: {  	s28 =	simm.s32 $0x68C0;
	v13 =	vadd.s32 v2, v13;
	v15 =	vadd.s32 v5, v28;
	v17 =	vand.u32 $0x78, v21;
	v19 =	vld [tilespmem:s15+$0xFFFFFFF0];
	[tilespmem:v14+s19+$0x0] =	vst.idx.msk $0xffff, v26  }
0x164: {  	v8 =	vld [tilespmem:s28+$0xFFFFFFC0];
	v14 =	vadd.s32 v24, v28;
	v26 =	vadd.s32 v9, v28;
	v20 =	vadd.s32 v17, v28  }
0x165: {  	s29 =	simm.s32 $0x8;
	s0 =	simm.s32 $0x6940;
	v16 =	vand.u32 $0x5, v21;
	v21 =	vld [tilespmem:s15+$0x10];
	[tilespmem:v27+s19+$0x0] =	vst.idx.msk $0xffff, v25;
	v18 =	vor.u32 v12, v14;
	v14 =	vor.u32 v6, v26  }
.LBB2_19:
0x166: {  	s1 =	sshrl.u32 s29, $0x5  }
0x167: {  	v25 =	vld [tilespmem:s0+$0xFFFFFFC0];
	s5 =	sadd.s32 $0x2, s29;
	s6 =	sadd.s32 $0x3, s29;
	v24 =	vadd.s32 v24, v13;
	v17 =	vadd.s32 v17, v13;
	v26 =	vadd.s32 v5, v13;
	s8 =	smov.u32 s29  }
0x168: {  	p0 =	slt.u32 s29, $0x1FC;
	s29 =	sadd.s32 $0x4, s29;
	s1 =	sand.u32 $0xC, s1;
	v27 =	vmov s5;
	v28 =	vmov s6;
	v17 =	vor.u32 v16, v17;
	v29 =	vld [tilespmem:s28+$0x20];
	[tilespmem:v23+s19+$0x0] =	vst.idx.msk $0xffff, v22  }
0x169: {  	v13 =	vadd.s32 v9, v13;
	v22 =	vmov s1;
	v5 =	vand.u32 $0x78, v27;
	v30 =	vld [tilespmem:s28+$0x30];
	[tilespmem:v4+s19+$0x0] =	vst.idx.msk $0xffff, v19;
	v4 =	vmovc v17  }
0x16a: {  	v32 =	vor.u32 v16, v20;
	v19 =	vand.u32 $0x7, v28;
	v17 =	vmul.u32 $0x440, v22;
	v31 =	vld [tilespmem:s28+$0xFFFFFFE0];
	[tilespmem:v11+s19+$0x0] =	vst.idx.msk $0xffff, v7  }
0x16b: {  	s1 =	sadd.s32 $0x1, s8;
	v16 =	vand.u32 $0x6, v27;
	v9 =	vand.u32 $0x78, v28;
	v27 =	vor.u32 v6, v13;
	v6 =	vmovc v19;
	v7 =	vld [tilespmem:s28+$0xFFFFFFD0];
	[tilespmem:v10+s19+$0x0] =	vst.idx.msk $0xffff, v21  }
0x16c: {  	v20 =	vmov s1;
	v11 =	vor.u32 v12, v24;
	v13 =	vbroadcast v17, $0x0;
	[tilespmem:v18+s19+$0x0] =	vst.idx.msk $0xffff, v8;
	v8 =	vmovc v25  }
.Ltmp8:
0x16d: {  	v12 =	vmov s8;
	v10 =	vor.u32 v3, v26;
	v17 =	vand.u32 $0x78, v20;
	v22 =	vld [tilespmem:s28+$0x0];
	[tilespmem:v14+s19+$0x0] =	vst.idx.msk $0xffff, v29;
	(pc) =	sbr.rel @p0 .LBB2_19-.Ltmp8, $4  }
0x16e: {  	v23 =	vor.u32 v3, v15;
	v3 =	vmovc v16;
	v14 =	vadd.s32 v0, v13;
	v13 =	vadd.s32 v2, v13;
	v19 =	vld [tilespmem:s28+$0xFFFFFFF0]  }
0x16f: {  	v24 =	vand.u32 $0x78, v12;
	v16 =	vand.u32 $0x5, v20;
	v20 =	vadd.s32 v17, v14;
	[tilespmem:v32+s19+$0x0] =	vst.idx.msk $0xffff, v31  }
0x170: {  	v12 =	vand.u32 $0x4, v12;
	v15 =	vadd.s32 v24, v14;
	v25 =	vadd.s32 v9, v14;
	v21 =	vld [tilespmem:s28+$0x10];
	[tilespmem:v27+s19+$0x0] =	vst.idx.msk $0xffff, v30;
	s28 =	smov.u32 s0  }
0x171: {  	v18 =	vor.u32 v12, v15;
	v15 =	vadd.s32 v5, v14;
	v14 =	vor.u32 v6, v25;
	s0 =	sadd.s32 $0x80, s0  }
0x172: {  	_ =	sdelay $0x2  }
0x173: {  	v25 =	vld [tilespmem:s28+$0x20]  }
0x174: {  	[tilespmem:v23+s19+$0x0] =	vst.idx.msk $0xffff, v22;
	v55 =	vld [tilespmem:s28+$0xFFFFFFE0]  }
0x175: {  	v56 =	vor.u32 v16, v20;
	[tilespmem:v11+s19+$0x0] =	vst.idx.msk $0xffff, v7;
	v57 =	vld [tilespmem:s28+$0xFFFFFFD0]  }
0x176: {  	v9 =	vadd.s32 v9, v13;
	v59 =	vld [tilespmem:s28+$0x0];
	v60 =	vor.u32 v3, v15;
	[tilespmem:v18+s19+$0x0] =	vst.idx.msk $0xffff, v8  }
0x177: {  	v54 =	vld [tilespmem:s28+$0x30];
	v58 =	vadd.s32 v17, v13;
	[tilespmem:v4+s19+$0x0] =	vst.idx.msk $0xffff, v19;
	v6 =	vor.u32 v6, v9  }
0x178: {  	v61 =	vadd.s32 v24, v13;
	v62 =	vld [tilespmem:s28+$0xFFFFFFF0];
	v9 =	vor.u32 v16, v58;
	[tilespmem:v10+s19+$0x0] =	vst.idx.msk $0xffff, v21  }
0x179: {  	v5 =	vadd.s32 v5, v13;
	v12 =	vor.u32 v12, v61;
	[tilespmem:v14+s19+$0x0] =	vst.idx.msk $0xffff, v25  }
0x17a: {  	v63 =	vld [tilespmem:s28+$0x10];
	v3 =	vor.u32 v3, v5;
	[tilespmem:v56+s19+$0x0] =	vst.idx.msk $0xffff, v55  }
0x17b: {  	[tilespmem:v60+s19+$0x0] =	vst.idx.msk $0xffff, v59  }
0x17c: {  	[tilespmem:v6+s19+$0x0] =	vst.idx.msk $0xffff, v54  }
0x17d: {  	[tilespmem:v9+s19+$0x0] =	vst.idx.msk $0xffff, v62  }
0x17e: {  	[tilespmem:v12+s19+$0x0] =	vst.idx.msk $0xffff, v57  }
0x17f: {  	s0 =	sshll.u32 s25, $0x14;
	[tilespmem:v3+s19+$0x0] =	vst.idx.msk $0xffff, v63  }
0x180: {  	s0 =	sor.u32 s7, s0;
	_ =	swait.ge [sflag:s22], $0x4000  }
0x181: {  	s0 =	sshrl.u32 s0, $0x3;
	[sflag:s22] =	ssyncset.done $0x0  }
0x182: {  	s9 =	simm.s32 $0xE800;
	s1 =	sadd.s32 s2, s0;
	[sflag:s22] =	ssyncadd.s32 $0xFFFFC000  }
0x183: {  	[hbm4b:s1+s3] =	stream.linear.scatter [tilespmem:s9], [sflag:$0x3], $0x80, $0x38;
	[tilespmem:$0x17000] =	vst v63  }
0x184: {  	s10 =	simm.s32 $0xE888;
	s5 =	sadd.s32 $0x10, s1  }
0x185: {  	[hbm4b:s5+s3] =	stream.linear.scatter [tilespmem:s10], [sflag:$0x3], $0x80, $0x38;
	[tilespmem:$0x17000] =	vst v63  }
0x186: {  	s11 =	simm.s32 $0xE910;
	s14 =	simm.s32 $0xE998;
	s12 =	sadd.s32 $0x20, s1  }
0x187: {  	[hbm4b:s12+s3] =	stream.linear.scatter [tilespmem:s11], [sflag:$0x3], $0x80, $0x38;
	[tilespmem:$0x17000] =	vst v63  }
0x188: {  	s16 =	simm.s32 $0xEA20;
	s24 =	simm.s32 $0xEAA8;
	s15 =	sadd.s32 $0x30, s1  }
0x189: {  	[hbm4b:s15+s3] =	stream.linear.scatter [tilespmem:s14], [sflag:$0x3], $0x80, $0x38;
	[tilespmem:$0x17000] =	vst v63  }
0x18a: {  	s30 =	simm.s32 $0xEB30;
	s0 =	simm.s32 $0x440;
	s17 =	sadd.s32 $0x40, s1  }
0x18b: {  	[hbm4b:s17+s3] =	stream.linear.scatter [tilespmem:s16], [sflag:$0x3], $0x80, $0x38;
	[tilespmem:$0x17000] =	vst v63  }
0x18c: {  	s29 =	sadd.s32 $0x50, s1;
	s31 =	sadd.s32 $0x60, s1;
	s28 =	sadd.s32 $0x1000, s1  }
0x18d: {  	[hbm4b:s29+s3] =	stream.linear.scatter [tilespmem:s24], [sflag:$0x3], $0x80, $0x38;
	[tilespmem:$0x17000] =	vst v63  }
0x18e: {  	s5 =	simm.s32 $0x2200;
	s11 =	simm.s32 $0xEBB8;
	s12 =	sadd.s32 $0x70, s1  }
0x18f: {  	[hbm4b:s31+s3] =	stream.linear.scatter [tilespmem:s30], [sflag:$0x3], $0x80, $0x38;
	[tilespmem:$0x17000] =	vst v63  }
.LBB2_21:
0x190: {  	[hbm4b:s12+s3] =	stream.linear.scatter [tilespmem:s11], [sflag:$0x3], $0x80, $0x38;
	[tilespmem:$0x17000] =	vst v63  }
0x191: {  	s1 =	smov.u32 s0;
	s0 =	smov.u32 s5  }
0x192: {  	s6 =	sadd.s32 $0x1100, s5;
	s0 =	sshra.s32 s0, $0x2;
	s8 =	sadd.s32 $0xE800, s1  }
0x193: {  	[hbm4b:s28+s3] =	stream.linear.scatter [tilespmem:s8], [sflag:$0x3], $0x80, $0x38;
	[tilespmem:$0x17000] =	vst v63  }
0x194: {  	p0 =	seq.s32 s5, $0xFF00;
	s5 =	sadd.s32 $0xE888, s1;
	s8 =	sadd.s32 $0x10, s28  }
0x195: {  	[hbm4b:s8+s3] =	stream.linear.scatter [tilespmem:s5], [sflag:$0x3], $0x80, $0x38;
	[tilespmem:$0x17000] =	vst v63  }
0x196: {  	s5 =	sadd.s32 $0xE910, s1;
	s8 =	sadd.s32 $0x20, s28  }
0x197: {  	[hbm4b:s8+s3] =	stream.linear.scatter [tilespmem:s5], [sflag:$0x3], $0x80, $0x38;
	[tilespmem:$0x17000] =	vst v63  }
0x198: {  	s5 =	sadd.s32 $0xE998, s1;
	s8 =	sadd.s32 $0x30, s28  }
0x199: {  	[hbm4b:s8+s3] =	stream.linear.scatter [tilespmem:s5], [sflag:$0x3], $0x80, $0x38;
	[tilespmem:$0x17000] =	vst v63  }
0x19a: {  	s5 =	sadd.s32 $0xEA20, s1;
	s8 =	sadd.s32 $0x40, s28  }
0x19b: {  	[hbm4b:s8+s3] =	stream.linear.scatter [tilespmem:s5], [sflag:$0x3], $0x80, $0x38;
	[tilespmem:$0x17000] =	vst v63  }
.Ltmp9:
0x19c: {  	s5 =	sadd.s32 $0xEAA8, s1;
	s8 =	sadd.s32 $0x50, s28;
	(pc) =	sbr.rel @!p0 .LBB2_21-.Ltmp9, $4  }
0x19d: {  	[hbm4b:s8+s3] =	stream.linear.scatter [tilespmem:s5], [sflag:$0x3], $0x80, $0x38;
	[tilespmem:$0x17000] =	vst v63  }
0x19e: {  	s12 =	sadd.s32 $0x70, s28;
	s5 =	sadd.s32 $0xEB30, s1;
	s8 =	sadd.s32 $0x60, s28  }
0x19f: {  	[hbm4b:s8+s3] =	stream.linear.scatter [tilespmem:s5], [sflag:$0x3], $0x80, $0x38;
	[tilespmem:$0x17000] =	vst v63  }
0x1a0: {  	s11 =	sadd.s32 $0xEBB8, s1;
	s28 =	sadd.s32 $0x1000, s28;
	s5 =	smov.u32 s6  }
0x1a1: {  	[hbm4b:s12+s3] =	stream.linear.scatter [tilespmem:s11], [sflag:$0x3], $0x80, $0x38;
	[tilespmem:$0x17000] =	vst v63  }
0x1a2: {  	s1 =	sadd.s32 $0xE800, s0  }
0x1a3: {  	[hbm4b:s28+s3] =	stream.linear.scatter [tilespmem:s1], [sflag:$0x3], $0x80, $0x38;
	[tilespmem:$0x17000] =	vst v63  }
0x1a4: {  	s9 =	sadd.s32 $0xE888, s0;
	s5 =	sadd.s32 $0x10, s28  }
0x1a5: {  	[hbm4b:s5+s3] =	stream.linear.scatter [tilespmem:s9], [sflag:$0x3], $0x80, $0x38;
	[tilespmem:$0x17000] =	vst v63  }
0x1a6: {  	s10 =	sadd.s32 $0xE910, s0;
	s11 =	sadd.s32 $0x20, s28;
	s12 =	sadd.s32 $0xE998, s0  }
0x1a7: {  	[hbm4b:s11+s3] =	stream.linear.scatter [tilespmem:s10], [sflag:$0x3], $0x80, $0x38;
	[tilespmem:$0x17000] =	vst v63  }
0x1a8: {  	s14 =	sadd.s32 $0x30, s28;
	s15 =	sadd.s32 $0xEA20, s0;
	s16 =	sadd.s32 $0x40, s28  }
0x1a9: {  	[hbm4b:s14+s3] =	stream.linear.scatter [tilespmem:s12], [sflag:$0x3], $0x80, $0x38;
	[tilespmem:$0x17000] =	vst v63  }
0x1aa: {  	s17 =	sadd.s32 $0xEAA8, s0;
	s24 =	sadd.s32 $0x50, s28;
	s12 =	simm.s32 $0x0  }
0x1ab: {  	[hbm4b:s16+s3] =	stream.linear.scatter [tilespmem:s15], [sflag:$0x3], $0x80, $0x38;
	[tilespmem:$0x17000] =	vst v63  }
0x1ac: {  	s6 =	sadd.s32 $0xEB30, s0;
	s9 =	sadd.s32 $0xEBB8, s0;
	s0 =	sand.u32 $0x4, s12  }
0x1ad: {  	[hbm4b:s24+s3] =	stream.linear.scatter [tilespmem:s17], [sflag:$0x3], $0x80, $0x38;
	[tilespmem:$0x17000] =	vst v63  }
0x1ae: {  	s8 =	sadd.s32 $0x60, s28;
	s11 =	sshll.u32 s25, $0x3;
	s1 =	sor.u32 $0x3, s0  }
0x1af: {  	[hbm4b:s8+s3] =	stream.linear.scatter [tilespmem:s6], [sflag:$0x3], $0x80, $0x38;
	[tilespmem:$0x17000] =	vst v63  }
0x1b0: {  	s10 =	sadd.s32 $0x70, s28;
	s28 =	sadd.s32 $0x8, s11;
	s6 =	smul.u32 $0xC80, s1  }
0x1b1: {  	[hbm4b:s10+s3] =	stream.linear.scatter [tilespmem:s9], [sflag:$0x3], $0x80, $0x38;
	[tilespmem:$0x17000] =	vst v63  }
0x1b2: {  	s29 =	simm.s32 $0x4;
	s14 =	sor.u32 $0x1, s0;
	s9 =	sadd.s32 $0x0, s28  }
0x1b3: {  	s8 =	sor.u32 $0x2, s0;
	s10 =	smul.u32 $0xC80, s14;
	s6 =	sadd.s32 s9, s6  }
0x1b4: {  	s11 =	sand.u32 $0x4, s29;
	s15 =	smul.u32 $0xC80, s8;
	v3 =	vadd.s32 s6, v1  }
0x1b5: {  	s31 =	sor.u32 $0x3, s11;
	s16 =	smul.u32 $0xC80, s0;
	s10 =	sadd.s32 s9, s10  }
0x1b6: {  	s30 =	sshll.u32 s11, $0x4;
	s5 =	sshll.u32 s0, $0x4;
	s17 =	sadd.s32 s9, s15;
	v4 =	vadd.s32 s10, v1  }
0x1b7: {  	s12 =	sshll.u32 s14, $0x4;
	s24 =	smul.u32 $0xC80, s31;
	s6 =	sadd.s32 s16, s9;
	v5 =	vadd.s32 s17, v1  }
0x1b8: {  	s0 =	sor.u32 $0x2, s11;
	s1 =	sshll.u32 s1, $0x4;
	s14 =	simm.s32 $0x0;
	v7 =	vadd.s32 s6, v1  }
0x1b9: {  	s8 =	sshll.u32 s8, $0x4;
	s14 =	sand.u32 $0x3FFFFF80, s14;
	s9 =	sor.u32 $0x1, s11;
	v9 =	vld.idx.msk [tilespmem:v3+s3+$0x0], $0xffff  }
0x1ba: {  	s14 =	sadd.s32 $0x6400, s14;
	s6 =	sadd.s32 $0x0, s28;
	s15 =	smul.u32 $0xC80, s9  }
0x1bb: {  	s16 =	smul.u32 $0xC80, s0;
	s0 =	sshll.u32 s0, $0x4;
	s10 =	sadd.s32 s6, s24;
	v4 =	vld.idx.msk [tilespmem:v4+s3+$0x0], $0xffff  }
0x1bc: {  	s17 =	sor.u32 s1, s14;
	s24 =	smul.u32 $0xC80, s11;
	s15 =	sadd.s32 s6, s15;
	v6 =	vadd.s32 s10, v1;
	v5 =	vld.idx.msk [tilespmem:v5+s3+$0x0], $0xffff  }
0x1bd: {  	s1 =	sshll.u32 s9, $0x4;
	s5 =	sor.u32 s5, s14;
	s16 =	sadd.s32 s6, s16;
	v8 =	vadd.s32 s15, v1;
	v3 =	vld.idx.msk [tilespmem:v7+s3+$0x0], $0xffff  }
0x1be: {  	s12 =	sor.u32 s12, s14;
	s11 =	sor.u32 s8, s14;
	s24 =	sadd.s32 s24, s6;
	v7 =	vadd.s32 s16, v1;
	[tilespmem:s17+$0x0] =	vst v9  }
.LBB2_23:
0x1bf: {  	s6 =	smov.u32 s29;
	s29 =	sadd.s32 $0x4, s29  }
0x1c0: {  	v9 =	vadd.s32 s24, v1;
	[tilespmem:s12+$0x0] =	vst v4;
	s8 =	smov.u32 s31;
	s9 =	smov.u32 s1;
	s10 =	smov.u32 s0  }
0x1c1: {  	s12 =	sand.u32 $0x4, s29;
	p0 =	slt.u32 s29, $0x1C;
	v10 =	vld.idx.msk [tilespmem:v6+s3+$0x0], $0xffff;
	[tilespmem:s11+$0x0] =	vst v5;
	s1 =	sshrl.u32 s29, $0x3  }
0x1c2: {  	s0 =	sor.u32 $0x1, s12;
	s11 =	sor.u32 $0x2, s12;
	s31 =	sor.u32 $0x3, s12;
	v4 =	vld.idx.msk [tilespmem:v8+s3+$0x0], $0xffff;
	[tilespmem:s5+$0x0] =	vst v3  }
0x1c3: {  	s6 =	sshll.u32 s6, $0x4;
	s8 =	sshll.u32 s8, $0x4;
	s5 =	smul.u32 $0xC80, s31  }
0x1c4: {  	s14 =	sadd.s32 s28, s1;
	s6 =	sand.u32 $0x3FFFFF80, s6;
	s1 =	smul.u32 $0xC80, s0;
	v5 =	vld.idx.msk [tilespmem:v7+s3+$0x0], $0xffff  }
.Ltmp10:
0x1c5: {  	s6 =	sadd.s32 $0x6400, s6;
	s5 =	sadd.s32 s14, s5;
	v3 =	vld.idx.msk [tilespmem:v9+s3+$0x0], $0xffff;
	(pc) =	sbr.rel @p0 .LBB2_23-.Ltmp10, $4  }
0x1c6: {  	s15 =	smul.u32 $0xC80, s11;
	s1 =	sadd.s32 s14, s1;
	v6 =	vadd.s32 s5, v1;
	s5 =	sor.u32 s8, s6  }
0x1c7: {  	s8 =	smul.u32 $0xC80, s12;
	v8 =	vadd.s32 s1, v1;
	s1 =	sshll.u32 s0, $0x4;
	s0 =	sshll.u32 s11, $0x4;
	[tilespmem:s5+$0x0] =	vst v10  }
0x1c8: {  	s11 =	sadd.s32 s14, s15;
	s5 =	sor.u32 s30, s6;
	s30 =	sshll.u32 s12, $0x4  }
0x1c9: {  	v7 =	vadd.s32 s11, v1;
	s12 =	sor.u32 s9, s6;
	s11 =	sor.u32 s10, s6;
	s24 =	sadd.s32 s8, s14  }
0x1ca: {  	_ =	sdelay $0x2  }
0x1cb: {  	v9 =	vadd.s32 s24, v1  }
0x1cc: {  	v6 =	vld.idx.msk [tilespmem:v6+s3+$0x0], $0xffff  }
0x1cd: {  	v8 =	vld.idx.msk [tilespmem:v8+s3+$0x0], $0xffff;
	s6 =	sshll.u32 s29, $0x4  }
0x1ce: {  	[tilespmem:s12+$0x0] =	vst v4;
	v4 =	vld.idx.msk [tilespmem:v7+s3+$0x0], $0xffff;
	s8 =	simm.s32 $0x0;
	s6 =	sand.u32 $0x3FFFFF80, s6  }
0x1cf: {  	[tilespmem:s11+$0x0] =	vst v5;
	s9 =	sshll.u32 s31, $0x4;
	s8 =	sand.u32 $0xC, s8;
	s6 =	sadd.s32 $0x6400, s6  }
0x1d0: {  	[tilespmem:s5+$0x0] =	vst v3;
	v3 =	vmov s8;
	s8 =	simm.s32 $0x3;
	s24 =	sor.u32 s9, s6;
	v5 =	vld.idx.msk [tilespmem:v9+s3+$0x0], $0xffff  }
0x1d1: {  	s31 =	simm.s32 $0x2;
	s1 =	sor.u32 s1, s6;
	v3 =	vmul.u32 $0x440, v3;
	v7 =	vmov s8;
	[tilespmem:s24+$0x0] =	vst v6  }
0x1d2: {  	s11 =	simm.s32 $0x1;
	s0 =	sor.u32 s0, s6;
	v10 =	vand.u32 $0x7, v7;
	v6 =	vmov s31;
	[tilespmem:s1+$0x0] =	vst v8  }
0x1d3: {  	s16 =	simm.s32 $0x0;
	[tilespmem:s0+$0x0] =	vst v4;
	v3 =	vbroadcast v3, $0x0;
	v4 =	vmov s11;
	v8 =	vand.u32 $0x78, v6  }
0x1d4: {  	s9 =	sor.u32 s30, s6;
	s1 =	sand.u32 $0xC, s16;
	v12 =	vand.u32 $0x6, v6;
	v6 =	vand.u32 $0x78, v7;
	v7 =	vand.u32 $0x78, v4  }
0x1d5: {  	s10 =	simm.s32 $0x0;
	s12 =	simm.s32 $0x6400;
	s14 =	simm.s32 $0x6800;
	v13 =	vand.u32 $0x5, v4;
	v21 =	vmov s1;
	v9 =	vadd.s32 v0, v3;
	[tilespmem:s9+$0x0] =	vst v5  }
0x1d6: {  	v3 =	vadd.s32 v2, v3;
	v21 =	vmul.u32 $0x440, v21;
	v14 =	vadd.s32 v7, v9;
	[tilespmem:s14], [sflag:$0x1] =	stream.indirect.gather [hbm4b:s4+s13], $0x20, s12, s13, $0xb8;
	[tilespmem:$0x17000] =	vst v63  }
0x1d7: {  	v18 =	vadd.s32 v8, v9;
	v8 =	vadd.s32 v8, v3;
	v5 =	vmov s10;
	_ =	swait.ge [sflag:s20], $0x4000  }
0x1d8: {  	v22 =	vadd.s32 v6, v3;
	v14 =	vor.u32 v13, v14;
	v11 =	vand.u32 $0x78, v5;
	[sflag:s20] =	ssyncset.done $0x0  }
0x1d9: {  	s15 =	simm.s32 $0xA870;
	v27 =	vor.u32 v10, v22;
	v15 =	vand.u32 $0x4, v5;
	v4 =	vadd.s32 v11, v9;
	[sflag:s20] =	ssyncadd.s32 $0xFFFFC000  }
0x1da: {  	s24 =	simm.s32 $0x7;
	v23 =	vor.u32 v12, v18;
	v5 =	vadd.s32 v6, v9;
	v16 =	vor.u32 v15, v4;
	v17 =	vld [tilespmem:s15+$0xFFFFFF90]  }
0x1db: {  	s17 =	simm.s32 $0x6;
	v19 =	vor.u32 v10, v5;
	v11 =	vadd.s32 v11, v3;
	v9 =	vmov s24;
	v20 =	vld [tilespmem:s15+$0xFFFFFFF0]  }
0x1dc: {  	v10 =	vor.u32 v12, v8;
	v4 =	vadd.s32 v7, v3;
	v7 =	vmov s17;
	v26 =	vld [tilespmem:s15+$0xFFFFFFB0]  }
0x1dd: {  	s31 =	simm.s32 $0x4;
	v6 =	vand.u32 $0x7, v9;
	v9 =	vand.u32 $0x78, v9;
	v11 =	vor.u32 v15, v11  }
0x1de: {  	s30 =	simm.s32 $0x5;
	v15 =	vmov s31;
	v4 =	vor.u32 v13, v4;
	v13 =	vbroadcast v21, $0x0;
	v25 =	vld [tilespmem:s15+$0x0]  }
0x1df: {  	v5 =	vand.u32 $0x78, v7;
	v3 =	vand.u32 $0x6, v7;
	v21 =	vmov s30;
	v7 =	vld [tilespmem:s15+$0xFFFFFFA0];
	[tilespmem:v16+s21+$0x0] =	vst.idx.msk $0xffff, v17  }
0x1e0: {  	v24 =	vand.u32 $0x78, v15;
	v12 =	vand.u32 $0x4, v15;
	v22 =	vld [tilespmem:s15+$0xFFFFFFD0];
	v28 =	vadd.s32 v0, v13;
	[tilespmem:v19+s21+$0x0] =	vst.idx.msk $0xffff, v20  }
0x1e1: {  	s28 =	simm.s32 $0xA8F0;
	v13 =	vadd.s32 v2, v13;
	v15 =	vadd.s32 v5, v28;
	v17 =	vand.u32 $0x78, v21;
	v19 =	vld [tilespmem:s15+$0xFFFFFFC0];
	[tilespmem:v14+s21+$0x0] =	vst.idx.msk $0xffff, v26  }
0x1e2: {  	v8 =	vld [tilespmem:s28+$0xFFFFFF90];
	v14 =	vadd.s32 v24, v28;
	v26 =	vadd.s32 v9, v28;
	v20 =	vadd.s32 v17, v28  }
0x1e3: {  	s29 =	simm.s32 $0x8;
	s0 =	simm.s32 $0xA970;
	v16 =	vand.u32 $0x5, v21;
	v21 =	vld [tilespmem:s15+$0xFFFFFFE0];
	[tilespmem:v27+s21+$0x0] =	vst.idx.msk $0xffff, v25;
	v18 =	vor.u32 v12, v14;
	v14 =	vor.u32 v6, v26  }
.LBB2_25:
0x1e4: {  	s1 =	sshrl.u32 s29, $0x5  }
0x1e5: {  	v25 =	vld [tilespmem:s0+$0xFFFFFF90];
	s5 =	sadd.s32 $0x2, s29;
	s6 =	sadd.s32 $0x3, s29;
	v24 =	vadd.s32 v24, v13;
	v17 =	vadd.s32 v17, v13;
	v26 =	vadd.s32 v5, v13;
	s8 =	smov.u32 s29  }
0x1e6: {  	p0 =	slt.u32 s29, $0x1FC;
	s29 =	sadd.s32 $0x4, s29;
	s1 =	sand.u32 $0xC, s1;
	v27 =	vmov s5;
	v28 =	vmov s6;
	v17 =	vor.u32 v16, v17;
	v29 =	vld [tilespmem:s28+$0xFFFFFFF0];
	[tilespmem:v23+s21+$0x0] =	vst.idx.msk $0xffff, v22  }
0x1e7: {  	v13 =	vadd.s32 v9, v13;
	v22 =	vmov s1;
	v5 =	vand.u32 $0x78, v27;
	v30 =	vld [tilespmem:s28+$0x0];
	[tilespmem:v4+s21+$0x0] =	vst.idx.msk $0xffff, v19;
	v4 =	vmovc v17  }
0x1e8: {  	v32 =	vor.u32 v16, v20;
	v19 =	vand.u32 $0x7, v28;
	v17 =	vmul.u32 $0x440, v22;
	v31 =	vld [tilespmem:s28+$0xFFFFFFB0];
	[tilespmem:v11+s21+$0x0] =	vst.idx.msk $0xffff, v7  }
0x1e9: {  	s1 =	sadd.s32 $0x1, s8;
	v16 =	vand.u32 $0x6, v27;
	v9 =	vand.u32 $0x78, v28;
	v27 =	vor.u32 v6, v13;
	v6 =	vmovc v19;
	v7 =	vld [tilespmem:s28+$0xFFFFFFA0];
	[tilespmem:v10+s21+$0x0] =	vst.idx.msk $0xffff, v21  }
0x1ea: {  	v20 =	vmov s1;
	v11 =	vor.u32 v12, v24;
	v13 =	vbroadcast v17, $0x0;
	[tilespmem:v18+s21+$0x0] =	vst.idx.msk $0xffff, v8;
	v8 =	vmovc v25  }
.Ltmp11:
0x1eb: {  	v12 =	vmov s8;
	v10 =	vor.u32 v3, v26;
	v17 =	vand.u32 $0x78, v20;
	v22 =	vld [tilespmem:s28+$0xFFFFFFD0];
	[tilespmem:v14+s21+$0x0] =	vst.idx.msk $0xffff, v29;
	(pc) =	sbr.rel @p0 .LBB2_25-.Ltmp11, $4  }
0x1ec: {  	v23 =	vor.u32 v3, v15;
	v3 =	vmovc v16;
	v14 =	vadd.s32 v0, v13;
	v13 =	vadd.s32 v2, v13;
	v19 =	vld [tilespmem:s28+$0xFFFFFFC0]  }
0x1ed: {  	v24 =	vand.u32 $0x78, v12;
	v16 =	vand.u32 $0x5, v20;
	v20 =	vadd.s32 v17, v14;
	[tilespmem:v32+s21+$0x0] =	vst.idx.msk $0xffff, v31  }
0x1ee: {  	v12 =	vand.u32 $0x4, v12;
	v15 =	vadd.s32 v24, v14;
	v25 =	vadd.s32 v9, v14;
	v21 =	vld [tilespmem:s28+$0xFFFFFFE0];
	[tilespmem:v27+s21+$0x0] =	vst.idx.msk $0xffff, v30;
	s28 =	smov.u32 s0  }
0x1ef: {  	v18 =	vor.u32 v12, v15;
	v15 =	vadd.s32 v5, v14;
	v14 =	vor.u32 v6, v25;
	s0 =	sadd.s32 $0x80, s0  }
0x1f0: {  	_ =	sdelay $0x2  }
0x1f1: {  	v25 =	vld [tilespmem:s28+$0xFFFFFFF0]  }
0x1f2: {  	[tilespmem:v23+s21+$0x0] =	vst.idx.msk $0xffff, v22;
	v55 =	vld [tilespmem:s28+$0xFFFFFFB0]  }
0x1f3: {  	v56 =	vor.u32 v16, v20;
	[tilespmem:v11+s21+$0x0] =	vst.idx.msk $0xffff, v7;
	v57 =	vld [tilespmem:s28+$0xFFFFFFA0]  }
0x1f4: {  	v9 =	vadd.s32 v9, v13;
	v59 =	vld [tilespmem:s28+$0xFFFFFFD0];
	v60 =	vor.u32 v3, v15;
	[tilespmem:v18+s21+$0x0] =	vst.idx.msk $0xffff, v8  }
0x1f5: {  	v54 =	vld [tilespmem:s28+$0x0];
	v58 =	vadd.s32 v17, v13;
	[tilespmem:v4+s21+$0x0] =	vst.idx.msk $0xffff, v19;
	v6 =	vor.u32 v6, v9  }
0x1f6: {  	v61 =	vadd.s32 v24, v13;
	v62 =	vld [tilespmem:s28+$0xFFFFFFC0];
	v9 =	vor.u32 v16, v58;
	[tilespmem:v10+s21+$0x0] =	vst.idx.msk $0xffff, v21  }
0x1f7: {  	v5 =	vadd.s32 v5, v13;
	v12 =	vor.u32 v12, v61;
	[tilespmem:v14+s21+$0x0] =	vst.idx.msk $0xffff, v25  }
0x1f8: {  	v63 =	vld [tilespmem:s28+$0xFFFFFFE0];
	v3 =	vor.u32 v3, v5;
	[tilespmem:v56+s21+$0x0] =	vst.idx.msk $0xffff, v55  }
0x1f9: {  	[tilespmem:v60+s21+$0x0] =	vst.idx.msk $0xffff, v59  }
0x1fa: {  	[tilespmem:v6+s21+$0x0] =	vst.idx.msk $0xffff, v54  }
0x1fb: {  	[tilespmem:v9+s21+$0x0] =	vst.idx.msk $0xffff, v62  }
0x1fc: {  	[tilespmem:v12+s21+$0x0] =	vst.idx.msk $0xffff, v57  }
0x1fd: {  	s0 =	sshll.u32 s26, $0x13;
	[tilespmem:v3+s21+$0x0] =	vst.idx.msk $0xffff, v63  }
0x1fe: {  	s0 =	sor.u32 s7, s0;
	_ =	swait.ge [sflag:s23], $0x4000  }
0x1ff: {  	s0 =	sshrl.u32 s0, $0x3;
	[sflag:s23] =	ssyncset.done $0x0  }
0x200: {  	s11 =	simm.s32 $0x12C00;
	s6 =	sadd.s32 s2, s0;
	[sflag:s23] =	ssyncadd.s32 $0xFFFFC000  }
0x201: {  	[hbm4b:s6+s3] =	stream.linear.scatter [tilespmem:s11], [sflag:$0x4], $0x80, $0x38;
	[tilespmem:$0x17000] =	vst v63  }
0x202: {  	s12 =	simm.s32 $0x12C88;
	s1 =	sadd.s32 $0x10, s6  }
0x203: {  	[hbm4b:s1+s3] =	stream.linear.scatter [tilespmem:s12], [sflag:$0x4], $0x80, $0x38;
	[tilespmem:$0x17000] =	vst v63  }
0x204: {  	s14 =	simm.s32 $0x12D10;
	s16 =	simm.s32 $0x12D98;
	s15 =	sadd.s32 $0x20, s6  }
0x205: {  	[hbm4b:s15+s3] =	stream.linear.scatter [tilespmem:s14], [sflag:$0x4], $0x80, $0x38;
	[tilespmem:$0x17000] =	vst v63  }
0x206: {  	s24 =	simm.s32 $0x12E20;
	s28 =	simm.s32 $0x12EA8;
	s17 =	sadd.s32 $0x30, s6  }
0x207: {  	[hbm4b:s17+s3] =	stream.linear.scatter [tilespmem:s16], [sflag:$0x4], $0x80, $0x38;
	[tilespmem:$0x17000] =	vst v63  }
0x208: {  	s30 =	simm.s32 $0x12F30;
	s5 =	simm.s32 $0x12FB8;
	s26 =	sadd.s32 $0x40, s6  }
0x209: {  	[hbm4b:s26+s3] =	stream.linear.scatter [tilespmem:s24], [sflag:$0x4], $0x80, $0x38;
	[tilespmem:$0x17000] =	vst v63  }
0x20a: {  	s0 =	simm.s32 $0x440;
	s29 =	sadd.s32 $0x50, s6;
	s31 =	sadd.s32 $0x60, s6  }
0x20b: {  	[hbm4b:s29+s3] =	stream.linear.scatter [tilespmem:s28], [sflag:$0x4], $0x80, $0x38;
	[tilespmem:$0x17000] =	vst v63  }
0x20c: {  	s11 =	sadd.s32 $0x70, s6;
	s1 =	simm.s32 $0x2200;
	s26 =	sadd.s32 $0x1000, s6  }
0x20d: {  	[hbm4b:s31+s3] =	stream.linear.scatter [tilespmem:s30], [sflag:$0x4], $0x80, $0x38;
	[tilespmem:$0x17000] =	vst v63  }
.LBB2_27:
0x20e: {  	[hbm4b:s11+s3] =	stream.linear.scatter [tilespmem:s5], [sflag:$0x4], $0x80, $0x38;
	[tilespmem:$0x17000] =	vst v63  }
0x20f: {  	s5 =	smov.u32 s0;
	s0 =	smov.u32 s1  }
0x210: {  	s6 =	sadd.s32 $0x1100, s1;
	s0 =	sshra.s32 s0, $0x2;
	s8 =	sadd.s32 $0x12C00, s5  }
0x211: {  	[hbm4b:s26+s3] =	stream.linear.scatter [tilespmem:s8], [sflag:$0x4], $0x80, $0x38;
	[tilespmem:$0x17000] =	vst v63  }
0x212: {  	p0 =	sne.s32 s1, $0xFF00;
	s1 =	sadd.s32 $0x12C88, s5;
	s8 =	sadd.s32 $0x10, s26  }
0x213: {  	[hbm4b:s8+s3] =	stream.linear.scatter [tilespmem:s1], [sflag:$0x4], $0x80, $0x38;
	[tilespmem:$0x17000] =	vst v63  }
0x214: {  	s1 =	sadd.s32 $0x12D10, s5;
	s8 =	sadd.s32 $0x20, s26  }
0x215: {  	[hbm4b:s8+s3] =	stream.linear.scatter [tilespmem:s1], [sflag:$0x4], $0x80, $0x38;
	[tilespmem:$0x17000] =	vst v63  }
0x216: {  	s1 =	sadd.s32 $0x12D98, s5;
	s8 =	sadd.s32 $0x30, s26  }
0x217: {  	[hbm4b:s8+s3] =	stream.linear.scatter [tilespmem:s1], [sflag:$0x4], $0x80, $0x38;
	[tilespmem:$0x17000] =	vst v63  }
0x218: {  	s1 =	sadd.s32 $0x12E20, s5;
	s8 =	sadd.s32 $0x40, s26  }
0x219: {  	[hbm4b:s8+s3] =	stream.linear.scatter [tilespmem:s1], [sflag:$0x4], $0x80, $0x38;
	[tilespmem:$0x17000] =	vst v63  }
.Ltmp12:
0x21a: {  	s1 =	sadd.s32 $0x12EA8, s5;
	s8 =	sadd.s32 $0x50, s26;
	(pc) =	sbr.rel @p0 .LBB2_27-.Ltmp12, $4  }
0x21b: {  	[hbm4b:s8+s3] =	stream.linear.scatter [tilespmem:s1], [sflag:$0x4], $0x80, $0x38;
	[tilespmem:$0x17000] =	vst v63  }
0x21c: {  	s11 =	sadd.s32 $0x70, s26;
	s1 =	sadd.s32 $0x12F30, s5;
	s8 =	sadd.s32 $0x60, s26  }
0x21d: {  	[hbm4b:s8+s3] =	stream.linear.scatter [tilespmem:s1], [sflag:$0x4], $0x80, $0x38;
	[tilespmem:$0x17000] =	vst v63  }
0x21e: {  	s5 =	sadd.s32 $0x12FB8, s5;
	s26 =	sadd.s32 $0x1000, s26;
	s1 =	smov.u32 s6  }
0x21f: {  	[hbm4b:s11+s3] =	stream.linear.scatter [tilespmem:s5], [sflag:$0x4], $0x80, $0x38;
	[tilespmem:$0x17000] =	vst v63  }
0x220: {  	s1 =	sadd.s32 $0x12C00, s0  }
0x221: {  	[hbm4b:s26+s3] =	stream.linear.scatter [tilespmem:s1], [sflag:$0x4], $0x80, $0x38;
	[tilespmem:$0x17000] =	vst v63  }
0x222: {  	s8 =	sadd.s32 $0x12C88, s0;
	s9 =	sadd.s32 $0x10, s26  }
0x223: {  	[hbm4b:s9+s3] =	stream.linear.scatter [tilespmem:s8], [sflag:$0x4], $0x80, $0x38;
	[tilespmem:$0x17000] =	vst v63  }
0x224: {  	s10 =	sadd.s32 $0x12D10, s0;
	s11 =	sadd.s32 $0x20, s26  }
0x225: {  	[hbm4b:s11+s3] =	stream.linear.scatter [tilespmem:s10], [sflag:$0x4], $0x80, $0x38;
	[tilespmem:$0x17000] =	vst v63  }
0x226: {  	s12 =	sadd.s32 $0x12D98, s0;
	s14 =	sadd.s32 $0x30, s26  }
0x227: {  	[hbm4b:s14+s3] =	stream.linear.scatter [tilespmem:s12], [sflag:$0x4], $0x80, $0x38;
	[tilespmem:$0x17000] =	vst v63  }
0x228: {  	s15 =	sadd.s32 $0x12E20, s0;
	s16 =	sadd.s32 $0x40, s26;
	s25 =	sadd.s32 $0x1, s25  }
0x229: {  	[hbm4b:s16+s3] =	stream.linear.scatter [tilespmem:s15], [sflag:$0x4], $0x80, $0x38;
	[tilespmem:$0x17000] =	vst v63  }
0x22a: {  	s17 =	sadd.s32 $0x12EA8, s0;
	s24 =	sadd.s32 $0x50, s26;
	p0 =	sne.s32 s25, $0x18  }
0x22b: {  	[hbm4b:s24+s3] =	stream.linear.scatter [tilespmem:s17], [sflag:$0x4], $0x80, $0x38;
	[tilespmem:$0x17000] =	vst v63  }
.Ltmp13:
0x22c: {  	_ = 	snop;
	(pc) =	sbr.rel @p0 .LBB2_16-.Ltmp13, $4  }
0x22d: {  	s28 =	sadd.s32 $0x12F30, s0;
	s29 =	sadd.s32 $0x60, s26  }
0x22e: {  	[hbm4b:s29+s3] =	stream.linear.scatter [tilespmem:s28], [sflag:$0x4], $0x80, $0x38;
	[tilespmem:$0x17000] =	vst v63  }
0x22f: {  	s30 =	sadd.s32 $0x12FB8, s0;
	s31 =	sadd.s32 $0x70, s26  }
0x230: {  	[hbm4b:s31+s3] =	stream.linear.scatter [tilespmem:s30], [sflag:$0x4], $0x80, $0x38;
	[tilespmem:$0x17000] =	vst v63  }
0x231: {  	s0 =	simm.s32 $0x0  }
0x232: {  	s0 =	sand.u32 $0x4, s0  }
0x233: {  	s1 =	sor.u32 $0x3, s0  }
0x234: {  	s6 =	simm.s32 $0x0;
	s8 =	smul.u32 $0xC80, s1  }
0x235: {  	s25 =	simm.s32 $0x4;
	s6 =	sor.u32 $0xC4, s6;
	s5 =	sor.u32 $0x1, s0  }
0x236: {  	s9 =	sor.u32 $0x2, s0;
	s10 =	smul.u32 $0xC80, s5;
	s8 =	sadd.s32 s6, s8  }
0x237: {  	s15 =	simm.s32 $0x0;
	s31 =	sand.u32 $0x4, s25;
	s11 =	smul.u32 $0xC80, s9;
	v3 =	vadd.s32 s8, v1  }
0x238: {  	s15 =	sand.u32 $0x3FFFFF80, s15;
	s29 =	smul.u32 $0xC80, s0;
	s10 =	sadd.s32 s6, s10  }
0x239: {  	s26 =	sor.u32 $0x2, s31;
	s28 =	sor.u32 $0x3, s31;
	s30 =	sadd.s32 s6, s11;
	v4 =	vadd.s32 s10, v1  }
0x23a: {  	s15 =	sadd.s32 $0x6400, s15;
	s12 =	sshll.u32 s5, $0x4;
	s6 =	sadd.s32 s29, s6;
	v5 =	vadd.s32 s30, v1  }
0x23b: {  	s9 =	sshll.u32 s9, $0x4;
	s5 =	sshll.u32 s0, $0x4;
	s14 =	smul.u32 $0xC80, s28;
	v7 =	vadd.s32 s6, v1  }
0x23c: {  	s17 =	smul.u32 $0xC80, s26;
	s11 =	sor.u32 $0x1, s31;
	s29 =	simm.s32 $0x0;
	v9 =	vld.idx.msk [tilespmem:v3+s3+$0x0], $0xffff  }
0x23d: {  	s1 =	sshll.u32 s1, $0x4;
	s6 =	sor.u32 $0xC4, s29;
	s30 =	smul.u32 $0xC80, s11  }
0x23e: {  	s0 =	sshll.u32 s26, $0x4;
	s26 =	sshll.u32 s31, $0x4;
	s14 =	sadd.s32 s6, s14;
	v4 =	vld.idx.msk [tilespmem:v4+s3+$0x0], $0xffff  }
0x23f: {  	s24 =	sor.u32 s1, s15;
	s29 =	smul.u32 $0xC80, s31;
	s16 =	sadd.s32 s6, s30;
	v6 =	vadd.s32 s14, v1;
	v5 =	vld.idx.msk [tilespmem:v5+s3+$0x0], $0xffff  }
0x240: {  	s5 =	sor.u32 s5, s15;
	s12 =	sor.u32 s12, s15;
	s31 =	sadd.s32 s6, s17;
	v8 =	vadd.s32 s16, v1;
	v3 =	vld.idx.msk [tilespmem:v7+s3+$0x0], $0xffff  }
0x241: {  	s1 =	sshll.u32 s11, $0x4;
	s11 =	sor.u32 s9, s15;
	v7 =	vadd.s32 s31, v1;
	[tilespmem:s24+$0x200] =	vst v9;
	s24 =	sadd.s32 s29, s6  }
.LBB2_30:
0x242: {  	s6 =	smov.u32 s25;
	s25 =	sadd.s32 $0x4, s25  }
0x243: {  	v9 =	vadd.s32 s24, v1;
	[tilespmem:s12+$0x200] =	vst v4;
	s8 =	smov.u32 s28;
	s9 =	smov.u32 s1;
	s10 =	smov.u32 s0  }
0x244: {  	s12 =	sand.u32 $0x4, s25;
	p0 =	slt.u32 s25, $0x1C;
	v10 =	vld.idx.msk [tilespmem:v6+s3+$0x0], $0xffff;
	[tilespmem:s11+$0x200] =	vst v5;
	s1 =	sshrl.u32 s25, $0x3  }
0x245: {  	s0 =	sor.u32 $0x1, s12;
	s11 =	sor.u32 $0x2, s12;
	s28 =	sor.u32 $0x3, s12;
	v4 =	vld.idx.msk [tilespmem:v8+s3+$0x0], $0xffff;
	[tilespmem:s5+$0x200] =	vst v3  }
0x246: {  	s6 =	sshll.u32 s6, $0x4;
	s8 =	sshll.u32 s8, $0x4;
	s5 =	smul.u32 $0xC80, s28  }
0x247: {  	s14 =	sor.u32 $0xC4, s1;
	s6 =	sand.u32 $0x3FFFFF80, s6;
	s1 =	smul.u32 $0xC80, s0;
	v5 =	vld.idx.msk [tilespmem:v7+s3+$0x0], $0xffff  }
.Ltmp14:
0x248: {  	s6 =	sadd.s32 $0x6400, s6;
	s5 =	sadd.s32 s14, s5;
	v3 =	vld.idx.msk [tilespmem:v9+s3+$0x0], $0xffff;
	(pc) =	sbr.rel @p0 .LBB2_30-.Ltmp14, $4  }
0x249: {  	s15 =	smul.u32 $0xC80, s11;
	s1 =	sadd.s32 s14, s1;
	v6 =	vadd.s32 s5, v1;
	s5 =	sor.u32 s8, s6  }
0x24a: {  	s8 =	smul.u32 $0xC80, s12;
	v8 =	vadd.s32 s1, v1;
	s1 =	sshll.u32 s0, $0x4;
	s0 =	sshll.u32 s11, $0x4;
	[tilespmem:s5+$0x200] =	vst v10  }
0x24b: {  	s11 =	sadd.s32 s14, s15;
	s5 =	sor.u32 s26, s6;
	s26 =	sshll.u32 s12, $0x4  }
0x24c: {  	v7 =	vadd.s32 s11, v1;
	s12 =	sor.u32 s9, s6;
	s11 =	sor.u32 s10, s6;
	s24 =	sadd.s32 s8, s14  }
0x24d: {  	_ =	sdelay $0x2  }
0x24e: {  	v9 =	vadd.s32 s24, v1  }
0x24f: {  	v6 =	vld.idx.msk [tilespmem:v6+s3+$0x0], $0xffff  }
0x250: {  	v8 =	vld.idx.msk [tilespmem:v8+s3+$0x0], $0xffff;
	s6 =	sshll.u32 s25, $0x4  }
0x251: {  	[tilespmem:s12+$0x200] =	vst v4;
	v4 =	vld.idx.msk [tilespmem:v7+s3+$0x0], $0xffff;
	s8 =	simm.s32 $0x0;
	s6 =	sand.u32 $0x3FFFFF80, s6  }
0x252: {  	[tilespmem:s11+$0x200] =	vst v5;
	s9 =	sshll.u32 s28, $0x4;
	s8 =	sand.u32 $0xC, s8;
	s6 =	sadd.s32 $0x6400, s6  }
0x253: {  	[tilespmem:s5+$0x200] =	vst v3;
	s11 =	simm.s32 $0x3;
	v3 =	vmov s8;
	s9 =	sor.u32 s9, s6;
	v5 =	vld.idx.msk [tilespmem:v9+s3+$0x0], $0xffff  }
0x254: {  	s10 =	simm.s32 $0x2;
	v7 =	vmov s11;
	s1 =	sor.u32 s1, s6;
	v3 =	vmul.u32 $0x440, v3;
	[tilespmem:s9+$0x200] =	vst v6  }
0x255: {  	s15 =	simm.s32 $0x1;
	v10 =	vand.u32 $0x7, v7;
	s0 =	sor.u32 s0, s6;
	v6 =	vmov s10;
	[tilespmem:s1+$0x200] =	vst v8  }
0x256: {  	s12 =	sor.u32 s26, s6;
	s26 =	simm.s32 $0x0;
	[tilespmem:s0+$0x200] =	vst v4;
	v3 =	vbroadcast v3, $0x0;
	v4 =	vmov s15;
	v8 =	vand.u32 $0x78, v6  }
0x257: {  	s1 =	sand.u32 $0xC, s26;
	v12 =	vand.u32 $0x6, v6;
	v6 =	vand.u32 $0x78, v7;
	v7 =	vand.u32 $0x78, v4  }
0x258: {  	s14 =	simm.s32 $0x0;
	s16 =	simm.s32 $0x6600;
	s17 =	simm.s32 $0xA800;
	v13 =	vand.u32 $0x5, v4;
	v21 =	vmov s1;
	v9 =	vadd.s32 v0, v3;
	[tilespmem:s12+$0x200] =	vst v5  }
0x259: {  	v3 =	vadd.s32 v2, v3;
	v21 =	vmul.u32 $0x440, v21;
	v14 =	vadd.s32 v7, v9;
	[tilespmem:s17], [sflag:$0x2] =	stream.indirect.gather [hbm4b:s4+s13], $0x20, s16, s13, $0xb8;
	[tilespmem:$0x17000] =	vst v63  }
0x25a: {  	v18 =	vadd.s32 v8, v9;
	v8 =	vadd.s32 v8, v3;
	v5 =	vmov s14;
	_ =	swait.ge [sflag:s18], $0x4000  }
0x25b: {  	v22 =	vadd.s32 v6, v3;
	v14 =	vor.u32 v13, v14;
	v11 =	vand.u32 $0x78, v5;
	[sflag:s18] =	ssyncset.done $0x0  }
0x25c: {  	s24 =	simm.s32 $0x6840;
	v27 =	vor.u32 v10, v22;
	v15 =	vand.u32 $0x4, v5;
	v4 =	vadd.s32 v11, v9;
	[sflag:s18] =	ssyncadd.s32 $0xFFFFC000  }
0x25d: {  	s29 =	simm.s32 $0x7;
	v23 =	vor.u32 v12, v18;
	v5 =	vadd.s32 v6, v9;
	v16 =	vor.u32 v15, v4;
	v17 =	vld [tilespmem:s24+$0xFFFFFFC0]  }
0x25e: {  	s28 =	simm.s32 $0x6;
	v19 =	vor.u32 v10, v5;
	v11 =	vadd.s32 v11, v3;
	v9 =	vmov s29;
	v20 =	vld [tilespmem:s24+$0x20]  }
0x25f: {  	v10 =	vor.u32 v12, v8;
	v4 =	vadd.s32 v7, v3;
	v7 =	vmov s28;
	v26 =	vld [tilespmem:s24+$0xFFFFFFE0]  }
0x260: {  	s31 =	simm.s32 $0x4;
	v6 =	vand.u32 $0x7, v9;
	v9 =	vand.u32 $0x78, v9;
	v11 =	vor.u32 v15, v11  }
0x261: {  	s30 =	simm.s32 $0x5;
	v15 =	vmov s31;
	v4 =	vor.u32 v13, v4;
	v13 =	vbroadcast v21, $0x0;
	v25 =	vld [tilespmem:s24+$0x30]  }
0x262: {  	v5 =	vand.u32 $0x78, v7;
	v3 =	vand.u32 $0x6, v7;
	v21 =	vmov s30;
	v7 =	vld [tilespmem:s24+$0xFFFFFFD0];
	[tilespmem:v16+s19+$0x0] =	vst.idx.msk $0xffff, v17  }
0x263: {  	v24 =	vand.u32 $0x78, v15;
	v12 =	vand.u32 $0x4, v15;
	v22 =	vld [tilespmem:s24+$0x0];
	v28 =	vadd.s32 v0, v13;
	[tilespmem:v19+s19+$0x0] =	vst.idx.msk $0xffff, v20  }
0x264: {  	s25 =	simm.s32 $0x68C0;
	v13 =	vadd.s32 v2, v13;
	v15 =	vadd.s32 v5, v28;
	v17 =	vand.u32 $0x78, v21;
	v19 =	vld [tilespmem:s24+$0xFFFFFFF0];
	[tilespmem:v14+s19+$0x0] =	vst.idx.msk $0xffff, v26  }
0x265: {  	v8 =	vld [tilespmem:s25+$0xFFFFFFC0];
	v14 =	vadd.s32 v24, v28;
	v26 =	vadd.s32 v9, v28;
	v20 =	vadd.s32 v17, v28  }
0x266: {  	s26 =	simm.s32 $0x8;
	s0 =	simm.s32 $0x6940;
	v16 =	vand.u32 $0x5, v21;
	v21 =	vld [tilespmem:s24+$0x10];
	[tilespmem:v27+s19+$0x0] =	vst.idx.msk $0xffff, v25;
	v18 =	vor.u32 v12, v14;
	v14 =	vor.u32 v6, v26  }
.LBB2_32:
0x267: {  	s1 =	sshrl.u32 s26, $0x5  }
0x268: {  	v25 =	vld [tilespmem:s0+$0xFFFFFFC0];
	s5 =	sadd.s32 $0x2, s26;
	s6 =	sadd.s32 $0x3, s26;
	v24 =	vadd.s32 v24, v13;
	v17 =	vadd.s32 v17, v13;
	v26 =	vadd.s32 v5, v13;
	s8 =	smov.u32 s26  }
0x269: {  	p0 =	slt.u32 s26, $0x1FC;
	s26 =	sadd.s32 $0x4, s26;
	s1 =	sand.u32 $0xC, s1;
	v27 =	vmov s5;
	v28 =	vmov s6;
	v17 =	vor.u32 v16, v17;
	v29 =	vld [tilespmem:s25+$0x20];
	[tilespmem:v23+s19+$0x0] =	vst.idx.msk $0xffff, v22  }
0x26a: {  	v13 =	vadd.s32 v9, v13;
	v22 =	vmov s1;
	v5 =	vand.u32 $0x78, v27;
	v30 =	vld [tilespmem:s25+$0x30];
	[tilespmem:v4+s19+$0x0] =	vst.idx.msk $0xffff, v19;
	v4 =	vmovc v17  }
0x26b: {  	v32 =	vor.u32 v16, v20;
	v19 =	vand.u32 $0x7, v28;
	v17 =	vmul.u32 $0x440, v22;
	v31 =	vld [tilespmem:s25+$0xFFFFFFE0];
	[tilespmem:v11+s19+$0x0] =	vst.idx.msk $0xffff, v7  }
0x26c: {  	s1 =	sadd.s32 $0x1, s8;
	v16 =	vand.u32 $0x6, v27;
	v9 =	vand.u32 $0x78, v28;
	v27 =	vor.u32 v6, v13;
	v6 =	vmovc v19;
	v7 =	vld [tilespmem:s25+$0xFFFFFFD0];
	[tilespmem:v10+s19+$0x0] =	vst.idx.msk $0xffff, v21  }
0x26d: {  	v20 =	vmov s1;
	v11 =	vor.u32 v12, v24;
	v13 =	vbroadcast v17, $0x0;
	[tilespmem:v18+s19+$0x0] =	vst.idx.msk $0xffff, v8;
	v8 =	vmovc v25  }
.Ltmp15:
0x26e: {  	v12 =	vmov s8;
	v10 =	vor.u32 v3, v26;
	v17 =	vand.u32 $0x78, v20;
	v22 =	vld [tilespmem:s25+$0x0];
	[tilespmem:v14+s19+$0x0] =	vst.idx.msk $0xffff, v29;
	(pc) =	sbr.rel @p0 .LBB2_32-.Ltmp15, $4  }
0x26f: {  	v23 =	vor.u32 v3, v15;
	v3 =	vmovc v16;
	v14 =	vadd.s32 v0, v13;
	v13 =	vadd.s32 v2, v13;
	v19 =	vld [tilespmem:s25+$0xFFFFFFF0]  }
0x270: {  	v24 =	vand.u32 $0x78, v12;
	v16 =	vand.u32 $0x5, v20;
	v20 =	vadd.s32 v17, v14;
	[tilespmem:v32+s19+$0x0] =	vst.idx.msk $0xffff, v31  }
0x271: {  	v12 =	vand.u32 $0x4, v12;
	v15 =	vadd.s32 v24, v14;
	v25 =	vadd.s32 v9, v14;
	v21 =	vld [tilespmem:s25+$0x10];
	[tilespmem:v27+s19+$0x0] =	vst.idx.msk $0xffff, v30;
	s25 =	smov.u32 s0  }
0x272: {  	v18 =	vor.u32 v12, v15;
	v15 =	vadd.s32 v5, v14;
	v14 =	vor.u32 v6, v25;
	s0 =	sadd.s32 $0x80, s0  }
0x273: {  	_ =	sdelay $0x2  }
0x274: {  	v25 =	vld [tilespmem:s25+$0x20]  }
0x275: {  	[tilespmem:v23+s19+$0x0] =	vst.idx.msk $0xffff, v22;
	v55 =	vld [tilespmem:s25+$0xFFFFFFE0]  }
0x276: {  	v56 =	vor.u32 v16, v20;
	[tilespmem:v11+s19+$0x0] =	vst.idx.msk $0xffff, v7;
	v57 =	vld [tilespmem:s25+$0xFFFFFFD0]  }
0x277: {  	v9 =	vadd.s32 v9, v13;
	v59 =	vld [tilespmem:s25+$0x0];
	v60 =	vor.u32 v3, v15;
	[tilespmem:v18+s19+$0x0] =	vst.idx.msk $0xffff, v8  }
0x278: {  	v54 =	vld [tilespmem:s25+$0x30];
	v58 =	vadd.s32 v17, v13;
	[tilespmem:v4+s19+$0x0] =	vst.idx.msk $0xffff, v19;
	v6 =	vor.u32 v6, v9  }
0x279: {  	v61 =	vadd.s32 v24, v13;
	v62 =	vld [tilespmem:s25+$0xFFFFFFF0];
	v9 =	vor.u32 v16, v58;
	[tilespmem:v10+s19+$0x0] =	vst.idx.msk $0xffff, v21  }
0x27a: {  	v5 =	vadd.s32 v5, v13;
	v12 =	vor.u32 v12, v61;
	[tilespmem:v14+s19+$0x0] =	vst.idx.msk $0xffff, v25  }
0x27b: {  	v63 =	vld [tilespmem:s25+$0x10];
	v3 =	vor.u32 v3, v5;
	[tilespmem:v56+s19+$0x0] =	vst.idx.msk $0xffff, v55  }
0x27c: {  	[tilespmem:v60+s19+$0x0] =	vst.idx.msk $0xffff, v59  }
0x27d: {  	[tilespmem:v6+s19+$0x0] =	vst.idx.msk $0xffff, v54  }
0x27e: {  	[tilespmem:v9+s19+$0x0] =	vst.idx.msk $0xffff, v62  }
0x27f: {  	[tilespmem:v12+s19+$0x0] =	vst.idx.msk $0xffff, v57  }
0x280: {  	[tilespmem:v3+s19+$0x0] =	vst.idx.msk $0xffff, v63  }
0x281: {  	_ =	swait.ge [sflag:s22], $0x4000  }
0x282: {  	[sflag:s22] =	ssyncset.done $0x0  }
0x283: {  	s0 =	simm.s32 $0xE800;
	s6 =	rddreg [dreg:$0x7];
	[sflag:s22] =	ssyncadd.s32 $0xFFFFC000  }
0x284: {  	[hbm4b:s6+s3] =	stream.linear.scatter [tilespmem:s0], [sflag:$0x3], $0x80, $0x38;
	[tilespmem:$0x17000] =	vst v63  }
0x285: {  	s14 =	simm.s32 $0xE888;
	s1 =	sadd.s32 $0x10, s6  }
0x286: {  	[hbm4b:s1+s3] =	stream.linear.scatter [tilespmem:s14], [sflag:$0x3], $0x80, $0x38;
	[tilespmem:$0x17000] =	vst v63  }
0x287: {  	s15 =	simm.s32 $0xE910;
	s17 =	simm.s32 $0xE998;
	s16 =	sadd.s32 $0x20, s6  }
0x288: {  	[hbm4b:s16+s3] =	stream.linear.scatter [tilespmem:s15], [sflag:$0x3], $0x80, $0x38;
	[tilespmem:$0x17000] =	vst v63  }
0x289: {  	s25 =	simm.s32 $0xEA20;
	s28 =	simm.s32 $0xEAA8;
	s24 =	sadd.s32 $0x30, s6  }
0x28a: {  	[hbm4b:s24+s3] =	stream.linear.scatter [tilespmem:s17], [sflag:$0x3], $0x80, $0x38;
	[tilespmem:$0x17000] =	vst v63  }
0x28b: {  	s30 =	simm.s32 $0xEB30;
	s26 =	sadd.s32 $0x40, s6;
	s29 =	sadd.s32 $0x50, s6  }
0x28c: {  	[hbm4b:s26+s3] =	stream.linear.scatter [tilespmem:s25], [sflag:$0x3], $0x80, $0x38;
	[tilespmem:$0x17000] =	vst v63  }
0x28d: {  	s31 =	sadd.s32 $0x60, s6;
	s5 =	sadd.s32 $0x70, s6;
	s0 =	simm.s32 $0x2200  }
0x28e: {  	[hbm4b:s29+s3] =	stream.linear.scatter [tilespmem:s28], [sflag:$0x3], $0x80, $0x38;
	[tilespmem:$0x17000] =	vst v63  }
0x28f: {  	s1 =	simm.s32 $0xEBB8;
	s25 =	simm.s32 $0x440;
	s26 =	sadd.s32 $0x1000, s6  }
0x290: {  	[hbm4b:s31+s3] =	stream.linear.scatter [tilespmem:s30], [sflag:$0x3], $0x80, $0x38;
	[tilespmem:$0x17000] =	vst v63  }
.LBB2_34:
0x291: {  	[hbm4b:s5+s3] =	stream.linear.scatter [tilespmem:s1], [sflag:$0x3], $0x80, $0x38;
	[tilespmem:$0x17000] =	vst v63  }
0x292: {  	s1 =	smov.u32 s25;
	s5 =	smov.u32 s0  }
0x293: {  	s6 =	sadd.s32 $0x1100, s0;
	s25 =	sshra.s32 s5, $0x2;
	s5 =	sadd.s32 $0xE800, s1  }
0x294: {  	[hbm4b:s26+s3] =	stream.linear.scatter [tilespmem:s5], [sflag:$0x3], $0x80, $0x38;
	[tilespmem:$0x17000] =	vst v63  }
0x295: {  	p0 =	sne.s32 s0, $0xFF00;
	s0 =	sadd.s32 $0xE888, s1;
	s5 =	sadd.s32 $0x10, s26  }
0x296: {  	[hbm4b:s5+s3] =	stream.linear.scatter [tilespmem:s0], [sflag:$0x3], $0x80, $0x38;
	[tilespmem:$0x17000] =	vst v63  }
0x297: {  	s0 =	sadd.s32 $0xE910, s1;
	s5 =	sadd.s32 $0x20, s26  }
0x298: {  	[hbm4b:s5+s3] =	stream.linear.scatter [tilespmem:s0], [sflag:$0x3], $0x80, $0x38;
	[tilespmem:$0x17000] =	vst v63  }
0x299: {  	s0 =	sadd.s32 $0xE998, s1;
	s5 =	sadd.s32 $0x30, s26  }
0x29a: {  	[hbm4b:s5+s3] =	stream.linear.scatter [tilespmem:s0], [sflag:$0x3], $0x80, $0x38;
	[tilespmem:$0x17000] =	vst v63  }
0x29b: {  	s0 =	sadd.s32 $0xEA20, s1;
	s5 =	sadd.s32 $0x40, s26  }
0x29c: {  	[hbm4b:s5+s3] =	stream.linear.scatter [tilespmem:s0], [sflag:$0x3], $0x80, $0x38;
	[tilespmem:$0x17000] =	vst v63  }
.Ltmp16:
0x29d: {  	s0 =	sadd.s32 $0xEAA8, s1;
	s5 =	sadd.s32 $0x50, s26;
	(pc) =	sbr.rel @p0 .LBB2_34-.Ltmp16, $4  }
0x29e: {  	[hbm4b:s5+s3] =	stream.linear.scatter [tilespmem:s0], [sflag:$0x3], $0x80, $0x38;
	[tilespmem:$0x17000] =	vst v63  }
0x29f: {  	s0 =	sadd.s32 $0xEB30, s1;
	s5 =	sadd.s32 $0x60, s26;
	s1 =	sadd.s32 $0xEBB8, s1  }
0x2a0: {  	[hbm4b:s5+s3] =	stream.linear.scatter [tilespmem:s0], [sflag:$0x3], $0x80, $0x38;
	[tilespmem:$0x17000] =	vst v63  }
0x2a1: {  	s5 =	sadd.s32 $0x70, s26;
	s26 =	sadd.s32 $0x1000, s26;
	s0 =	smov.u32 s6  }
0x2a2: {  	[hbm4b:s5+s3] =	stream.linear.scatter [tilespmem:s1], [sflag:$0x3], $0x80, $0x38;
	[tilespmem:$0x17000] =	vst v63  }
0x2a3: {  	s0 =	sadd.s32 $0xE800, s25;
	s17 =	sadd.s32 $0xE888, s25;
	s24 =	sadd.s32 $0x10, s26  }
0x2a4: {  	[hbm4b:s26+s3] =	stream.linear.scatter [tilespmem:s0], [sflag:$0x3], $0x80, $0x38;
	[tilespmem:$0x17000] =	vst v63  }
0x2a5: {  	s28 =	sadd.s32 $0xE910, s25;
	s29 =	sadd.s32 $0x20, s26;
	s30 =	sadd.s32 $0xE998, s25  }
0x2a6: {  	[hbm4b:s24+s3] =	stream.linear.scatter [tilespmem:s17], [sflag:$0x3], $0x80, $0x38;
	[tilespmem:$0x17000] =	vst v63  }
0x2a7: {  	s31 =	sadd.s32 $0x30, s26;
	s1 =	sadd.s32 $0xEA20, s25;
	s9 =	simm.s32 $0x0  }
0x2a8: {  	[hbm4b:s29+s3] =	stream.linear.scatter [tilespmem:s28], [sflag:$0x3], $0x80, $0x38;
	[tilespmem:$0x17000] =	vst v63  }
0x2a9: {  	s5 =	sadd.s32 $0x40, s26;
	s6 =	sadd.s32 $0xEAA8, s25;
	s0 =	sand.u32 $0xC, s9  }
0x2aa: {  	[hbm4b:s31+s3] =	stream.linear.scatter [tilespmem:s30], [sflag:$0x3], $0x80, $0x38;
	[tilespmem:$0x17000] =	vst v63  }
0x2ab: {  	s8 =	sadd.s32 $0x50, s26;
	s10 =	simm.s32 $0x2;
	s11 =	sadd.s32 $0xEB30, s25;
	v3 =	vmov s0  }
0x2ac: {  	v4 =	vmov s10;
	v3 =	vmul.u32 $0x440, v3;
	[hbm4b:s5+s3] =	stream.linear.scatter [tilespmem:s1], [sflag:$0x3], $0x80, $0x38;
	[tilespmem:$0x17000] =	vst v63  }
0x2ad: {  	s12 =	sadd.s32 $0x60, s26;
	s14 =	simm.s32 $0x0;
	s15 =	simm.s32 $0x1;
	v6 =	vand.u32 $0x78, v4  }
0x2ae: {  	v12 =	vand.u32 $0x6, v4;
	v4 =	vmov s15;
	v3 =	vbroadcast v3, $0x0;
	[hbm4b:s8+s3] =	stream.linear.scatter [tilespmem:s6], [sflag:$0x3], $0x80, $0x38;
	[tilespmem:$0x17000] =	vst v63  }
0x2af: {  	v9 =	vand.u32 $0x78, v4;
	v13 =	vand.u32 $0x5, v4;
	s17 =	sadd.s32 $0x70, s26;
	s26 =	simm.s32 $0x0;
	s29 =	simm.s32 $0x7  }
0x2b0: {  	v17 =	vmov s29;
	v10 =	vadd.s32 v0, v3;
	v3 =	vadd.s32 v2, v3;
	[hbm4b:s12+s3] =	stream.linear.scatter [tilespmem:s11], [sflag:$0x3], $0x80, $0x38;
	[tilespmem:$0x17000] =	vst v63  }
0x2b1: {  	s16 =	sadd.s32 $0xEBB8, s25;
	v14 =	vadd.s32 v9, v10;
	v18 =	vadd.s32 v6, v10;
	v20 =	vadd.s32 v6, v3;
	s1 =	sand.u32 $0xC, s26;
	s6 =	simm.s32 $0x3  }
0x2b2: {  	v14 =	vor.u32 v13, v14;
	v6 =	vmov s1;
	v5 =	vmov s6;
	[hbm4b:s17+s3] =	stream.linear.scatter [tilespmem:s16], [sflag:$0x3], $0x80, $0x38;
	[tilespmem:$0x17000] =	vst v63  }
0x2b3: {  	v8 =	vand.u32 $0x7, v5;
	v7 =	vand.u32 $0x78, v5;
	v5 =	vmov s14;
	_ =	swait.ge [sflag:s20], $0x4000  }
0x2b4: {  	v23 =	vmul.u32 $0x440, v6;
	v6 =	vand.u32 $0x7, v17;
	v11 =	vand.u32 $0x78, v5;
	[sflag:s20] =	ssyncset.done $0x0  }
0x2b5: {  	s24 =	simm.s32 $0xA870;
	v15 =	vand.u32 $0x4, v5;
	v5 =	vadd.s32 v7, v10;
	v4 =	vadd.s32 v11, v10;
	[sflag:s20] =	ssyncadd.s32 $0xFFFFC000  }
0x2b6: {  	v22 =	vadd.s32 v7, v3;
	v19 =	vor.u32 v8, v5;
	v16 =	vor.u32 v15, v4;
	v10 =	vld [tilespmem:s24+$0xFFFFFF90]  }
0x2b7: {  	s30 =	simm.s32 $0x5;
	v11 =	vadd.s32 v11, v3;
	v27 =	vor.u32 v8, v22;
	v8 =	vbroadcast v23, $0x0;
	v21 =	vld [tilespmem:s24+$0xFFFFFFF0]  }
0x2b8: {  	s28 =	simm.s32 $0x6;
	s31 =	simm.s32 $0x4;
	v22 =	vmov s30;
	v23 =	vor.u32 v12, v18;
	v4 =	vadd.s32 v9, v3;
	v26 =	vld [tilespmem:s24+$0xFFFFFFB0]  }
0x2b9: {  	v9 =	vmov s28;
	v11 =	vor.u32 v15, v11;
	v15 =	vmov s31  }
0x2ba: {  	v4 =	vor.u32 v13, v4;
	v5 =	vand.u32 $0x78, v9;
	v3 =	vand.u32 $0x6, v9;
	v25 =	vld [tilespmem:s24+$0x0]  }
0x2bb: {  	v9 =	vand.u32 $0x78, v17;
	v17 =	vand.u32 $0x78, v22;
	v28 =	vadd.s32 v0, v8;
	v7 =	vld [tilespmem:s24+$0xFFFFFFA0];
	[tilespmem:v16+s21+$0x0] =	vst.idx.msk $0xffff, v10  }
0x2bc: {  	v13 =	vadd.s32 v2, v8;
	v24 =	vand.u32 $0x78, v15;
	v10 =	vor.u32 v12, v20;
	[tilespmem:v19+s21+$0x0] =	vst.idx.msk $0xffff, v21;
	v19 =	vld [tilespmem:s24+$0xFFFFFFC0]  }
0x2bd: {  	s25 =	simm.s32 $0xA8F0;
	v16 =	vand.u32 $0x5, v22;
	v20 =	vadd.s32 v17, v28;
	[tilespmem:v14+s21+$0x0] =	vst.idx.msk $0xffff, v26;
	v22 =	vld [tilespmem:s24+$0xFFFFFFD0];
	v12 =	vand.u32 $0x4, v15  }
0x2be: {  	v8 =	vld [tilespmem:s25+$0xFFFFFF90];
	v14 =	vadd.s32 v24, v28;
	v26 =	vadd.s32 v9, v28;
	v15 =	vadd.s32 v5, v28  }
0x2bf: {  	s0 =	simm.s32 $0xA970;
	s26 =	simm.s32 $0x8;
	v21 =	vld [tilespmem:s24+$0xFFFFFFE0];
	[tilespmem:v27+s21+$0x0] =	vst.idx.msk $0xffff, v25;
	v18 =	vor.u32 v12, v14;
	v14 =	vor.u32 v6, v26  }
.LBB2_36:
0x2c0: {  	s1 =	sshrl.u32 s26, $0x5  }
0x2c1: {  	v25 =	vld [tilespmem:s0+$0xFFFFFF90];
	s5 =	sadd.s32 $0x2, s26;
	s6 =	sadd.s32 $0x3, s26;
	v24 =	vadd.s32 v24, v13;
	v17 =	vadd.s32 v17, v13;
	v26 =	vadd.s32 v5, v13;
	s8 =	smov.u32 s26  }
0x2c2: {  	p0 =	slt.u32 s26, $0x1FC;
	s26 =	sadd.s32 $0x4, s26;
	s1 =	sand.u32 $0xC, s1;
	v27 =	vmov s5;
	v28 =	vmov s6;
	v17 =	vor.u32 v16, v17;
	v29 =	vld [tilespmem:s25+$0xFFFFFFF0];
	[tilespmem:v23+s21+$0x0] =	vst.idx.msk $0xffff, v22  }
0x2c3: {  	v13 =	vadd.s32 v9, v13;
	v22 =	vmov s1;
	v5 =	vand.u32 $0x78, v27;
	v30 =	vld [tilespmem:s25+$0x0];
	[tilespmem:v4+s21+$0x0] =	vst.idx.msk $0xffff, v19;
	v4 =	vmovc v17  }
0x2c4: {  	v32 =	vor.u32 v16, v20;
	v19 =	vand.u32 $0x7, v28;
	v17 =	vmul.u32 $0x440, v22;
	v31 =	vld [tilespmem:s25+$0xFFFFFFB0];
	[tilespmem:v11+s21+$0x0] =	vst.idx.msk $0xffff, v7  }
0x2c5: {  	s1 =	sadd.s32 $0x1, s8;
	v16 =	vand.u32 $0x6, v27;
	v9 =	vand.u32 $0x78, v28;
	v27 =	vor.u32 v6, v13;
	v6 =	vmovc v19;
	v7 =	vld [tilespmem:s25+$0xFFFFFFA0];
	[tilespmem:v10+s21+$0x0] =	vst.idx.msk $0xffff, v21  }
0x2c6: {  	v20 =	vmov s1;
	v11 =	vor.u32 v12, v24;
	v13 =	vbroadcast v17, $0x0;
	[tilespmem:v18+s21+$0x0] =	vst.idx.msk $0xffff, v8;
	v8 =	vmovc v25  }
.Ltmp17:
0x2c7: {  	v12 =	vmov s8;
	v10 =	vor.u32 v3, v26;
	v17 =	vand.u32 $0x78, v20;
	v22 =	vld [tilespmem:s25+$0xFFFFFFD0];
	[tilespmem:v14+s21+$0x0] =	vst.idx.msk $0xffff, v29;
	(pc) =	sbr.rel @p0 .LBB2_36-.Ltmp17, $4  }
0x2c8: {  	v23 =	vor.u32 v3, v15;
	v3 =	vmovc v16;
	v14 =	vadd.s32 v0, v13;
	v13 =	vadd.s32 v2, v13;
	v19 =	vld [tilespmem:s25+$0xFFFFFFC0]  }
0x2c9: {  	v24 =	vand.u32 $0x78, v12;
	v16 =	vand.u32 $0x5, v20;
	v20 =	vadd.s32 v17, v14;
	[tilespmem:v32+s21+$0x0] =	vst.idx.msk $0xffff, v31  }
0x2ca: {  	v12 =	vand.u32 $0x4, v12;
	v15 =	vadd.s32 v24, v14;
	v25 =	vadd.s32 v9, v14;
	v21 =	vld [tilespmem:s25+$0xFFFFFFE0];
	[tilespmem:v27+s21+$0x0] =	vst.idx.msk $0xffff, v30;
	s25 =	smov.u32 s0  }
0x2cb: {  	v18 =	vor.u32 v12, v15;
	v15 =	vadd.s32 v5, v14;
	v14 =	vor.u32 v6, v25;
	s0 =	sadd.s32 $0x80, s0  }
0x2cc: {  	_ =	sdelay $0x2  }
0x2cd: {  	v25 =	vld [tilespmem:s25+$0xFFFFFFF0]  }
0x2ce: {  	[tilespmem:v23+s21+$0x0] =	vst.idx.msk $0xffff, v22;
	v55 =	vld [tilespmem:s25+$0xFFFFFFB0]  }
0x2cf: {  	v56 =	vor.u32 v16, v20;
	[tilespmem:v11+s21+$0x0] =	vst.idx.msk $0xffff, v7;
	v57 =	vld [tilespmem:s25+$0xFFFFFFA0]  }
0x2d0: {  	v9 =	vadd.s32 v9, v13;
	v59 =	vld [tilespmem:s25+$0xFFFFFFD0];
	v60 =	vor.u32 v3, v15;
	[tilespmem:v18+s21+$0x0] =	vst.idx.msk $0xffff, v8  }
0x2d1: {  	v54 =	vld [tilespmem:s25+$0x0];
	v58 =	vadd.s32 v17, v13;
	[tilespmem:v4+s21+$0x0] =	vst.idx.msk $0xffff, v19;
	v6 =	vor.u32 v6, v9  }
0x2d2: {  	v61 =	vadd.s32 v24, v13;
	v62 =	vld [tilespmem:s25+$0xFFFFFFC0];
	v9 =	vor.u32 v16, v58;
	[tilespmem:v10+s21+$0x0] =	vst.idx.msk $0xffff, v21  }
0x2d3: {  	v5 =	vadd.s32 v5, v13;
	v12 =	vor.u32 v12, v61;
	[tilespmem:v14+s21+$0x0] =	vst.idx.msk $0xffff, v25  }
0x2d4: {  	v63 =	vld [tilespmem:s25+$0xFFFFFFE0];
	v3 =	vor.u32 v3, v5;
	[tilespmem:v56+s21+$0x0] =	vst.idx.msk $0xffff, v55  }
0x2d5: {  	[tilespmem:v60+s21+$0x0] =	vst.idx.msk $0xffff, v59  }
0x2d6: {  	[tilespmem:v6+s21+$0x0] =	vst.idx.msk $0xffff, v54  }
0x2d7: {  	[tilespmem:v9+s21+$0x0] =	vst.idx.msk $0xffff, v62  }
0x2d8: {  	[tilespmem:v12+s21+$0x0] =	vst.idx.msk $0xffff, v57  }
0x2d9: {  	[tilespmem:v3+s21+$0x0] =	vst.idx.msk $0xffff, v63  }
0x2da: {  	_ =	swait.ge [sflag:s23], $0x4000  }
0x2db: {  	[sflag:s23] =	ssyncset.done $0x0  }
0x2dc: {  	s0 =	simm.s32 $0x12C00;
	s6 =	rddreg [dreg:$0x8];
	[sflag:s23] =	ssyncadd.s32 $0xFFFFC000  }
0x2dd: {  	[hbm4b:s6+s3] =	stream.linear.scatter [tilespmem:s0], [sflag:$0x4], $0x80, $0x38;
	[tilespmem:$0x17000] =	vst v63  }
0x2de: {  	s14 =	simm.s32 $0x12C88;
	s1 =	sadd.s32 $0x10, s6  }
0x2df: {  	[hbm4b:s1+s3] =	stream.linear.scatter [tilespmem:s14], [sflag:$0x4], $0x80, $0x38;
	[tilespmem:$0x17000] =	vst v63  }
0x2e0: {  	s15 =	simm.s32 $0x12D10;
	s17 =	simm.s32 $0x12D98;
	s16 =	sadd.s32 $0x20, s6  }
0x2e1: {  	[hbm4b:s16+s3] =	stream.linear.scatter [tilespmem:s15], [sflag:$0x4], $0x80, $0x38;
	[tilespmem:$0x17000] =	vst v63  }
0x2e2: {  	s25 =	simm.s32 $0x12E20;
	s28 =	simm.s32 $0x12EA8;
	s24 =	sadd.s32 $0x30, s6  }
0x2e3: {  	[hbm4b:s24+s3] =	stream.linear.scatter [tilespmem:s17], [sflag:$0x4], $0x80, $0x38;
	[tilespmem:$0x17000] =	vst v63  }
0x2e4: {  	s30 =	simm.s32 $0x12F30;
	s5 =	simm.s32 $0x12FB8;
	s26 =	sadd.s32 $0x40, s6  }
0x2e5: {  	[hbm4b:s26+s3] =	stream.linear.scatter [tilespmem:s25], [sflag:$0x4], $0x80, $0x38;
	[tilespmem:$0x17000] =	vst v63  }
0x2e6: {  	s29 =	sadd.s32 $0x50, s6;
	s31 =	sadd.s32 $0x60, s6;
	s11 =	sadd.s32 $0x70, s6  }
0x2e7: {  	[hbm4b:s29+s3] =	stream.linear.scatter [tilespmem:s28], [sflag:$0x4], $0x80, $0x38;
	[tilespmem:$0x17000] =	vst v63  }
0x2e8: {  	s0 =	simm.s32 $0x440;
	s1 =	simm.s32 $0x2200;
	s25 =	sadd.s32 $0x1000, s6  }
0x2e9: {  	[hbm4b:s31+s3] =	stream.linear.scatter [tilespmem:s30], [sflag:$0x4], $0x80, $0x38;
	[tilespmem:$0x17000] =	vst v63  }
.LBB2_38:
0x2ea: {  	[hbm4b:s11+s3] =	stream.linear.scatter [tilespmem:s5], [sflag:$0x4], $0x80, $0x38;
	[tilespmem:$0x17000] =	vst v63  }
0x2eb: {  	s5 =	smov.u32 s0;
	s0 =	smov.u32 s1  }
0x2ec: {  	s6 =	sadd.s32 $0x1100, s1;
	s0 =	sshra.s32 s0, $0x2;
	s8 =	sadd.s32 $0x12C00, s5  }
0x2ed: {  	[hbm4b:s25+s3] =	stream.linear.scatter [tilespmem:s8], [sflag:$0x4], $0x80, $0x38;
	[tilespmem:$0x17000] =	vst v63  }
0x2ee: {  	p0 =	sne.s32 s1, $0xFF00;
	s1 =	sadd.s32 $0x12C88, s5;
	s8 =	sadd.s32 $0x10, s25  }
0x2ef: {  	[hbm4b:s8+s3] =	stream.linear.scatter [tilespmem:s1], [sflag:$0x4], $0x80, $0x38;
	[tilespmem:$0x17000] =	vst v63  }
0x2f0: {  	s1 =	sadd.s32 $0x12D10, s5;
	s8 =	sadd.s32 $0x20, s25  }
0x2f1: {  	[hbm4b:s8+s3] =	stream.linear.scatter [tilespmem:s1], [sflag:$0x4], $0x80, $0x38;
	[tilespmem:$0x17000] =	vst v63  }
0x2f2: {  	s1 =	sadd.s32 $0x12D98, s5;
	s8 =	sadd.s32 $0x30, s25  }
0x2f3: {  	[hbm4b:s8+s3] =	stream.linear.scatter [tilespmem:s1], [sflag:$0x4], $0x80, $0x38;
	[tilespmem:$0x17000] =	vst v63  }
0x2f4: {  	s1 =	sadd.s32 $0x12E20, s5;
	s8 =	sadd.s32 $0x40, s25  }
0x2f5: {  	[hbm4b:s8+s3] =	stream.linear.scatter [tilespmem:s1], [sflag:$0x4], $0x80, $0x38;
	[tilespmem:$0x17000] =	vst v63  }
.Ltmp18:
0x2f6: {  	s1 =	sadd.s32 $0x12EA8, s5;
	s8 =	sadd.s32 $0x50, s25;
	(pc) =	sbr.rel @p0 .LBB2_38-.Ltmp18, $4  }
0x2f7: {  	[hbm4b:s8+s3] =	stream.linear.scatter [tilespmem:s1], [sflag:$0x4], $0x80, $0x38;
	[tilespmem:$0x17000] =	vst v63  }
0x2f8: {  	s11 =	sadd.s32 $0x70, s25;
	s1 =	sadd.s32 $0x12F30, s5;
	s8 =	sadd.s32 $0x60, s25  }
0x2f9: {  	[hbm4b:s8+s3] =	stream.linear.scatter [tilespmem:s1], [sflag:$0x4], $0x80, $0x38;
	[tilespmem:$0x17000] =	vst v63  }
0x2fa: {  	s5 =	sadd.s32 $0x12FB8, s5;
	s25 =	sadd.s32 $0x1000, s25;
	s1 =	smov.u32 s6  }
0x2fb: {  	[hbm4b:s11+s3] =	stream.linear.scatter [tilespmem:s5], [sflag:$0x4], $0x80, $0x38;
	[tilespmem:$0x17000] =	vst v63  }
0x2fc: {  	s1 =	sadd.s32 $0x12C00, s0  }
0x2fd: {  	[hbm4b:s25+s3] =	stream.linear.scatter [tilespmem:s1], [sflag:$0x4], $0x80, $0x38;
	[tilespmem:$0x17000] =	vst v63  }
0x2fe: {  	s6 =	sadd.s32 $0x12C88, s0;
	s8 =	sadd.s32 $0x10, s25  }
0x2ff: {  	[hbm4b:s8+s3] =	stream.linear.scatter [tilespmem:s6], [sflag:$0x4], $0x80, $0x38;
	[tilespmem:$0x17000] =	vst v63  }
0x300: {  	s9 =	sadd.s32 $0x12D10, s0;
	s10 =	sadd.s32 $0x20, s25  }
0x301: {  	[hbm4b:s10+s3] =	stream.linear.scatter [tilespmem:s9], [sflag:$0x4], $0x80, $0x38;
	[tilespmem:$0x17000] =	vst v63  }
0x302: {  	s11 =	sadd.s32 $0x12D98, s0;
	s12 =	sadd.s32 $0x30, s25  }
0x303: {  	[hbm4b:s12+s3] =	stream.linear.scatter [tilespmem:s11], [sflag:$0x4], $0x80, $0x38;
	[tilespmem:$0x17000] =	vst v63  }
0x304: {  	s14 =	sadd.s32 $0x12E20, s0;
	s15 =	sadd.s32 $0x40, s25  }
0x305: {  	[hbm4b:s15+s3] =	stream.linear.scatter [tilespmem:s14], [sflag:$0x4], $0x80, $0x38;
	[tilespmem:$0x17000] =	vst v63  }
0x306: {  	s16 =	sadd.s32 $0x12EA8, s0;
	s17 =	sadd.s32 $0x50, s25  }
0x307: {  	[hbm4b:s17+s3] =	stream.linear.scatter [tilespmem:s16], [sflag:$0x4], $0x80, $0x38;
	[tilespmem:$0x17000] =	vst v63  }
0x308: {  	s24 =	sadd.s32 $0x12F30, s0;
	s26 =	sadd.s32 $0x60, s25  }
0x309: {  	[hbm4b:s26+s3] =	stream.linear.scatter [tilespmem:s24], [sflag:$0x4], $0x80, $0x38;
	[tilespmem:$0x17000] =	vst v63  }
0x30a: {  	s28 =	sadd.s32 $0x12FB8, s0;
	s29 =	sadd.s32 $0x70, s25  }
0x30b: {  	[hbm4b:s29+s3] =	stream.linear.scatter [tilespmem:s28], [sflag:$0x4], $0x80, $0x38;
	[tilespmem:$0x17000] =	vst v63  }
0x30c: {  	_ =	swait.ge [sflag:s22], $0x4000  }
0x30d: {  	[sflag:s22] =	ssyncset.done $0x0  }
0x30e: {  	[sflag:s22] =	ssyncadd.s32 $0xFFFFC000  }
0x30f: {  	_ =	swait.ge [sflag:s23], $0x4000  }
0x310: {  	s30 =	rddreg [dreg:$0xa]  }
0x311: {  	s31 =	rddreg [dreg:$0x9];
	s1 =	sadd.s32 $0x1, s30  }
0x312: {  	p0 =	sne.s32 s1, s31  }
.Ltmp19:
0x313: {  	_ = 	snop;
	(pc) =	sbr.rel @p0 .LBB2_1-.Ltmp19, $3  }
0x314: {  	_ =	sdelay $0x1  }
0x315: {  	[sflag:s23] =	ssyncset.done $0x0  }
0x316: {  	[sflag:s23] =	ssyncadd.s32 $0xFFFFC000  }
0x317: {  	_ =	sfence.sel $0x180000  }
0x318: {  	[bflag:$0x0] =	sbarrier.arrive $0xFFFF  }
0x319: {  	_ =	strace $0x90000047  }
0x31a: {  	s0 =	stileid.u32;
	[bflag:$0x2] =	sbarrier.arrive $0xFFFF  }
0x31b: {  	p0 =	sne.s32 s0, $0x0;
	s0 =	rddreg [dreg:$0x3]  }
0x31c: {  	s0 =	sadd.s32 @!p0 $0x100000, s0  }
0x31d: {  	[sflag:s0] =	ssyncadd.tile.s32 @!p0 $0x1;
	_ =	shalt  }
.Lfunc_end2:
_tile_overlayer_lowered:
.L_overlay_start_2:
0x31e: {  	(tag) =	ssettag $0x2  }
0x31f: {  	s0 =	rddreg [dreg:$0x0];
	s2 =	stileid.u32  }
0x320: {  	s1 =	rddreg [dreg:$0x1];
	p0 =	sne.s32 s2, $0x0  }
0x321: {  	s3 =	rddreg [dreg:$0x2];
	[bflag:$0x3] =	sbarrier.arrive $0xFFFF;
	s2 =	simm.s32 @!p0 $0x1C05  }
0x322: {  	[timem:s3], [sflag:s2] =	dma.local @!p0 [hbm:s0], s1  }
0x323: {  	s0 =	simm.s32 @!p0 $0x5  }
0x324: {  	_ =	swait.ge @!p0 [sflag:s0], s1  }
0x325: {  	s1 =	ssub.s32 @!p0 $0x0, s1;
	[sflag:s0] =	ssyncset.done @!p0 $0x0  }
0x326: {  	[sflag:s0] =	ssyncadd.s32 @!p0 s1  }
0x327: {  	[bflag:$0x3] =	sbarrier.arrive $0xFFFF  }
0x328: {  	_ =	shalt  }

</sc_bundles>
